<compile_context>
chip_gen: v7x
topology: tpu7x:2x2x1
jax: 0.10.2.dev20260603
libtpu: 0.0.44.dev20260713+nightly
codegen_flags: <defaults>
</compile_context>

<pallas_src>
import functools

import jax
import jax.numpy as jnp
from jax import lax
from jax.experimental import pallas as pl
from jax.experimental.pallas import tpu as pltpu
from jax.experimental.pallas import tpu_sc as plsc

B, P = 4, 256
C1, C2 = P // 2, P // 8
R1, R2 = 0.2, 0.4
NEG = -1e9
THRESH = -5e8


_DNUMS = lax.GatherDimensionNumbers(
    offset_dims=(), collapsed_slice_dims=(0,), start_index_map=(0,))


def _take16(v, lanev):
    return lax.gather(v, lanev[:, None], _DNUMS, (1,),
                      mode=lax.GatherScatterMode.PROMISE_IN_BOUNDS)


def _allmax(v, iota):
    for s in (8, 4, 2, 1):
        v = jnp.maximum(v, _take16(v, iota ^ s))
    return v


def _allmin_i32(v, iota):
    for s in (8, 4, 2, 1):
        v = jnp.minimum(v, _take16(v, iota ^ s))
    return v


def _lane_write(ref, i, lanev, iota, val_splat):
    base = pl.multiple_of((i // 16) * 16, 16)
    old = ref[pl.ds(base, 16)]
    ref[pl.ds(base, 16)] = jnp.where(iota == lanev, val_splat, old)


def _fps_sc_level(pts, npts, n, sel_ref, ox, oy, oz):
    nch = npts // 16
    iota = lax.iota(jnp.int32, 16)
    q0x = _take16(pts[0][pl.ds(0, 16)], jnp.zeros((16,), jnp.int32))
    q0y = _take16(pts[1][pl.ds(0, 16)], jnp.zeros((16,), jnp.int32))
    q0z = _take16(pts[2][pl.ds(0, 16)], jnp.zeros((16,), jnp.int32))
    dist0 = []
    acc0 = None
    for k in range(nch):
        dx = pts[0][pl.ds(16 * k, 16)] - q0x
        dy = pts[1][pl.ds(16 * k, 16)] - q0y
        dz = pts[2][pl.ds(16 * k, 16)] - q0z
        d = dx * dx + dy * dy + dz * dz
        dist0.append(d)
        acc0 = d if acc0 is None else jnp.maximum(acc0, d)
    sel_ref[pl.ds(0, 16)] = jnp.zeros((16,), jnp.float32)
    ox[pl.ds(0, 16)] = jnp.where(iota == 0, q0x, 0.0)
    oy[pl.ds(0, 16)] = jnp.where(iota == 0, q0y, 0.0)
    oz[pl.ds(0, 16)] = jnp.where(iota == 0, q0z, 0.0)

    def body(i, carry):
        iv, acc = carry[0], carry[1]
        dist = carry[2:]
        m = _allmax(acc, iota)
        accid = jnp.full((16,), npts, jnp.int32)
        for k in range(nch):
            cand = jnp.where(dist[k] == m, iota + (16 * k), npts)
            accid = jnp.minimum(accid, cand)
        nxtv = _allmin_i32(accid, iota)
        nxt_s = nxtv[0]
        base = pl.multiple_of((nxt_s // 16) * 16, 16)
        lanev = nxtv & 15
        qx = _take16(pts[0][pl.ds(base, 16)], lanev)
        qy = _take16(pts[1][pl.ds(base, 16)], lanev)
        qz = _take16(pts[2][pl.ds(base, 16)], lanev)
        newdist = []
        newacc = None
        for k in range(nch):
            dx = pts[0][pl.ds(16 * k, 16)] - qx
            dy = pts[1][pl.ds(16 * k, 16)] - qy
            dz = pts[2][pl.ds(16 * k, 16)] - qz
            d2 = dx * dx + dy * dy + dz * dz
            nd = jnp.minimum(dist[k], d2)
            newdist.append(nd)
            newacc = nd if newacc is None else jnp.maximum(newacc, nd)
        ilane = iv & 15
        _lane_write(sel_ref, i, ilane, iota, nxtv.astype(jnp.float32))
        _lane_write(ox, i, ilane, iota, qx)
        _lane_write(oy, i, ilane, iota, qy)
        _lane_write(oz, i, ilane, iota, qz)
        return (iv + 1, newacc) + tuple(newdist)

    lax.fori_loop(1, n, body,
                  (jnp.ones((16,), jnp.int32), acc0) + tuple(dist0))


def _fps_sc(posTb):
    mesh = plsc.VectorSubcoreMesh(core_axis_name="c", subcore_axis_name="s")
    f32 = jnp.float32

    @functools.partial(
        pl.kernel,
        mesh=mesh,
        out_type=[
            jax.ShapeDtypeStruct((B * C1,), f32),
            jax.ShapeDtypeStruct((B * C1,), f32),
            jax.ShapeDtypeStruct((B * C1,), f32),
            jax.ShapeDtypeStruct((B * C1,), f32),
            jax.ShapeDtypeStruct((B * C2,), f32),
            jax.ShapeDtypeStruct((B * C2,), f32),
            jax.ShapeDtypeStruct((B * C2,), f32),
            jax.ShapeDtypeStruct((B * C2,), f32),
        ],
        scratch_types=[
            pltpu.VMEM((P,), f32),
            pltpu.VMEM((P,), f32),
            pltpu.VMEM((P,), f32),
            pltpu.VMEM((C1,), f32),
            pltpu.VMEM((C1,), f32),
            pltpu.VMEM((C1,), f32),
            pltpu.VMEM((C1,), f32),
            pltpu.VMEM((C2,), f32),
            pltpu.VMEM((C2,), f32),
            pltpu.VMEM((C2,), f32),
            pltpu.VMEM((C2,), f32),
        ],
    )
    def fps_kernel(pos_hbm, sel1_o, cx1_o, cy1_o, cz1_o, sel2_o, c2x_o,
                   c2y_o, c2z_o, px, py, pz, sel1, cx, cy, cz,
                   sel2, c2x, c2y, c2z):
        wid = lax.axis_index("s") * 2 + lax.axis_index("c")

        @pl.when(wid < B)
        def _():
            pltpu.sync_copy(pos_hbm.at[pl.ds(wid * (3 * P), P)], px)
            pltpu.sync_copy(pos_hbm.at[pl.ds(wid * (3 * P) + P, P)], py)
            pltpu.sync_copy(pos_hbm.at[pl.ds(wid * (3 * P) + 2 * P, P)], pz)
            _fps_sc_level([px, py, pz], P, C1, sel1, cx, cy, cz)
            _fps_sc_level([cx, cy, cz], C1, C2, sel2, c2x, c2y, c2z)

            pltpu.sync_copy(sel1, sel1_o.at[pl.ds(wid * C1, C1)])
            pltpu.sync_copy(cx, cx1_o.at[pl.ds(wid * C1, C1)])
            pltpu.sync_copy(cy, cy1_o.at[pl.ds(wid * C1, C1)])
            pltpu.sync_copy(cz, cz1_o.at[pl.ds(wid * C1, C1)])
            pltpu.sync_copy(sel2, sel2_o.at[pl.ds(wid * C2, C2)])
            pltpu.sync_copy(c2x, c2x_o.at[pl.ds(wid * C2, C2)])
            pltpu.sync_copy(c2y, c2y_o.at[pl.ds(wid * C2, C2)])
            pltpu.sync_copy(c2z, c2z_o.at[pl.ds(wid * C2, C2)])

    outs = fps_kernel(posTb.reshape(-1))
    sel1, cx1, cy1, cz1 = (o.reshape(B, C1) for o in outs[:4])
    sel2, cx2, cy2, cz2 = (o.reshape(B, C2) for o in outs[4:])
    return sel1, cx1, cy1, cz1, sel2, cx2, cy2, cz2


def _stage1_body(pos_ref, posT_ref, cen1_ref, w1_ref, b1_ref, w2a_ref, b2_ref,
                 x1_ref):
    pos2 = pos_ref[0]
    posT2 = posT_ref[0]
    cen4 = cen1_ref[0]
    cen3 = cen4[:, 0:3]
    w1 = w1_ref[...]
    a = jnp.dot(pos2, w1, preferred_element_type=jnp.float32)
    d = jnp.dot(cen3, w1, preferred_element_type=jnp.float32)
    pre = (a + b1_ref[...])[None, :, :] - d[:, None, :]
    h = jax.nn.relu(pre)

    dx = posT2[0:1, :] - cen4[:, 0:1]
    dy = posT2[1:2, :] - cen4[:, 1:2]
    dz = posT2[2:3, :] - cen4[:, 2:3]
    sq = dx * dx + dy * dy + dz * dz
    jidx = jax.lax.broadcasted_iota(jnp.int32, (C1, P), 1)
    mask = (sq < R1 * R1) & (jidx != cen4[:, 3:4].astype(jnp.int32))
    pen = jnp.where(mask, 0.0, NEG).astype(jnp.bfloat16)[:, :, None]
    msg = jnp.dot(h.reshape(C1 * P, 64).astype(jnp.bfloat16),
                  w2a_ref[...].astype(jnp.bfloat16),
                  preferred_element_type=jnp.float32).astype(jnp.bfloat16)
    msgm = msg.reshape(C1, P, 128) + pen
    m1 = jnp.max(msgm, axis=1)
    b2_16 = b2_ref[...].astype(jnp.bfloat16)
    x1_ref[0] = jnp.where(m1 > THRESH, m1 + b2_16,
                          jnp.bfloat16(0.0))


def _stage2_body(x1_ref, cen1_ref, cen1T_ref, cen2_ref, w21a_ref, w21b_ref,
                 b21_ref, w22a_ref, b22_ref, out_ref):
    x1 = x1_ref[0]
    cen4 = cen1_ref[0]
    cen1T2 = cen1T_ref[0]
    cen3 = cen4[:, 0:3]
    cen24 = cen2_ref[0]
    w21b = w21b_ref[...]
    u = (jnp.dot(x1, w21a_ref[...].astype(jnp.bfloat16),
                 preferred_element_type=jnp.float32)
         + jnp.dot(cen3, w21b, preferred_element_type=jnp.float32)
         + b21_ref[...])
    v = jnp.dot(cen24[:, 0:3], w21b, preferred_element_type=jnp.float32)
    u16 = u.astype(jnp.bfloat16)
    v16 = v.astype(jnp.bfloat16)
    pre2 = u16[None, :, :] - v16[:, None, :]
    h2 = jax.nn.relu(pre2)

    dx2 = cen1T2[0:1, :] - cen24[:, 0:1]
    dy2 = cen1T2[1:2, :] - cen24[:, 1:2]
    dz2 = cen1T2[2:3, :] - cen24[:, 2:3]
    sq2 = dx2 * dx2 + dy2 * dy2 + dz2 * dz2
    jidx2 = jax.lax.broadcasted_iota(jnp.int32, (C2, C1), 1)
    mask2 = (sq2 < R2 * R2) & (jidx2 != cen24[:, 3:4].astype(jnp.int32))
    pen2 = jnp.where(mask2, 0.0, NEG).astype(jnp.bfloat16)[:, :, None]
    msg2 = jnp.dot(h2.reshape(C2 * C1, 256), w22a_ref[...].astype(jnp.bfloat16),
                   preferred_element_type=jnp.float32).astype(jnp.bfloat16)
    msgm2 = msg2.reshape(C2, C1, 512) + pen2
    m2 = jnp.max(msgm2, axis=1).astype(jnp.float32)
    x2 = jnp.where(m2 > THRESH, m2 + b22_ref[...], 0.0)
    out_ref[0, 0] = jnp.max(x2, axis=0)


def kernel(pos, batch, sa1_W1, sa1_b1, sa1_W2, sa1_b2, sa2_W1, sa2_b1,
           sa2_W2, sa2_b2):
    del batch
    pos_b = pos.reshape(B, P, 3)
    posTb = jnp.transpose(pos_b, (0, 2, 1))

    sel1, cx1, cy1, cz1, sel2, cx2, cy2, cz2 = _fps_sc(posTb)
    cen1aug = jnp.stack([cx1, cy1, cz1, sel1], axis=-1)
    cen2aug = jnp.stack([cx2, cy2, cz2, sel2], axis=-1)

    x1 = pl.pallas_call(
        _stage1_body,
        grid=(B,),
        in_specs=[
            pl.BlockSpec((1, P, 3), lambda b: (b, 0, 0)),
            pl.BlockSpec((1, 3, P), lambda b: (b, 0, 0)),
            pl.BlockSpec((1, C1, 4), lambda b: (b, 0, 0)),
            pl.BlockSpec((3, 64), lambda b: (0, 0)),
            pl.BlockSpec((1, 64), lambda b: (0, 0)),
            pl.BlockSpec((64, 128), lambda b: (0, 0)),
            pl.BlockSpec((1, 128), lambda b: (0, 0)),
        ],
        out_specs=pl.BlockSpec((1, C1, 128), lambda b: (b, 0, 0)),
        out_shape=jax.ShapeDtypeStruct((B, C1, 128), jnp.bfloat16),
    )(pos_b, posTb, cen1aug, sa1_W1, sa1_b1.reshape(1, 64), sa1_W2,
      sa1_b2.reshape(1, 128))

    out = pl.pallas_call(
        _stage2_body,
        grid=(B,),
        in_specs=[
            pl.BlockSpec((1, C1, 128), lambda b: (b, 0, 0)),
            pl.BlockSpec((1, C1, 4), lambda b: (b, 0, 0)),
            pl.BlockSpec((1, 3, C1), lambda b: (b, 0, 0)),
            pl.BlockSpec((1, C2, 4), lambda b: (b, 0, 0)),
            pl.BlockSpec((128, 256), lambda b: (0, 0)),
            pl.BlockSpec((3, 256), lambda b: (0, 0)),
            pl.BlockSpec((1, 256), lambda b: (0, 0)),
            pl.BlockSpec((256, 512), lambda b: (0, 0)),
            pl.BlockSpec((1, 512), lambda b: (0, 0)),
        ],
        out_specs=pl.BlockSpec((1, 1, 512), lambda b: (b, 0, 0)),
        out_shape=jax.ShapeDtypeStruct((B, 1, 512), jnp.float32),
    )(x1, cen1aug, jnp.stack([cx1, cy1, cz1], axis=1), cen2aug,
      sa2_W1[:128], sa2_W1[128:], sa2_b1.reshape(1, 256), sa2_W2,
      sa2_b2.reshape(1, 512))

    return out.reshape(B, 512)

# --- scband reference (transcript-rebuilt; emitter-appended) ---
"""Pipeline reference for scband-point-net2-encoder-59940563583542 (READ-ONLY COPY).

The authoritative reference and input builder live on the scoring server;
editing this copy changes nothing except your own understanding.
"""

import jax, jax.numpy as jnp
import numpy as np

B, P = 4, 256
C1, C2 = P // 2, P // 8
R1, R2 = 0.2, 0.4


def _fps(p, n):
    # farthest point sampling, deterministic start at index 0. p: [N,3] -> int32[n]
    sel0 = jnp.zeros((n,), dtype=jnp.int32)
    d0 = jnp.sum((p - p[0]) ** 2, axis=-1)
    def body(i, state):
        sel, dist = state
        nxt = jnp.argmax(dist).astype(jnp.int32)
        sel = sel.at[i].set(nxt)
        dist = jnp.minimum(dist, jnp.sum((p - p[nxt]) ** 2, axis=-1))
        return (sel, dist)
    sel, _ = jax.lax.fori_loop(1, n, body, (sel0, d0))
    return sel


def setup_inputs(seed: int = 0):
    key = jax.random.key(seed)
    ks = jax.random.split(key, 9)
    pos = jax.random.uniform(ks[0], (B * P, 3), dtype=jnp.float32)
    batch = jnp.repeat(jnp.arange(B, dtype=jnp.int32), P)
    def lin(k, fi, fo):
        return jax.random.normal(k, (fi, fo), dtype=jnp.float32) / np.sqrt(fi)
    return {
        'pos': pos,
        'batch': batch,
        'sa1_W1': lin(ks[1], 3, 64), 'sa1_b1': jnp.zeros((64,), jnp.float32),
        'sa1_W2': lin(ks[2], 64, 128), 'sa1_b2': jnp.zeros((128,), jnp.float32),
        'sa2_W1': lin(ks[3], 128 + 3, 256), 'sa2_b1': jnp.zeros((256,), jnp.float32),
        'sa2_W2': lin(ks[4], 256, 512), 'sa2_b2': jnp.zeros((512,), jnp.float32),
    }


def _forward(pos, sa1_W1, sa1_b1, sa1_W2, sa1_b2, sa2_W1, sa2_b1, sa2_W2, sa2_b2):
    neg = jnp.float32(-1e9)
    pos_b = pos.reshape(B, P, 3)
    pos_sg = jax.lax.stop_gradient(pos_b)
    # ---- SA level 1: fps(ratio=0.5), radius_graph(r=0.2), PointNetConv(x=None), max aggr ----
    idx1 = jax.vmap(lambda p: _fps(p, C1))(pos_sg)                       # [B,C1]
    cen1 = jnp.take_along_axis(pos_b, idx1[:, :, None], axis=1)          # [B,C1,3]
    diff1 = pos_b[:, None, :, :] - cen1[:, :, None, :]                   # [B,C1,P,3] pos_j - pos_i
    sq1 = jnp.sum(diff1 * diff1, axis=-1)
    mask1 = (sq1 < R1 * R1) & (jnp.arange(P)[None, None, :] != idx1[:, :, None])
    h1 = jax.nn.relu(diff1 @ sa1_W1 + sa1_b1)
    msg1 = h1 @ sa1_W2 + sa1_b2                                          # [B,C1,P,128]
    m1 = jnp.max(jnp.where(mask1[..., None], msg1, neg), axis=2)
    x1 = jnp.where(jnp.any(mask1, axis=2)[..., None], m1, 0.0)           # [B,C1,128]
    # ---- SA level 2: fps(ratio=0.25), radius_graph(r=0.4), PointNetConv, max aggr ----
    cen1_sg = jax.lax.stop_gradient(cen1)
    idx2 = jax.vmap(lambda p: _fps(p, C2))(cen1_sg)                      # [B,C2]
    cen2 = jnp.take_along_axis(cen1, idx2[:, :, None], axis=1)           # [B,C2,3]
    diff2 = cen1[:, None, :, :] - cen2[:, :, None, :]                    # [B,C2,C1,3]
    sq2 = jnp.sum(diff2 * diff2, axis=-1)
    mask2 = (sq2 < R2 * R2) & (jnp.arange(C1)[None, None, :] != idx2[:, :, None])
    xj = jnp.broadcast_to(x1[:, None, :, :], (B, C2, C1, x1.shape[-1]))
    feat2 = jnp.concatenate([xj, diff2], axis=-1)                        # [B,C2,C1,131]
    h2 = jax.nn.relu(feat2 @ sa2_W1 + sa2_b1)
    msg2 = h2 @ sa2_W2 + sa2_b2                                          # [B,C2,C1,512]
    m2 = jnp.max(jnp.where(mask2[..., None], msg2, neg), axis=2)
    x2 = jnp.where(jnp.any(mask2, axis=2)[..., None], m2, 0.0)           # [B,C2,512]
    # ---- global max pool over each cloud ----
    return jnp.max(x2, axis=1)                                           # [B,512]


def reference(pos, batch, sa1_W1, sa1_b1, sa1_W2, sa1_b2, sa2_W1, sa2_b1, sa2_W2, sa2_b2):
    # batch is sorted with equal-sized clouds of P points; the dense per-cloud
    # computation below is equivalent to segment-wise fps/radius_graph/pooling.
    del batch
    return _forward(pos, sa1_W1, sa1_b1, sa1_W2, sa1_b2, sa2_W1, sa2_b1, sa2_W2, sa2_b2)

if __name__ == "__main__":
    import jax
    _d = setup_inputs()
    print(jax.jit(kernel)(*tuple(_d.values())))

</pallas_src>

<mosaic_0001>
#map = affine_map<(d0, d1) -> (0)>
module attributes {stable_mosaic.version = 14 : i64} {
  func.func @fps_kernel(%arg0: i32, %arg1: i32, %arg2: memref<3072xf32, #tpu.memory_space<hbm>>, %arg3: memref<512xf32, #tpu.memory_space<hbm>>, %arg4: memref<512xf32, #tpu.memory_space<hbm>>, %arg5: memref<512xf32, #tpu.memory_space<hbm>>, %arg6: memref<512xf32, #tpu.memory_space<hbm>>, %arg7: memref<128xf32, #tpu.memory_space<hbm>>, %arg8: memref<128xf32, #tpu.memory_space<hbm>>, %arg9: memref<128xf32, #tpu.memory_space<hbm>>, %arg10: memref<128xf32, #tpu.memory_space<hbm>>, %arg11: memref<256xf32, #tpu.memory_space<vmem>>, %arg12: memref<256xf32, #tpu.memory_space<vmem>>, %arg13: memref<256xf32, #tpu.memory_space<vmem>>, %arg14: memref<128xf32, #tpu.memory_space<vmem>>, %arg15: memref<128xf32, #tpu.memory_space<vmem>>, %arg16: memref<128xf32, #tpu.memory_space<vmem>>, %arg17: memref<128xf32, #tpu.memory_space<vmem>>, %arg18: memref<32xf32, #tpu.memory_space<vmem>>, %arg19: memref<32xf32, #tpu.memory_space<vmem>>, %arg20: memref<32xf32, #tpu.memory_space<vmem>>, %arg21: memref<32xf32, #tpu.memory_space<vmem>>) attributes {dimension_semantics = [#tpu.dimension_semantics<core_parallel>, #tpu.dimension_semantics<subcore_parallel>], iteration_bounds = array<i64: 2, 16>, scalar_prefetch = 0 : i64, scratch_operands = 11 : i64, tpu.core_type = #tpu.core_type<sc_vector_subcore>, window_params = [{transform_indices = #map}, {transform_indices = #map}, {transform_indices = #map}, {transform_indices = #map}, {transform_indices = #map}, {transform_indices = #map}, {transform_indices = #map}, {transform_indices = #map}, {transform_indices = #map}]} {
    %mul3A = arith.constant 2 : i32
    %mul3A_0 = arith.muli %arg1, %mul3A : i32
    %add3A = arith.addi %mul3A_0, %arg0 : i32
    %lt3A = arith.constant 4 : i32
    %lt3A_1 = arith.cmpi slt, %add3A, %lt3A : i32
    %convert_element_type3A = arith.extui %lt3A_1 : i1 to i32
    %cond3A = arith.constant 0 : i32
    %cond3A_2 = arith.cmpi ne, %convert_element_type3A, %cond3A : i32
    scf.if %cond3A_2 {
      %mul3A_3 = arith.constant 768 : i32
      %mul3A_4 = arith.muli %add3A, %mul3A_3 : i32
      "tpu.region"() ({
        %run_scoped3A = tpu.sem_alloc : memref<!tpu.dma_semaphore, #tpu.memory_space<semaphore_mem>>
        %dma_start3A = tpu.memref_slice %arg2[%mul3A_4] : memref<3072xf32, #tpu.memory_space<hbm>> -> memref<256xf32, #tpu.memory_space<hbm>>
        %dma_start3A_586 = tpu.memref_slice %arg2[%mul3A_4] : memref<3072xf32, #tpu.memory_space<hbm>> -> memref<256xf32, #tpu.memory_space<hbm>>
        tpu.enqueue_dma source(%dma_start3A_586 : memref<256xf32, #tpu.memory_space<hbm>>) target(%arg11 : memref<256xf32, #tpu.memory_space<vmem>>) target_semaphore(%run_scoped3A : memref<!tpu.dma_semaphore, #tpu.memory_space<semaphore_mem>>)
        %dma_wait3A = tpu.memref_slice %arg2[%mul3A_4] : memref<3072xf32, #tpu.memory_space<hbm>> -> memref<256xf32, #tpu.memory_space<hbm>>
        %dma_wait3A_587 = tpu.memref_slice %arg2[%mul3A_4] : memref<3072xf32, #tpu.memory_space<hbm>> -> memref<256xf32, #tpu.memory_space<hbm>>
        tpu.wait_dma2 semaphore(%run_scoped3A : memref<!tpu.dma_semaphore, #tpu.memory_space<semaphore_mem>>) src(%dma_wait3A_587 : memref<256xf32, #tpu.memory_space<hbm>>) dst(%arg11 : memref<256xf32, #tpu.memory_space<vmem>>)
        tpu.yield
      }) : () -> ()
      %mul3A_5 = arith.constant 768 : i32
      %mul3A_6 = arith.muli %add3A, %mul3A_5 : i32
      %add3A_7 = arith.constant 256 : i32
      %add3A_8 = arith.addi %mul3A_6, %add3A_7 : i32
      "tpu.region"() ({
        %run_scoped3A = tpu.sem_alloc : memref<!tpu.dma_semaphore, #tpu.memory_space<semaphore_mem>>
        %dma_start3A = tpu.memref_slice %arg2[%add3A_8] : memref<3072xf32, #tpu.memory_space<hbm>> -> memref<256xf32, #tpu.memory_space<hbm>>
        %dma_start3A_586 = tpu.memref_slice %arg2[%add3A_8] : memref<3072xf32, #tpu.memory_space<hbm>> -> memref<256xf32, #tpu.memory_space<hbm>>
        tpu.enqueue_dma source(%dma_start3A_586 : memref<256xf32, #tpu.memory_space<hbm>>) target(%arg12 : memref<256xf32, #tpu.memory_space<vmem>>) target_semaphore(%run_scoped3A : memref<!tpu.dma_semaphore, #tpu.memory_space<semaphore_mem>>)
        %dma_wait3A = tpu.memref_slice %arg2[%add3A_8] : memref<3072xf32, #tpu.memory_space<hbm>> -> memref<256xf32, #tpu.memory_space<hbm>>
        %dma_wait3A_587 = tpu.memref_slice %arg2[%add3A_8] : memref<3072xf32, #tpu.memory_space<hbm>> -> memref<256xf32, #tpu.memory_space<hbm>>
        tpu.wait_dma2 semaphore(%run_scoped3A : memref<!tpu.dma_semaphore, #tpu.memory_space<semaphore_mem>>) src(%dma_wait3A_587 : memref<256xf32, #tpu.memory_space<hbm>>) dst(%arg12 : memref<256xf32, #tpu.memory_space<vmem>>)
        tpu.yield
      }) : () -> ()
      %mul3A_9 = arith.constant 768 : i32
      %mul3A_10 = arith.muli %add3A, %mul3A_9 : i32
      %add3A_11 = arith.constant 512 : i32
      %add3A_12 = arith.addi %mul3A_10, %add3A_11 : i32
      "tpu.region"() ({
        %run_scoped3A = tpu.sem_alloc : memref<!tpu.dma_semaphore, #tpu.memory_space<semaphore_mem>>
        %dma_start3A = tpu.memref_slice %arg2[%add3A_12] : memref<3072xf32, #tpu.memory_space<hbm>> -> memref<256xf32, #tpu.memory_space<hbm>>
        %dma_start3A_586 = tpu.memref_slice %arg2[%add3A_12] : memref<3072xf32, #tpu.memory_space<hbm>> -> memref<256xf32, #tpu.memory_space<hbm>>
        tpu.enqueue_dma source(%dma_start3A_586 : memref<256xf32, #tpu.memory_space<hbm>>) target(%arg13 : memref<256xf32, #tpu.memory_space<vmem>>) target_semaphore(%run_scoped3A : memref<!tpu.dma_semaphore, #tpu.memory_space<semaphore_mem>>)
        %dma_wait3A = tpu.memref_slice %arg2[%add3A_12] : memref<3072xf32, #tpu.memory_space<hbm>> -> memref<256xf32, #tpu.memory_space<hbm>>
        %dma_wait3A_587 = tpu.memref_slice %arg2[%add3A_12] : memref<3072xf32, #tpu.memory_space<hbm>> -> memref<256xf32, #tpu.memory_space<hbm>>
        tpu.wait_dma2 semaphore(%run_scoped3A : memref<!tpu.dma_semaphore, #tpu.memory_space<semaphore_mem>>) src(%dma_wait3A_587 : memref<256xf32, #tpu.memory_space<hbm>>) dst(%arg13 : memref<256xf32, #tpu.memory_space<vmem>>)
        tpu.yield
      }) : () -> ()
      %iota3A = tpu.iota {dimensions = array<i32: 0>} : vector<16xi32>
      %get3A = arith.constant 0 : index
      %get3A_13 = tpu.vector_load %arg11[%get3A] {strides = array<i32>} : memref<256xf32, #tpu.memory_space<vmem>>, vector<16xf32>,
      %get3A_14 = vector.shape_cast %get3A_13 : vector<16xf32> to vector<16xf32>
      %broadcast_in_dim3A = arith.constant 0 : i32
      %broadcast_in_dim3A_15 = vector.broadcast %broadcast_in_dim3A : i32 to vector<16xi32>
      %broadcast_in_dim3A_16 = vector.shape_cast %broadcast_in_dim3A_15 : vector<16xi32> to vector<16x1xi32>
      %gather3A = vector.shape_cast %broadcast_in_dim3A_16 : vector<16x1xi32> to vector<16xi32>
      %gather3A_17 = tpu.dynamic_gather %get3A_14[%gather3A] in [0] : vector<16xf32>, vector<16xi32> -> vector<16xf32>
      %get3A_18 = arith.constant 0 : index
      %get3A_19 = tpu.vector_load %arg12[%get3A_18] {strides = array<i32>} : memref<256xf32, #tpu.memory_space<vmem>>, vector<16xf32>,
      %get3A_20 = vector.shape_cast %get3A_19 : vector<16xf32> to vector<16xf32>
      %broadcast_in_dim3A_21 = arith.constant 0 : i32
      %broadcast_in_dim3A_22 = vector.broadcast %broadcast_in_dim3A_21 : i32 to vector<16xi32>
      %broadcast_in_dim3A_23 = vector.shape_cast %broadcast_in_dim3A_22 : vector<16xi32> to vector<16x1xi32>
      %gather3A_24 = vector.shape_cast %broadcast_in_dim3A_23 : vector<16x1xi32> to vector<16xi32>
      %gather3A_25 = tpu.dynamic_gather %get3A_20[%gather3A_24] in [0] : vector<16xf32>, vector<16xi32> -> vector<16xf32>
      %get3A_26 = arith.constant 0 : index
      %get3A_27 = tpu.vector_load %arg13[%get3A_26] {strides = array<i32>} : memref<256xf32, #tpu.memory_space<vmem>>, vector<16xf32>,
      %get3A_28 = vector.shape_cast %get3A_27 : vector<16xf32> to vector<16xf32>
      %broadcast_in_dim3A_29 = arith.constant 0 : i32
      %broadcast_in_dim3A_30 = vector.broadcast %broadcast_in_dim3A_29 : i32 to vector<16xi32>
      %broadcast_in_dim3A_31 = vector.shape_cast %broadcast_in_dim3A_30 : vector<16xi32> to vector<16x1xi32>
      %gather3A_32 = vector.shape_cast %broadcast_in_dim3A_31 : vector<16x1xi32> to vector<16xi32>
      %gather3A_33 = tpu.dynamic_gather %get3A_28[%gather3A_32] in [0] : vector<16xf32>, vector<16xi32> -> vector<16xf32>
      %get3A_34 = arith.constant 0 : index
      %get3A_35 = tpu.vector_load %arg11[%get3A_34] {strides = array<i32>} : memref<256xf32, #tpu.memory_space<vmem>>, vector<16xf32>,
      %get3A_36 = vector.shape_cast %get3A_35 : vector<16xf32> to vector<16xf32>
      %sub3A = arith.subf %get3A_36, %gather3A_17 : vector<16xf32>
      %get3A_37 = arith.constant 0 : index
      %get3A_38 = tpu.vector_load %arg12[%get3A_37] {strides = array<i32>} : memref<256xf32, #tpu.memory_space<vmem>>, vector<16xf32>,
      %get3A_39 = vector.shape_cast %get3A_38 : vector<16xf32> to vector<16xf32>
      %sub3A_40 = arith.subf %get3A_39, %gather3A_25 : vector<16xf32>
      %get3A_41 = arith.constant 0 : index
      %get3A_42 = tpu.vector_load %arg13[%get3A_41] {strides = array<i32>} : memref<256xf32, #tpu.memory_space<vmem>>, vector<16xf32>,
      %get3A_43 = vector.shape_cast %get3A_42 : vector<16xf32> to vector<16xf32>
      %sub3A_44 = arith.subf %get3A_43, %gather3A_33 : vector<16xf32>
      %mul3A_45 = arith.mulf %sub3A, %sub3A : vector<16xf32>
      %mul3A_46 = arith.mulf %sub3A_40, %sub3A_40 : vector<16xf32>
      %add3A_47 = arith.addf %mul3A_45, %mul3A_46 : vector<16xf32>
      %mul3A_48 = arith.mulf %sub3A_44, %sub3A_44 : vector<16xf32>
      %add3A_49 = arith.addf %add3A_47, %mul3A_48 : vector<16xf32>
      %get3A_50 = arith.constant 16 : index
      %get3A_51 = tpu.vector_load %arg11[%get3A_50] {strides = array<i32>} : memref<256xf32, #tpu.memory_space<vmem>>, vector<16xf32>,
      %get3A_52 = vector.shape_cast %get3A_51 : vector<16xf32> to vector<16xf32>
      %sub3A_53 = arith.subf %get3A_52, %gather3A_17 : vector<16xf32>
      %get3A_54 = arith.constant 16 : index
      %get3A_55 = tpu.vector_load %arg12[%get3A_54] {strides = array<i32>} : memref<256xf32, #tpu.memory_space<vmem>>, vector<16xf32>,
      %get3A_56 = vector.shape_cast %get3A_55 : vector<16xf32> to vector<16xf32>
      %sub3A_57 = arith.subf %get3A_56, %gather3A_25 : vector<16xf32>
      %get3A_58 = arith.constant 16 : index
      %get3A_59 = tpu.vector_load %arg13[%get3A_58] {strides = array<i32>} : memref<256xf32, #tpu.memory_space<vmem>>, vector<16xf32>,
      %get3A_60 = vector.shape_cast %get3A_59 : vector<16xf32> to vector<16xf32>
      %sub3A_61 = arith.subf %get3A_60, %gather3A_33 : vector<16xf32>
      %mul3A_62 = arith.mulf %sub3A_53, %sub3A_53 : vector<16xf32>
      %mul3A_63 = arith.mulf %sub3A_57, %sub3A_57 : vector<16xf32>
      %add3A_64 = arith.addf %mul3A_62, %mul3A_63 : vector<16xf32>
      %mul3A_65 = arith.mulf %sub3A_61, %sub3A_61 : vector<16xf32>
      %add3A_66 = arith.addf %add3A_64, %mul3A_65 : vector<16xf32>
      %max3A = arith.maximumf %add3A_49, %add3A_66 : vector<16xf32>
      %get3A_67 = arith.constant 32 : index
      %get3A_68 = tpu.vector_load %arg11[%get3A_67] {strides = array<i32>} : memref<256xf32, #tpu.memory_space<vmem>>, vector<16xf32>,
      %get3A_69 = vector.shape_cast %get3A_68 : vector<16xf32> to vector<16xf32>
      %sub3A_70 = arith.subf %get3A_69, %gather3A_17 : vector<16xf32>
      %get3A_71 = arith.constant 32 : index
      %get3A_72 = tpu.vector_load %arg12[%get3A_71] {strides = array<i32>} : memref<256xf32, #tpu.memory_space<vmem>>, vector<16xf32>,
      %get3A_73 = vector.shape_cast %get3A_72 : vector<16xf32> to vector<16xf32>
      %sub3A_74 = arith.subf %get3A_73, %gather3A_25 : vector<16xf32>
      %get3A_75 = arith.constant 32 : index
      %get3A_76 = tpu.vector_load %arg13[%get3A_75] {strides = array<i32>} : memref<256xf32, #tpu.memory_space<vmem>>, vector<16xf32>,
      %get3A_77 = vector.shape_cast %get3A_76 : vector<16xf32> to vector<16xf32>
      %sub3A_78 = arith.subf %get3A_77, %gather3A_33 : vector<16xf32>
      %mul3A_79 = arith.mulf %sub3A_70, %sub3A_70 : vector<16xf32>
      %mul3A_80 = arith.mulf %sub3A_74, %sub3A_74 : vector<16xf32>
      %add3A_81 = arith.addf %mul3A_79, %mul3A_80 : vector<16xf32>
      %mul3A_82 = arith.mulf %sub3A_78, %sub3A_78 : vector<16xf32>
      %add3A_83 = arith.addf %add3A_81, %mul3A_82 : vector<16xf32>
      %max3A_84 = arith.maximumf %max3A, %add3A_83 : vector<16xf32>
      %get3A_85 = arith.constant 48 : index
      %get3A_86 = tpu.vector_load %arg11[%get3A_85] {strides = array<i32>} : memref<256xf32, #tpu.memory_space<vmem>>, vector<16xf32>,
      %get3A_87 = vector.shape_cast %get3A_86 : vector<16xf32> to vector<16xf32>
      %sub3A_88 = arith.subf %get3A_87, %gather3A_17 : vector<16xf32>
      %get3A_89 = arith.constant 48 : index
      %get3A_90 = tpu.vector_load %arg12[%get3A_89] {strides = array<i32>} : memref<256xf32, #tpu.memory_space<vmem>>, vector<16xf32>,
      %get3A_91 = vector.shape_cast %get3A_90 : vector<16xf32> to vector<16xf32>
      %sub3A_92 = arith.subf %get3A_91, %gather3A_25 : vector<16xf32>
      %get3A_93 = arith.constant 48 : index
      %get3A_94 = tpu.vector_load %arg13[%get3A_93] {strides = array<i32>} : memref<256xf32, #tpu.memory_space<vmem>>, vector<16xf32>,
      %get3A_95 = vector.shape_cast %get3A_94 : vector<16xf32> to vector<16xf32>
      %sub3A_96 = arith.subf %get3A_95, %gather3A_33 : vector<16xf32>
      %mul3A_97 = arith.mulf %sub3A_88, %sub3A_88 : vector<16xf32>
      %mul3A_98 = arith.mulf %sub3A_92, %sub3A_92 : vector<16xf32>
      %add3A_99 = arith.addf %mul3A_97, %mul3A_98 : vector<16xf32>
      %mul3A_100 = arith.mulf %sub3A_96, %sub3A_96 : vector<16xf32>
      %add3A_101 = arith.addf %add3A_99, %mul3A_100 : vector<16xf32>
      %max3A_102 = arith.maximumf %max3A_84, %add3A_101 : vector<16xf32>
      %get3A_103 = arith.constant 64 : index
      %get3A_104 = tpu.vector_load %arg11[%get3A_103] {strides = array<i32>} : memref<256xf32, #tpu.memory_space<vmem>>, vector<16xf32>,
      %get3A_105 = vector.shape_cast %get3A_104 : vector<16xf32> to vector<16xf32>
      %sub3A_106 = arith.subf %get3A_105, %gather3A_17 : vector<16xf32>
      %get3A_107 = arith.constant 64 : index
      %get3A_108 = tpu.vector_load %arg12[%get3A_107] {strides = array<i32>} : memref<256xf32, #tpu.memory_space<vmem>>, vector<16xf32>,
      %get3A_109 = vector.shape_cast %get3A_108 : vector<16xf32> to vector<16xf32>
      %sub3A_110 = arith.subf %get3A_109, %gather3A_25 : vector<16xf32>
      %get3A_111 = arith.constant 64 : index
      %get3A_112 = tpu.vector_load %arg13[%get3A_111] {strides = array<i32>} : memref<256xf32, #tpu.memory_space<vmem>>, vector<16xf32>,
      %get3A_113 = vector.shape_cast %get3A_112 : vector<16xf32> to vector<16xf32>
      %sub3A_114 = arith.subf %get3A_113, %gather3A_33 : vector<16xf32>
      %mul3A_115 = arith.mulf %sub3A_106, %sub3A_106 : vector<16xf32>
      %mul3A_116 = arith.mulf %sub3A_110, %sub3A_110 : vector<16xf32>
      %add3A_117 = arith.addf %mul3A_115, %mul3A_116 : vector<16xf32>
      %mul3A_118 = arith.mulf %sub3A_114, %sub3A_114 : vector<16xf32>
      %add3A_119 = arith.addf %add3A_117, %mul3A_118 : vector<16xf32>
      %max3A_120 = arith.maximumf %max3A_102, %add3A_119 : vector<16xf32>
      %get3A_121 = arith.constant 80 : index
      %get3A_122 = tpu.vector_load %arg11[%get3A_121] {strides = array<i32>} : memref<256xf32, #tpu.memory_space<vmem>>, vector<16xf32>,
      %get3A_123 = vector.shape_cast %get3A_122 : vector<16xf32> to vector<16xf32>
      %sub3A_124 = arith.subf %get3A_123, %gather3A_17 : vector<16xf32>
      %get3A_125 = arith.constant 80 : index
      %get3A_126 = tpu.vector_load %arg12[%get3A_125] {strides = array<i32>} : memref<256xf32, #tpu.memory_space<vmem>>, vector<16xf32>,
      %get3A_127 = vector.shape_cast %get3A_126 : vector<16xf32> to vector<16xf32>
      %sub3A_128 = arith.subf %get3A_127, %gather3A_25 : vector<16xf32>
      %get3A_129 = arith.constant 80 : index
      %get3A_130 = tpu.vector_load %arg13[%get3A_129] {strides = array<i32>} : memref<256xf32, #tpu.memory_space<vmem>>, vector<16xf32>,
      %get3A_131 = vector.shape_cast %get3A_130 : vector<16xf32> to vector<16xf32>
      %sub3A_132 = arith.subf %get3A_131, %gather3A_33 : vector<16xf32>
      %mul3A_133 = arith.mulf %sub3A_124, %sub3A_124 : vector<16xf32>
      %mul3A_134 = arith.mulf %sub3A_128, %sub3A_128 : vector<16xf32>
      %add3A_135 = arith.addf %mul3A_133, %mul3A_134 : vector<16xf32>
      %mul3A_136 = arith.mulf %sub3A_132, %sub3A_132 : vector<16xf32>
      %add3A_137 = arith.addf %add3A_135, %mul3A_136 : vector<16xf32>
      %max3A_138 = arith.maximumf %max3A_120, %add3A_137 : vector<16xf32>
      %get3A_139 = arith.constant 96 : index
      %get3A_140 = tpu.vector_load %arg11[%get3A_139] {strides = array<i32>} : memref<256xf32, #tpu.memory_space<vmem>>, vector<16xf32>,
      %get3A_141 = vector.shape_cast %get3A_140 : vector<16xf32> to vector<16xf32>
      %sub3A_142 = arith.subf %get3A_141, %gather3A_17 : vector<16xf32>
      %get3A_143 = arith.constant 96 : index
      %get3A_144 = tpu.vector_load %arg12[%get3A_143] {strides = array<i32>} : memref<256xf32, #tpu.memory_space<vmem>>, vector<16xf32>,
      %get3A_145 = vector.shape_cast %get3A_144 : vector<16xf32> to vector<16xf32>
      %sub3A_146 = arith.subf %get3A_145, %gather3A_25 : vector<16xf32>
      %get3A_147 = arith.constant 96 : index
      %get3A_148 = tpu.vector_load %arg13[%get3A_147] {strides = array<i32>} : memref<256xf32, #tpu.memory_space<vmem>>, vector<16xf32>,
      %get3A_149 = vector.shape_cast %get3A_148 : vector<16xf32> to vector<16xf32>
      %sub3A_150 = arith.subf %get3A_149, %gather3A_33 : vector<16xf32>
      %mul3A_151 = arith.mulf %sub3A_142, %sub3A_142 : vector<16xf32>
      %mul3A_152 = arith.mulf %sub3A_146, %sub3A_146 : vector<16xf32>
      %add3A_153 = arith.addf %mul3A_151, %mul3A_152 : vector<16xf32>
      %mul3A_154 = arith.mulf %sub3A_150, %sub3A_150 : vector<16xf32>
      %add3A_155 = arith.addf %add3A_153, %mul3A_154 : vector<16xf32>
      %max3A_156 = arith.maximumf %max3A_138, %add3A_155 : vector<16xf32>
      %get3A_157 = arith.constant 112 : index
      %get3A_158 = tpu.vector_load %arg11[%get3A_157] {strides = array<i32>} : memref<256xf32, #tpu.memory_space<vmem>>, vector<16xf32>,
      %get3A_159 = vector.shape_cast %get3A_158 : vector<16xf32> to vector<16xf32>
      %sub3A_160 = arith.subf %get3A_159, %gather3A_17 : vector<16xf32>
      %get3A_161 = arith.constant 112 : index
      %get3A_162 = tpu.vector_load %arg12[%get3A_161] {strides = array<i32>} : memref<256xf32, #tpu.memory_space<vmem>>, vector<16xf32>,
      %get3A_163 = vector.shape_cast %get3A_162 : vector<16xf32> to vector<16xf32>
      %sub3A_164 = arith.subf %get3A_163, %gather3A_25 : vector<16xf32>
      %get3A_165 = arith.constant 112 : index
      %get3A_166 = tpu.vector_load %arg13[%get3A_165] {strides = array<i32>} : memref<256xf32, #tpu.memory_space<vmem>>, vector<16xf32>,
      %get3A_167 = vector.shape_cast %get3A_166 : vector<16xf32> to vector<16xf32>
      %sub3A_168 = arith.subf %get3A_167, %gather3A_33 : vector<16xf32>
      %mul3A_169 = arith.mulf %sub3A_160, %sub3A_160 : vector<16xf32>
      %mul3A_170 = arith.mulf %sub3A_164, %sub3A_164 : vector<16xf32>
      %add3A_171 = arith.addf %mul3A_169, %mul3A_170 : vector<16xf32>
      %mul3A_172 = arith.mulf %sub3A_168, %sub3A_168 : vector<16xf32>
      %add3A_173 = arith.addf %add3A_171, %mul3A_172 : vector<16xf32>
      %max3A_174 = arith.maximumf %max3A_156, %add3A_173 : vector<16xf32>
      %get3A_175 = arith.constant 128 : index
      %get3A_176 = tpu.vector_load %arg11[%get3A_175] {strides = array<i32>} : memref<256xf32, #tpu.memory_space<vmem>>, vector<16xf32>,
      %get3A_177 = vector.shape_cast %get3A_176 : vector<16xf32> to vector<16xf32>
      %sub3A_178 = arith.subf %get3A_177, %gather3A_17 : vector<16xf32>
      %get3A_179 = arith.constant 128 : index
      %get3A_180 = tpu.vector_load %arg12[%get3A_179] {strides = array<i32>} : memref<256xf32, #tpu.memory_space<vmem>>, vector<16xf32>,
      %get3A_181 = vector.shape_cast %get3A_180 : vector<16xf32> to vector<16xf32>
      %sub3A_182 = arith.subf %get3A_181, %gather3A_25 : vector<16xf32>
      %get3A_183 = arith.constant 128 : index
      %get3A_184 = tpu.vector_load %arg13[%get3A_183] {strides = array<i32>} : memref<256xf32, #tpu.memory_space<vmem>>, vector<16xf32>,
      %get3A_185 = vector.shape_cast %get3A_184 : vector<16xf32> to vector<16xf32>
      %sub3A_186 = arith.subf %get3A_185, %gather3A_33 : vector<16xf32>
      %mul3A_187 = arith.mulf %sub3A_178, %sub3A_178 : vector<16xf32>
      %mul3A_188 = arith.mulf %sub3A_182, %sub3A_182 : vector<16xf32>
      %add3A_189 = arith.addf %mul3A_187, %mul3A_188 : vector<16xf32>
      %mul3A_190 = arith.mulf %sub3A_186, %sub3A_186 : vector<16xf32>
      %add3A_191 = arith.addf %add3A_189, %mul3A_190 : vector<16xf32>
      %max3A_192 = arith.maximumf %max3A_174, %add3A_191 : vector<16xf32>
      %get3A_193 = arith.constant 144 : index
      %get3A_194 = tpu.vector_load %arg11[%get3A_193] {strides = array<i32>} : memref<256xf32, #tpu.memory_space<vmem>>, vector<16xf32>,
      %get3A_195 = vector.shape_cast %get3A_194 : vector<16xf32> to vector<16xf32>
      %sub3A_196 = arith.subf %get3A_195, %gather3A_17 : vector<16xf32>
      %get3A_197 = arith.constant 144 : index
      %get3A_198 = tpu.vector_load %arg12[%get3A_197] {strides = array<i32>} : memref<256xf32, #tpu.memory_space<vmem>>, vector<16xf32>,
      %get3A_199 = vector.shape_cast %get3A_198 : vector<16xf32> to vector<16xf32>
      %sub3A_200 = arith.subf %get3A_199, %gather3A_25 : vector<16xf32>
      %get3A_201 = arith.constant 144 : index
      %get3A_202 = tpu.vector_load %arg13[%get3A_201] {strides = array<i32>} : memref<256xf32, #tpu.memory_space<vmem>>, vector<16xf32>,
      %get3A_203 = vector.shape_cast %get3A_202 : vector<16xf32> to vector<16xf32>
      %sub3A_204 = arith.subf %get3A_203, %gather3A_33 : vector<16xf32>
      %mul3A_205 = arith.mulf %sub3A_196, %sub3A_196 : vector<16xf32>
      %mul3A_206 = arith.mulf %sub3A_200, %sub3A_200 : vector<16xf32>
      %add3A_207 = arith.addf %mul3A_205, %mul3A_206 : vector<16xf32>
      %mul3A_208 = arith.mulf %sub3A_204, %sub3A_204 : vector<16xf32>
      %add3A_209 = arith.addf %add3A_207, %mul3A_208 : vector<16xf32>
      %max3A_210 = arith.maximumf %max3A_192, %add3A_209 : vector<16xf32>
      %get3A_211 = arith.constant 160 : index
      %get3A_212 = tpu.vector_load %arg11[%get3A_211] {strides = array<i32>} : memref<256xf32, #tpu.memory_space<vmem>>, vector<16xf32>,
      %get3A_213 = vector.shape_cast %get3A_212 : vector<16xf32> to vector<16xf32>
      %sub3A_214 = arith.subf %get3A_213, %gather3A_17 : vector<16xf32>
      %get3A_215 = arith.constant 160 : index
      %get3A_216 = tpu.vector_load %arg12[%get3A_215] {strides = array<i32>} : memref<256xf32, #tpu.memory_space<vmem>>, vector<16xf32>,
      %get3A_217 = vector.shape_cast %get3A_216 : vector<16xf32> to vector<16xf32>
      %sub3A_218 = arith.subf %get3A_217, %gather3A_25 : vector<16xf32>
      %get3A_219 = arith.constant 160 : index
      %get3A_220 = tpu.vector_load %arg13[%get3A_219] {strides = array<i32>} : memref<256xf32, #tpu.memory_space<vmem>>, vector<16xf32>,
      %get3A_221 = vector.shape_cast %get3A_220 : vector<16xf32> to vector<16xf32>
      %sub3A_222 = arith.subf %get3A_221, %gather3A_33 : vector<16xf32>
      %mul3A_223 = arith.mulf %sub3A_214, %sub3A_214 : vector<16xf32>
      %mul3A_224 = arith.mulf %sub3A_218, %sub3A_218 : vector<16xf32>
      %add3A_225 = arith.addf %mul3A_223, %mul3A_224 : vector<16xf32>
      %mul3A_226 = arith.mulf %sub3A_222, %sub3A_222 : vector<16xf32>
      %add3A_227 = arith.addf %add3A_225, %mul3A_226 : vector<16xf32>
      %max3A_228 = arith.maximumf %max3A_210, %add3A_227 : vector<16xf32>
      %get3A_229 = arith.constant 176 : index
      %get3A_230 = tpu.vector_load %arg11[%get3A_229] {strides = array<i32>} : memref<256xf32, #tpu.memory_space<vmem>>, vector<16xf32>,
      %get3A_231 = vector.shape_cast %get3A_230 : vector<16xf32> to vector<16xf32>
      %sub3A_232 = arith.subf %get3A_231, %gather3A_17 : vector<16xf32>
      %get3A_233 = arith.constant 176 : index
      %get3A_234 = tpu.vector_load %arg12[%get3A_233] {strides = array<i32>} : memref<256xf32, #tpu.memory_space<vmem>>, vector<16xf32>,
      %get3A_235 = vector.shape_cast %get3A_234 : vector<16xf32> to vector<16xf32>
      %sub3A_236 = arith.subf %get3A_235, %gather3A_25 : vector<16xf32>
      %get3A_237 = arith.constant 176 : index
      %get3A_238 = tpu.vector_load %arg13[%get3A_237] {strides = array<i32>} : memref<256xf32, #tpu.memory_space<vmem>>, vector<16xf32>,
      %get3A_239 = vector.shape_cast %get3A_238 : vector<16xf32> to vector<16xf32>
      %sub3A_240 = arith.subf %get3A_239, %gather3A_33 : vector<16xf32>
      %mul3A_241 = arith.mulf %sub3A_232, %sub3A_232 : vector<16xf32>
      %mul3A_242 = arith.mulf %sub3A_236, %sub3A_236 : vector<16xf32>
      %add3A_243 = arith.addf %mul3A_241, %mul3A_242 : vector<16xf32>
      %mul3A_244 = arith.mulf %sub3A_240, %sub3A_240 : vector<16xf32>
      %add3A_245 = arith.addf %add3A_243, %mul3A_244 : vector<16xf32>
      %max3A_246 = arith.maximumf %max3A_228, %add3A_245 : vector<16xf32>
      %get3A_247 = arith.constant 192 : index
      %get3A_248 = tpu.vector_load %arg11[%get3A_247] {strides = array<i32>} : memref<256xf32, #tpu.memory_space<vmem>>, vector<16xf32>,
      %get3A_249 = vector.shape_cast %get3A_248 : vector<16xf32> to vector<16xf32>
      %sub3A_250 = arith.subf %get3A_249, %gather3A_17 : vector<16xf32>
      %get3A_251 = arith.constant 192 : index
      %get3A_252 = tpu.vector_load %arg12[%get3A_251] {strides = array<i32>} : memref<256xf32, #tpu.memory_space<vmem>>, vector<16xf32>,
      %get3A_253 = vector.shape_cast %get3A_252 : vector<16xf32> to vector<16xf32>
      %sub3A_254 = arith.subf %get3A_253, %gather3A_25 : vector<16xf32>
      %get3A_255 = arith.constant 192 : index
      %get3A_256 = tpu.vector_load %arg13[%get3A_255] {strides = array<i32>} : memref<256xf32, #tpu.memory_space<vmem>>, vector<16xf32>,
      %get3A_257 = vector.shape_cast %get3A_256 : vector<16xf32> to vector<16xf32>
      %sub3A_258 = arith.subf %get3A_257, %gather3A_33 : vector<16xf32>
      %mul3A_259 = arith.mulf %sub3A_250, %sub3A_250 : vector<16xf32>
      %mul3A_260 = arith.mulf %sub3A_254, %sub3A_254 : vector<16xf32>
      %add3A_261 = arith.addf %mul3A_259, %mul3A_260 : vector<16xf32>
      %mul3A_262 = arith.mulf %sub3A_258, %sub3A_258 : vector<16xf32>
      %add3A_263 = arith.addf %add3A_261, %mul3A_262 : vector<16xf32>
      %max3A_264 = arith.maximumf %max3A_246, %add3A_263 : vector<16xf32>
      %get3A_265 = arith.constant 208 : index
      %get3A_266 = tpu.vector_load %arg11[%get3A_265] {strides = array<i32>} : memref<256xf32, #tpu.memory_space<vmem>>, vector<16xf32>,
      %get3A_267 = vector.shape_cast %get3A_266 : vector<16xf32> to vector<16xf32>
      %sub3A_268 = arith.subf %get3A_267, %gather3A_17 : vector<16xf32>
      %get3A_269 = arith.constant 208 : index
      %get3A_270 = tpu.vector_load %arg12[%get3A_269] {strides = array<i32>} : memref<256xf32, #tpu.memory_space<vmem>>, vector<16xf32>,
      %get3A_271 = vector.shape_cast %get3A_270 : vector<16xf32> to vector<16xf32>
      %sub3A_272 = arith.subf %get3A_271, %gather3A_25 : vector<16xf32>
      %get3A_273 = arith.constant 208 : index
      %get3A_274 = tpu.vector_load %arg13[%get3A_273] {strides = array<i32>} : memref<256xf32, #tpu.memory_space<vmem>>, vector<16xf32>,
      %get3A_275 = vector.shape_cast %get3A_274 : vector<16xf32> to vector<16xf32>
      %sub3A_276 = arith.subf %get3A_275, %gather3A_33 : vector<16xf32>
      %mul3A_277 = arith.mulf %sub3A_268, %sub3A_268 : vector<16xf32>
      %mul3A_278 = arith.mulf %sub3A_272, %sub3A_272 : vector<16xf32>
      %add3A_279 = arith.addf %mul3A_277, %mul3A_278 : vector<16xf32>
      %mul3A_280 = arith.mulf %sub3A_276, %sub3A_276 : vector<16xf32>
      %add3A_281 = arith.addf %add3A_279, %mul3A_280 : vector<16xf32>
      %max3A_282 = arith.maximumf %max3A_264, %add3A_281 : vector<16xf32>
      %get3A_283 = arith.constant 224 : index
      %get3A_284 = tpu.vector_load %arg11[%get3A_283] {strides = array<i32>} : memref<256xf32, #tpu.memory_space<vmem>>, vector<16xf32>,
      %get3A_285 = vector.shape_cast %get3A_284 : vector<16xf32> to vector<16xf32>
      %sub3A_286 = arith.subf %get3A_285, %gather3A_17 : vector<16xf32>
      %get3A_287 = arith.constant 224 : index
      %get3A_288 = tpu.vector_load %arg12[%get3A_287] {strides = array<i32>} : memref<256xf32, #tpu.memory_space<vmem>>, vector<16xf32>,
      %get3A_289 = vector.shape_cast %get3A_288 : vector<16xf32> to vector<16xf32>
      %sub3A_290 = arith.subf %get3A_289, %gather3A_25 : vector<16xf32>
      %get3A_291 = arith.constant 224 : index
      %get3A_292 = tpu.vector_load %arg13[%get3A_291] {strides = array<i32>} : memref<256xf32, #tpu.memory_space<vmem>>, vector<16xf32>,
      %get3A_293 = vector.shape_cast %get3A_292 : vector<16xf32> to vector<16xf32>
      %sub3A_294 = arith.subf %get3A_293, %gather3A_33 : vector<16xf32>
      %mul3A_295 = arith.mulf %sub3A_286, %sub3A_286 : vector<16xf32>
      %mul3A_296 = arith.mulf %sub3A_290, %sub3A_290 : vector<16xf32>
      %add3A_297 = arith.addf %mul3A_295, %mul3A_296 : vector<16xf32>
      %mul3A_298 = arith.mulf %sub3A_294, %sub3A_294 : vector<16xf32>
      %add3A_299 = arith.addf %add3A_297, %mul3A_298 : vector<16xf32>
      %max3A_300 = arith.maximumf %max3A_282, %add3A_299 : vector<16xf32>
      %get3A_301 = arith.constant 240 : index
      %get3A_302 = tpu.vector_load %arg11[%get3A_301] {strides = array<i32>} : memref<256xf32, #tpu.memory_space<vmem>>, vector<16xf32>,
      %get3A_303 = vector.shape_cast %get3A_302 : vector<16xf32> to vector<16xf32>
      %sub3A_304 = arith.subf %get3A_303, %gather3A_17 : vector<16xf32>
      %get3A_305 = arith.constant 240 : index
      %get3A_306 = tpu.vector_load %arg12[%get3A_305] {strides = array<i32>} : memref<256xf32, #tpu.memory_space<vmem>>, vector<16xf32>,
      %get3A_307 = vector.shape_cast %get3A_306 : vector<16xf32> to vector<16xf32>
      %sub3A_308 = arith.subf %get3A_307, %gather3A_25 : vector<16xf32>
      %get3A_309 = arith.constant 240 : index
      %get3A_310 = tpu.vector_load %arg13[%get3A_309] {strides = array<i32>} : memref<256xf32, #tpu.memory_space<vmem>>, vector<16xf32>,
      %get3A_311 = vector.shape_cast %get3A_310 : vector<16xf32> to vector<16xf32>
      %sub3A_312 = arith.subf %get3A_311, %gather3A_33 : vector<16xf32>
      %mul3A_313 = arith.mulf %sub3A_304, %sub3A_304 : vector<16xf32>
      %mul3A_314 = arith.mulf %sub3A_308, %sub3A_308 : vector<16xf32>
      %add3A_315 = arith.addf %mul3A_313, %mul3A_314 : vector<16xf32>
      %mul3A_316 = arith.mulf %sub3A_312, %sub3A_312 : vector<16xf32>
      %add3A_317 = arith.addf %add3A_315, %mul3A_316 : vector<16xf32>
      %max3A_318 = arith.maximumf %max3A_300, %add3A_317 : vector<16xf32>
      %broadcast_in_dim3A_319 = arith.constant 0.000000e+00 : f32
      %broadcast_in_dim3A_320 = vector.broadcast %broadcast_in_dim3A_319 : f32 to vector<16xf32>
      %swap3A = arith.constant 0 : index
      %swap3A_321 = tpu.vector_load %arg14[%swap3A] {strides = array<i32>} : memref<128xf32, #tpu.memory_space<vmem>>, vector<16xf32>,
      %swap3A_322 = vector.shape_cast %swap3A_321 : vector<16xf32> to vector<16xf32>
      %swap3A_323 = vector.shape_cast %broadcast_in_dim3A_320 : vector<16xf32> to vector<16xf32>
      tpu.vector_store %arg14[%swap3A], %swap3A_323 {strides = array<i32>} : memref<128xf32, #tpu.memory_space<vmem>>, vector<16xf32>,
      %eq3A = arith.constant 0 : i32
      %eq3A_324 = vector.broadcast %eq3A : i32 to vector<16xi32>
      %eq3A_325 = arith.cmpi eq, %iota3A, %eq3A_324 : vector<16xi32>
      %jit3A = arith.constant 0.000000e+00 : f32
      %broadcast_in_dim3A_326 = vector.broadcast %jit3A : f32 to vector<16xf32>
      %select_n3A = arith.select %eq3A_325, %gather3A_17, %broadcast_in_dim3A_326 : vector<16xi1>, vector<16xf32>
      %swap3A_327 = arith.constant 0 : index
      %swap3A_328 = tpu.vector_load %arg15[%swap3A_327] {strides = array<i32>} : memref<128xf32, #tpu.memory_space<vmem>>, vector<16xf32>,
      %swap3A_329 = vector.shape_cast %swap3A_328 : vector<16xf32> to vector<16xf32>
      %swap3A_330 = vector.shape_cast %select_n3A : vector<16xf32> to vector<16xf32>
      tpu.vector_store %arg15[%swap3A_327], %swap3A_330 {strides = array<i32>} : memref<128xf32, #tpu.memory_space<vmem>>, vector<16xf32>,
      %eq3A_331 = arith.constant 0 : i32
      %eq3A_332 = vector.broadcast %eq3A_331 : i32 to vector<16xi32>
      %eq3A_333 = arith.cmpi eq, %iota3A, %eq3A_332 : vector<16xi32>
      %jit3A_334 = arith.constant 0.000000e+00 : f32
      %broadcast_in_dim3A_335 = vector.broadcast %jit3A_334 : f32 to vector<16xf32>
      %select_n3A_336 = arith.select %eq3A_333, %gather3A_25, %broadcast_in_dim3A_335 : vector<16xi1>, vector<16xf32>
      %swap3A_337 = arith.constant 0 : index
      %swap3A_338 = tpu.vector_load %arg16[%swap3A_337] {strides = array<i32>} : memref<128xf32, #tpu.memory_space<vmem>>, vector<16xf32>,
      %swap3A_339 = vector.shape_cast %swap3A_338 : vector<16xf32> to vector<16xf32>
      %swap3A_340 = vector.shape_cast %select_n3A_336 : vector<16xf32> to vector<16xf32>
      tpu.vector_store %arg16[%swap3A_337], %swap3A_340 {strides = array<i32>} : memref<128xf32, #tpu.memory_space<vmem>>, vector<16xf32>,
      %eq3A_341 = arith.constant 0 : i32
      %eq3A_342 = vector.broadcast %eq3A_341 : i32 to vector<16xi32>
      %eq3A_343 = arith.cmpi eq, %iota3A, %eq3A_342 : vector<16xi32>
      %jit3A_344 = arith.constant 0.000000e+00 : f32
      %broadcast_in_dim3A_345 = vector.broadcast %jit3A_344 : f32 to vector<16xf32>
      %select_n3A_346 = arith.select %eq3A_343, %gather3A_33, %broadcast_in_dim3A_345 : vector<16xi1>, vector<16xf32>
      %swap3A_347 = arith.constant 0 : index
      %swap3A_348 = tpu.vector_load %arg17[%swap3A_347] {strides = array<i32>} : memref<128xf32, #tpu.memory_space<vmem>>, vector<16xf32>,
      %swap3A_349 = vector.shape_cast %swap3A_348 : vector<16xf32> to vector<16xf32>
      %swap3A_350 = vector.shape_cast %select_n3A_346 : vector<16xf32> to vector<16xf32>
      tpu.vector_store %arg17[%swap3A_347], %swap3A_350 {strides = array<i32>} : memref<128xf32, #tpu.memory_space<vmem>>, vector<16xf32>,
      %broadcast_in_dim3A_351 = arith.constant 1 : i32
      %broadcast_in_dim3A_352 = vector.broadcast %broadcast_in_dim3A_351 : i32 to vector<16xi32>
      %scan3A = arith.constant 1 : i32
      %scan3A_353 = arith.constant 127 : i32
      %scan3A_354 = arith.addi %scan3A, %scan3A_353 : i32
      %scan3A_355 = arith.constant 1 : i32
      %scan3A_356:18 = scf.for %scan3A_586 = %scan3A to %scan3A_354 step %scan3A_355 iter_args(%scan3A_587 = %broadcast_in_dim3A_352, %scan3A_588 = %max3A_318, %scan3A_589 = %add3A_49, %scan3A_590 = %add3A_66, %scan3A_591 = %add3A_83, %scan3A_592 = %add3A_101, %scan3A_593 = %add3A_119, %scan3A_594 = %add3A_137, %scan3A_595 = %add3A_155, %scan3A_596 = %add3A_173, %scan3A_597 = %add3A_191, %scan3A_598 = %add3A_209, %scan3A_599 = %add3A_227, %scan3A_600 = %add3A_245, %scan3A_601 = %add3A_263, %scan3A_602 = %add3A_281, %scan3A_603 = %add3A_299, %scan3A_604 = %add3A_317) -> (vector<16xi32>, vector<16xf32>, vector<16xf32>, vector<16xf32>, vector<16xf32>, vector<16xf32>, vector<16xf32>, vector<16xf32>, vector<16xf32>, vector<16xf32>, vector<16xf32>, vector<16xf32>, vector<16xf32>, vector<16xf32>, vector<16xf32>, vector<16xf32>, vector<16xf32>, vector<16xf32>)  : i32 {
        %xor3A = arith.constant 8 : i32
        %xor3A_605 = vector.broadcast %xor3A : i32 to vector<16xi32>
        %xor3A_606 = arith.xori %iota3A, %xor3A_605 : vector<16xi32>
        %broadcast_in_dim3A_607 = vector.shape_cast %xor3A_606 : vector<16xi32> to vector<16x1xi32>
        %gather3A_608 = vector.shape_cast %broadcast_in_dim3A_607 : vector<16x1xi32> to vector<16xi32>
        %gather3A_609 = tpu.dynamic_gather %scan3A_588[%gather3A_608] in [0] : vector<16xf32>, vector<16xi32> -> vector<16xf32>
        %max3A_610 = arith.maximumf %scan3A_588, %gather3A_609 : vector<16xf32>
        %xor3A_611 = arith.constant 4 : i32
        %xor3A_612 = vector.broadcast %xor3A_611 : i32 to vector<16xi32>
        %xor3A_613 = arith.xori %iota3A, %xor3A_612 : vector<16xi32>
        %broadcast_in_dim3A_614 = vector.shape_cast %xor3A_613 : vector<16xi32> to vector<16x1xi32>
        %gather3A_615 = vector.shape_cast %broadcast_in_dim3A_614 : vector<16x1xi32> to vector<16xi32>
        %gather3A_616 = tpu.dynamic_gather %max3A_610[%gather3A_615] in [0] : vector<16xf32>, vector<16xi32> -> vector<16xf32>
        %max3A_617 = arith.maximumf %max3A_610, %gather3A_616 : vector<16xf32>
        %xor3A_618 = arith.constant 2 : i32
        %xor3A_619 = vector.broadcast %xor3A_618 : i32 to vector<16xi32>
        %xor3A_620 = arith.xori %iota3A, %xor3A_619 : vector<16xi32>
        %broadcast_in_dim3A_621 = vector.shape_cast %xor3A_620 : vector<16xi32> to vector<16x1xi32>
        %gather3A_622 = vector.shape_cast %broadcast_in_dim3A_621 : vector<16x1xi32> to vector<16xi32>
        %gather3A_623 = tpu.dynamic_gather %max3A_617[%gather3A_622] in [0] : vector<16xf32>, vector<16xi32> -> vector<16xf32>
        %max3A_624 = arith.maximumf %max3A_617, %gather3A_623 : vector<16xf32>
        %xor3A_625 = arith.constant 1 : i32
        %xor3A_626 = vector.broadcast %xor3A_625 : i32 to vector<16xi32>
        %xor3A_627 = arith.xori %iota3A, %xor3A_626 : vector<16xi32>
        %broadcast_in_dim3A_628 = vector.shape_cast %xor3A_627 : vector<16xi32> to vector<16x1xi32>
        %gather3A_629 = vector.shape_cast %broadcast_in_dim3A_628 : vector<16x1xi32> to vector<16xi32>
        %gather3A_630 = tpu.dynamic_gather %max3A_624[%gather3A_629] in [0] : vector<16xf32>, vector<16xi32> -> vector<16xf32>
        %max3A_631 = arith.maximumf %max3A_624, %gather3A_630 : vector<16xf32>
        %broadcast_in_dim3A_632 = arith.constant 256 : i32
        %broadcast_in_dim3A_633 = vector.broadcast %broadcast_in_dim3A_632 : i32 to vector<16xi32>
        %eq3A_634 = arith.cmpf oeq, %scan3A_589, %max3A_631 : vector<16xf32>
        %add3A_635 = arith.constant 0 : i32
        %add3A_636 = vector.broadcast %add3A_635 : i32 to vector<16xi32>
        %add3A_637 = arith.addi %iota3A, %add3A_636 : vector<16xi32>
        %jit3A_638 = arith.constant 256 : i32
        %broadcast_in_dim3A_639 = vector.broadcast %jit3A_638 : i32 to vector<16xi32>
        %select_n3A_640 = arith.select %eq3A_634, %add3A_637, %broadcast_in_dim3A_639 : vector<16xi1>, vector<16xi32>
        %min3A = arith.minsi %broadcast_in_dim3A_633, %select_n3A_640 : vector<16xi32>
        %eq3A_641 = arith.cmpf oeq, %scan3A_590, %max3A_631 : vector<16xf32>
        %add3A_642 = arith.constant 16 : i32
        %add3A_643 = vector.broadcast %add3A_642 : i32 to vector<16xi32>
        %add3A_644 = arith.addi %iota3A, %add3A_643 : vector<16xi32>
        %jit3A_645 = arith.constant 256 : i32
        %broadcast_in_dim3A_646 = vector.broadcast %jit3A_645 : i32 to vector<16xi32>
        %select_n3A_647 = arith.select %eq3A_641, %add3A_644, %broadcast_in_dim3A_646 : vector<16xi1>, vector<16xi32>
        %min3A_648 = arith.minsi %min3A, %select_n3A_647 : vector<16xi32>
        %eq3A_649 = arith.cmpf oeq, %scan3A_591, %max3A_631 : vector<16xf32>
        %add3A_650 = arith.constant 32 : i32
        %add3A_651 = vector.broadcast %add3A_650 : i32 to vector<16xi32>
        %add3A_652 = arith.addi %iota3A, %add3A_651 : vector<16xi32>
        %jit3A_653 = arith.constant 256 : i32
        %broadcast_in_dim3A_654 = vector.broadcast %jit3A_653 : i32 to vector<16xi32>
        %select_n3A_655 = arith.select %eq3A_649, %add3A_652, %broadcast_in_dim3A_654 : vector<16xi1>, vector<16xi32>
        %min3A_656 = arith.minsi %min3A_648, %select_n3A_655 : vector<16xi32>
        %eq3A_657 = arith.cmpf oeq, %scan3A_592, %max3A_631 : vector<16xf32>
        %add3A_658 = arith.constant 48 : i32
        %add3A_659 = vector.broadcast %add3A_658 : i32 to vector<16xi32>
        %add3A_660 = arith.addi %iota3A, %add3A_659 : vector<16xi32>
        %jit3A_661 = arith.constant 256 : i32
        %broadcast_in_dim3A_662 = vector.broadcast %jit3A_661 : i32 to vector<16xi32>
        %select_n3A_663 = arith.select %eq3A_657, %add3A_660, %broadcast_in_dim3A_662 : vector<16xi1>, vector<16xi32>
        %min3A_664 = arith.minsi %min3A_656, %select_n3A_663 : vector<16xi32>
        %eq3A_665 = arith.cmpf oeq, %scan3A_593, %max3A_631 : vector<16xf32>
        %add3A_666 = arith.constant 64 : i32
        %add3A_667 = vector.broadcast %add3A_666 : i32 to vector<16xi32>
        %add3A_668 = arith.addi %iota3A, %add3A_667 : vector<16xi32>
        %jit3A_669 = arith.constant 256 : i32
        %broadcast_in_dim3A_670 = vector.broadcast %jit3A_669 : i32 to vector<16xi32>
        %select_n3A_671 = arith.select %eq3A_665, %add3A_668, %broadcast_in_dim3A_670 : vector<16xi1>, vector<16xi32>
        %min3A_672 = arith.minsi %min3A_664, %select_n3A_671 : vector<16xi32>
        %eq3A_673 = arith.cmpf oeq, %scan3A_594, %max3A_631 : vector<16xf32>
        %add3A_674 = arith.constant 80 : i32
        %add3A_675 = vector.broadcast %add3A_674 : i32 to vector<16xi32>
        %add3A_676 = arith.addi %iota3A, %add3A_675 : vector<16xi32>
        %jit3A_677 = arith.constant 256 : i32
        %broadcast_in_dim3A_678 = vector.broadcast %jit3A_677 : i32 to vector<16xi32>
        %select_n3A_679 = arith.select %eq3A_673, %add3A_676, %broadcast_in_dim3A_678 : vector<16xi1>, vector<16xi32>
        %min3A_680 = arith.minsi %min3A_672, %select_n3A_679 : vector<16xi32>
        %eq3A_681 = arith.cmpf oeq, %scan3A_595, %max3A_631 : vector<16xf32>
        %add3A_682 = arith.constant 96 : i32
        %add3A_683 = vector.broadcast %add3A_682 : i32 to vector<16xi32>
        %add3A_684 = arith.addi %iota3A, %add3A_683 : vector<16xi32>
        %jit3A_685 = arith.constant 256 : i32
        %broadcast_in_dim3A_686 = vector.broadcast %jit3A_685 : i32 to vector<16xi32>
        %select_n3A_687 = arith.select %eq3A_681, %add3A_684, %broadcast_in_dim3A_686 : vector<16xi1>, vector<16xi32>
        %min3A_688 = arith.minsi %min3A_680, %select_n3A_687 : vector<16xi32>
        %eq3A_689 = arith.cmpf oeq, %scan3A_596, %max3A_631 : vector<16xf32>
        %add3A_690 = arith.constant 112 : i32
        %add3A_691 = vector.broadcast %add3A_690 : i32 to vector<16xi32>
        %add3A_692 = arith.addi %iota3A, %add3A_691 : vector<16xi32>
        %jit3A_693 = arith.constant 256 : i32
        %broadcast_in_dim3A_694 = vector.broadcast %jit3A_693 : i32 to vector<16xi32>
        %select_n3A_695 = arith.select %eq3A_689, %add3A_692, %broadcast_in_dim3A_694 : vector<16xi1>, vector<16xi32>
        %min3A_696 = arith.minsi %min3A_688, %select_n3A_695 : vector<16xi32>
        %eq3A_697 = arith.cmpf oeq, %scan3A_597, %max3A_631 : vector<16xf32>
        %add3A_698 = arith.constant 128 : i32
        %add3A_699 = vector.broadcast %add3A_698 : i32 to vector<16xi32>
        %add3A_700 = arith.addi %iota3A, %add3A_699 : vector<16xi32>
        %jit3A_701 = arith.constant 256 : i32
        %broadcast_in_dim3A_702 = vector.broadcast %jit3A_701 : i32 to vector<16xi32>
        %select_n3A_703 = arith.select %eq3A_697, %add3A_700, %broadcast_in_dim3A_702 : vector<16xi1>, vector<16xi32>
        %min3A_704 = arith.minsi %min3A_696, %select_n3A_703 : vector<16xi32>
        %eq3A_705 = arith.cmpf oeq, %scan3A_598, %max3A_631 : vector<16xf32>
        %add3A_706 = arith.constant 144 : i32
        %add3A_707 = vector.broadcast %add3A_706 : i32 to vector<16xi32>
        %add3A_708 = arith.addi %iota3A, %add3A_707 : vector<16xi32>
        %jit3A_709 = arith.constant 256 : i32
        %broadcast_in_dim3A_710 = vector.broadcast %jit3A_709 : i32 to vector<16xi32>
        %select_n3A_711 = arith.select %eq3A_705, %add3A_708, %broadcast_in_dim3A_710 : vector<16xi1>, vector<16xi32>
        %min3A_712 = arith.minsi %min3A_704, %select_n3A_711 : vector<16xi32>
        %eq3A_713 = arith.cmpf oeq, %scan3A_599, %max3A_631 : vector<16xf32>
        %add3A_714 = arith.constant 160 : i32
        %add3A_715 = vector.broadcast %add3A_714 : i32 to vector<16xi32>
        %add3A_716 = arith.addi %iota3A, %add3A_715 : vector<16xi32>
        %jit3A_717 = arith.constant 256 : i32
        %broadcast_in_dim3A_718 = vector.broadcast %jit3A_717 : i32 to vector<16xi32>
        %select_n3A_719 = arith.select %eq3A_713, %add3A_716, %broadcast_in_dim3A_718 : vector<16xi1>, vector<16xi32>
        %min3A_720 = arith.minsi %min3A_712, %select_n3A_719 : vector<16xi32>
        %eq3A_721 = arith.cmpf oeq, %scan3A_600, %max3A_631 : vector<16xf32>
        %add3A_722 = arith.constant 176 : i32
        %add3A_723 = vector.broadcast %add3A_722 : i32 to vector<16xi32>
        %add3A_724 = arith.addi %iota3A, %add3A_723 : vector<16xi32>
        %jit3A_725 = arith.constant 256 : i32
        %broadcast_in_dim3A_726 = vector.broadcast %jit3A_725 : i32 to vector<16xi32>
        %select_n3A_727 = arith.select %eq3A_721, %add3A_724, %broadcast_in_dim3A_726 : vector<16xi1>, vector<16xi32>
        %min3A_728 = arith.minsi %min3A_720, %select_n3A_727 : vector<16xi32>
        %eq3A_729 = arith.cmpf oeq, %scan3A_601, %max3A_631 : vector<16xf32>
        %add3A_730 = arith.constant 192 : i32
        %add3A_731 = vector.broadcast %add3A_730 : i32 to vector<16xi32>
        %add3A_732 = arith.addi %iota3A, %add3A_731 : vector<16xi32>
        %jit3A_733 = arith.constant 256 : i32
        %broadcast_in_dim3A_734 = vector.broadcast %jit3A_733 : i32 to vector<16xi32>
        %select_n3A_735 = arith.select %eq3A_729, %add3A_732, %broadcast_in_dim3A_734 : vector<16xi1>, vector<16xi32>
        %min3A_736 = arith.minsi %min3A_728, %select_n3A_735 : vector<16xi32>
        %eq3A_737 = arith.cmpf oeq, %scan3A_602, %max3A_631 : vector<16xf32>
        %add3A_738 = arith.constant 208 : i32
        %add3A_739 = vector.broadcast %add3A_738 : i32 to vector<16xi32>
        %add3A_740 = arith.addi %iota3A, %add3A_739 : vector<16xi32>
        %jit3A_741 = arith.constant 256 : i32
        %broadcast_in_dim3A_742 = vector.broadcast %jit3A_741 : i32 to vector<16xi32>
        %select_n3A_743 = arith.select %eq3A_737, %add3A_740, %broadcast_in_dim3A_742 : vector<16xi1>, vector<16xi32>
        %min3A_744 = arith.minsi %min3A_736, %select_n3A_743 : vector<16xi32>
        %eq3A_745 = arith.cmpf oeq, %scan3A_603, %max3A_631 : vector<16xf32>
        %add3A_746 = arith.constant 224 : i32
        %add3A_747 = vector.broadcast %add3A_746 : i32 to vector<16xi32>
        %add3A_748 = arith.addi %iota3A, %add3A_747 : vector<16xi32>
        %jit3A_749 = arith.constant 256 : i32
        %broadcast_in_dim3A_750 = vector.broadcast %jit3A_749 : i32 to vector<16xi32>
        %select_n3A_751 = arith.select %eq3A_745, %add3A_748, %broadcast_in_dim3A_750 : vector<16xi1>, vector<16xi32>
        %min3A_752 = arith.minsi %min3A_744, %select_n3A_751 : vector<16xi32>
        %eq3A_753 = arith.cmpf oeq, %scan3A_604, %max3A_631 : vector<16xf32>
        %add3A_754 = arith.constant 240 : i32
        %add3A_755 = vector.broadcast %add3A_754 : i32 to vector<16xi32>
        %add3A_756 = arith.addi %iota3A, %add3A_755 : vector<16xi32>
        %jit3A_757 = arith.constant 256 : i32
        %broadcast_in_dim3A_758 = vector.broadcast %jit3A_757 : i32 to vector<16xi32>
        %select_n3A_759 = arith.select %eq3A_753, %add3A_756, %broadcast_in_dim3A_758 : vector<16xi1>, vector<16xi32>
        %min3A_760 = arith.minsi %min3A_752, %select_n3A_759 : vector<16xi32>
        %xor3A_761 = arith.constant 8 : i32
        %xor3A_762 = vector.broadcast %xor3A_761 : i32 to vector<16xi32>
        %xor3A_763 = arith.xori %iota3A, %xor3A_762 : vector<16xi32>
        %broadcast_in_dim3A_764 = vector.shape_cast %xor3A_763 : vector<16xi32> to vector<16x1xi32>
        %gather3A_765 = vector.shape_cast %broadcast_in_dim3A_764 : vector<16x1xi32> to vector<16xi32>
        %gather3A_766 = tpu.dynamic_gather %min3A_760[%gather3A_765] in [0] : vector<16xi32>, vector<16xi32> -> vector<16xi32>
        %min3A_767 = arith.minsi %min3A_760, %gather3A_766 : vector<16xi32>
        %xor3A_768 = arith.constant 4 : i32
        %xor3A_769 = vector.broadcast %xor3A_768 : i32 to vector<16xi32>
        %xor3A_770 = arith.xori %iota3A, %xor3A_769 : vector<16xi32>
        %broadcast_in_dim3A_771 = vector.shape_cast %xor3A_770 : vector<16xi32> to vector<16x1xi32>
        %gather3A_772 = vector.shape_cast %broadcast_in_dim3A_771 : vector<16x1xi32> to vector<16xi32>
        %gather3A_773 = tpu.dynamic_gather %min3A_767[%gather3A_772] in [0] : vector<16xi32>, vector<16xi32> -> vector<16xi32>
        %min3A_774 = arith.minsi %min3A_767, %gather3A_773 : vector<16xi32>
        %xor3A_775 = arith.constant 2 : i32
        %xor3A_776 = vector.broadcast %xor3A_775 : i32 to vector<16xi32>
        %xor3A_777 = arith.xori %iota3A, %xor3A_776 : vector<16xi32>
        %broadcast_in_dim3A_778 = vector.shape_cast %xor3A_777 : vector<16xi32> to vector<16x1xi32>
        %gather3A_779 = vector.shape_cast %broadcast_in_dim3A_778 : vector<16x1xi32> to vector<16xi32>
        %gather3A_780 = tpu.dynamic_gather %min3A_774[%gather3A_779] in [0] : vector<16xi32>, vector<16xi32> -> vector<16xi32>
        %min3A_781 = arith.minsi %min3A_774, %gather3A_780 : vector<16xi32>
        %xor3A_782 = arith.constant 1 : i32
        %xor3A_783 = vector.broadcast %xor3A_782 : i32 to vector<16xi32>
        %xor3A_784 = arith.xori %iota3A, %xor3A_783 : vector<16xi32>
        %broadcast_in_dim3A_785 = vector.shape_cast %xor3A_784 : vector<16xi32> to vector<16x1xi32>
        %gather3A_786 = vector.shape_cast %broadcast_in_dim3A_785 : vector<16x1xi32> to vector<16xi32>
        %gather3A_787 = tpu.dynamic_gather %min3A_781[%gather3A_786] in [0] : vector<16xi32>, vector<16xi32> -> vector<16xi32>
        %min3A_788 = arith.minsi %min3A_781, %gather3A_787 : vector<16xi32>
        %slice3A = vector.extract_strided_slice %min3A_788 {offsets = [0], sizes = [1], strides = [1]} : vector<16xi32> to vector<1xi32>
        %squeeze3A = vector.extract %slice3A[0] : i32 from vector<1xi32>
        %jit3A_789 = arith.constant 16 : i32
        %div3A = arith.divsi %squeeze3A, %jit3A_789 : i32
        %sign3A = arith.constant 0 : i32
        %sign3A_790 = arith.cmpi sgt, %squeeze3A, %sign3A : i32
        %sign3A_791 = arith.extui %sign3A_790 : i1 to i32
        %sign3A_792 = arith.constant 0 : i32
        %sign3A_793 = arith.cmpi slt, %squeeze3A, %sign3A_792 : i32
        %sign3A_794 = arith.extui %sign3A_793 : i1 to i32
        %sign3A_795 = arith.subi %sign3A_791, %sign3A_794 : i32
        %sign3A_796 = arith.constant 0 : i32
        %sign3A_797 = arith.cmpi sgt, %jit3A_789, %sign3A_796 : i32
        %sign3A_798 = arith.extui %sign3A_797 : i1 to i32
        %sign3A_799 = arith.constant 0 : i32
        %sign3A_800 = arith.cmpi slt, %jit3A_789, %sign3A_799 : i32
        %sign3A_801 = arith.extui %sign3A_800 : i1 to i32
        %sign3A_802 = arith.subi %sign3A_798, %sign3A_801 : i32
        %ne3A = arith.cmpi ne, %sign3A_795, %sign3A_802 : i32
        %rem3A = arith.remsi %squeeze3A, %jit3A_789 : i32
        %ne3A_803 = arith.constant 0 : i32
        %ne3A_804 = arith.cmpi ne, %rem3A, %ne3A_803 : i32
        %and3A = arith.andi %ne3A, %ne3A_804 : i1
        %sub3A_805 = arith.constant 1 : i32
        %sub3A_806 = arith.subi %div3A, %sub3A_805 : i32
        %select_n3A_807 = arith.select %and3A, %sub3A_806, %div3A : i32
        %mul3A_808 = arith.constant 16 : i32
        %mul3A_809 = arith.muli %select_n3A_807, %mul3A_808 : i32
        %multiple_of3A = tpu.assume_multiple %mul3A_809, 16 : i32
        %and3A_810 = arith.constant 15 : i32
        %and3A_811 = vector.broadcast %and3A_810 : i32 to vector<16xi32>
        %and3A_812 = arith.andi %min3A_788, %and3A_811 : vector<16xi32>
        %get3A_813 = arith.index_cast %multiple_of3A : i32 to index
        %get3A_814 = tpu.vector_load %arg11[%get3A_813] {strides = array<i32>} : memref<256xf32, #tpu.memory_space<vmem>>, vector<16xf32>,
        %get3A_815 = vector.shape_cast %get3A_814 : vector<16xf32> to vector<16xf32>
        %broadcast_in_dim3A_816 = vector.shape_cast %and3A_812 : vector<16xi32> to vector<16x1xi32>
        %gather3A_817 = vector.shape_cast %broadcast_in_dim3A_816 : vector<16x1xi32> to vector<16xi32>
        %gather3A_818 = tpu.dynamic_gather %get3A_815[%gather3A_817] in [0] : vector<16xf32>, vector<16xi32> -> vector<16xf32>
        %get3A_819 = arith.index_cast %multiple_of3A : i32 to index
        %get3A_820 = tpu.vector_load %arg12[%get3A_819] {strides = array<i32>} : memref<256xf32, #tpu.memory_space<vmem>>, vector<16xf32>,
        %get3A_821 = vector.shape_cast %get3A_820 : vector<16xf32> to vector<16xf32>
        %broadcast_in_dim3A_822 = vector.shape_cast %and3A_812 : vector<16xi32> to vector<16x1xi32>
        %gather3A_823 = vector.shape_cast %broadcast_in_dim3A_822 : vector<16x1xi32> to vector<16xi32>
        %gather3A_824 = tpu.dynamic_gather %get3A_821[%gather3A_823] in [0] : vector<16xf32>, vector<16xi32> -> vector<16xf32>
        %get3A_825 = arith.index_cast %multiple_of3A : i32 to index
        %get3A_826 = tpu.vector_load %arg13[%get3A_825] {strides = array<i32>} : memref<256xf32, #tpu.memory_space<vmem>>, vector<16xf32>,
        %get3A_827 = vector.shape_cast %get3A_826 : vector<16xf32> to vector<16xf32>
        %broadcast_in_dim3A_828 = vector.shape_cast %and3A_812 : vector<16xi32> to vector<16x1xi32>
        %gather3A_829 = vector.shape_cast %broadcast_in_dim3A_828 : vector<16x1xi32> to vector<16xi32>
        %gather3A_830 = tpu.dynamic_gather %get3A_827[%gather3A_829] in [0] : vector<16xf32>, vector<16xi32> -> vector<16xf32>
        %get3A_831 = arith.constant 0 : index
        %get3A_832 = tpu.vector_load %arg11[%get3A_831] {strides = array<i32>} : memref<256xf32, #tpu.memory_space<vmem>>, vector<16xf32>,
        %get3A_833 = vector.shape_cast %get3A_832 : vector<16xf32> to vector<16xf32>
        %sub3A_834 = arith.subf %get3A_833, %gather3A_818 : vector<16xf32>
        %get3A_835 = arith.constant 0 : index
        %get3A_836 = tpu.vector_load %arg12[%get3A_835] {strides = array<i32>} : memref<256xf32, #tpu.memory_space<vmem>>, vector<16xf32>,
        %get3A_837 = vector.shape_cast %get3A_836 : vector<16xf32> to vector<16xf32>
        %sub3A_838 = arith.subf %get3A_837, %gather3A_824 : vector<16xf32>
        %get3A_839 = arith.constant 0 : index
        %get3A_840 = tpu.vector_load %arg13[%get3A_839] {strides = array<i32>} : memref<256xf32, #tpu.memory_space<vmem>>, vector<16xf32>,
        %get3A_841 = vector.shape_cast %get3A_840 : vector<16xf32> to vector<16xf32>
        %sub3A_842 = arith.subf %get3A_841, %gather3A_830 : vector<16xf32>
        %mul3A_843 = arith.mulf %sub3A_834, %sub3A_834 : vector<16xf32>
        %mul3A_844 = arith.mulf %sub3A_838, %sub3A_838 : vector<16xf32>
        %add3A_845 = arith.addf %mul3A_843, %mul3A_844 : vector<16xf32>
        %mul3A_846 = arith.mulf %sub3A_842, %sub3A_842 : vector<16xf32>
        %add3A_847 = arith.addf %add3A_845, %mul3A_846 : vector<16xf32>
        %min3A_848 = arith.minimumf %scan3A_589, %add3A_847 : vector<16xf32>
        %get3A_849 = arith.constant 16 : index
        %get3A_850 = tpu.vector_load %arg11[%get3A_849] {strides = array<i32>} : memref<256xf32, #tpu.memory_space<vmem>>, vector<16xf32>,
        %get3A_851 = vector.shape_cast %get3A_850 : vector<16xf32> to vector<16xf32>
        %sub3A_852 = arith.subf %get3A_851, %gather3A_818 : vector<16xf32>
        %get3A_853 = arith.constant 16 : index
        %get3A_854 = tpu.vector_load %arg12[%get3A_853] {strides = array<i32>} : memref<256xf32, #tpu.memory_space<vmem>>, vector<16xf32>,
        %get3A_855 = vector.shape_cast %get3A_854 : vector<16xf32> to vector<16xf32>
        %sub3A_856 = arith.subf %get3A_855, %gather3A_824 : vector<16xf32>
        %get3A_857 = arith.constant 16 : index
        %get3A_858 = tpu.vector_load %arg13[%get3A_857] {strides = array<i32>} : memref<256xf32, #tpu.memory_space<vmem>>, vector<16xf32>,
        %get3A_859 = vector.shape_cast %get3A_858 : vector<16xf32> to vector<16xf32>
        %sub3A_860 = arith.subf %get3A_859, %gather3A_830 : vector<16xf32>
        %mul3A_861 = arith.mulf %sub3A_852, %sub3A_852 : vector<16xf32>
        %mul3A_862 = arith.mulf %sub3A_856, %sub3A_856 : vector<16xf32>
        %add3A_863 = arith.addf %mul3A_861, %mul3A_862 : vector<16xf32>
        %mul3A_864 = arith.mulf %sub3A_860, %sub3A_860 : vector<16xf32>
        %add3A_865 = arith.addf %add3A_863, %mul3A_864 : vector<16xf32>
        %min3A_866 = arith.minimumf %scan3A_590, %add3A_865 : vector<16xf32>
        %max3A_867 = arith.maximumf %min3A_848, %min3A_866 : vector<16xf32>
        %get3A_868 = arith.constant 32 : index
        %get3A_869 = tpu.vector_load %arg11[%get3A_868] {strides = array<i32>} : memref<256xf32, #tpu.memory_space<vmem>>, vector<16xf32>,
        %get3A_870 = vector.shape_cast %get3A_869 : vector<16xf32> to vector<16xf32>
        %sub3A_871 = arith.subf %get3A_870, %gather3A_818 : vector<16xf32>
        %get3A_872 = arith.constant 32 : index
        %get3A_873 = tpu.vector_load %arg12[%get3A_872] {strides = array<i32>} : memref<256xf32, #tpu.memory_space<vmem>>, vector<16xf32>,
        %get3A_874 = vector.shape_cast %get3A_873 : vector<16xf32> to vector<16xf32>
        %sub3A_875 = arith.subf %get3A_874, %gather3A_824 : vector<16xf32>
        %get3A_876 = arith.constant 32 : index
        %get3A_877 = tpu.vector_load %arg13[%get3A_876] {strides = array<i32>} : memref<256xf32, #tpu.memory_space<vmem>>, vector<16xf32>,
        %get3A_878 = vector.shape_cast %get3A_877 : vector<16xf32> to vector<16xf32>
        %sub3A_879 = arith.subf %get3A_878, %gather3A_830 : vector<16xf32>
        %mul3A_880 = arith.mulf %sub3A_871, %sub3A_871 : vector<16xf32>
        %mul3A_881 = arith.mulf %sub3A_875, %sub3A_875 : vector<16xf32>
        %add3A_882 = arith.addf %mul3A_880, %mul3A_881 : vector<16xf32>
        %mul3A_883 = arith.mulf %sub3A_879, %sub3A_879 : vector<16xf32>
        %add3A_884 = arith.addf %add3A_882, %mul3A_883 : vector<16xf32>
        %min3A_885 = arith.minimumf %scan3A_591, %add3A_884 : vector<16xf32>
        %max3A_886 = arith.maximumf %max3A_867, %min3A_885 : vector<16xf32>
        %get3A_887 = arith.constant 48 : index
        %get3A_888 = tpu.vector_load %arg11[%get3A_887] {strides = array<i32>} : memref<256xf32, #tpu.memory_space<vmem>>, vector<16xf32>,
        %get3A_889 = vector.shape_cast %get3A_888 : vector<16xf32> to vector<16xf32>
        %sub3A_890 = arith.subf %get3A_889, %gather3A_818 : vector<16xf32>
        %get3A_891 = arith.constant 48 : index
        %get3A_892 = tpu.vector_load %arg12[%get3A_891] {strides = array<i32>} : memref<256xf32, #tpu.memory_space<vmem>>, vector<16xf32>,
        %get3A_893 = vector.shape_cast %get3A_892 : vector<16xf32> to vector<16xf32>
        %sub3A_894 = arith.subf %get3A_893, %gather3A_824 : vector<16xf32>
        %get3A_895 = arith.constant 48 : index
        %get3A_896 = tpu.vector_load %arg13[%get3A_895] {strides = array<i32>} : memref<256xf32, #tpu.memory_space<vmem>>, vector<16xf32>,
        %get3A_897 = vector.shape_cast %get3A_896 : vector<16xf32> to vector<16xf32>
        %sub3A_898 = arith.subf %get3A_897, %gather3A_830 : vector<16xf32>
        %mul3A_899 = arith.mulf %sub3A_890, %sub3A_890 : vector<16xf32>
        %mul3A_900 = arith.mulf %sub3A_894, %sub3A_894 : vector<16xf32>
        %add3A_901 = arith.addf %mul3A_899, %mul3A_900 : vector<16xf32>
        %mul3A_902 = arith.mulf %sub3A_898, %sub3A_898 : vector<16xf32>
        %add3A_903 = arith.addf %add3A_901, %mul3A_902 : vector<16xf32>
        %min3A_904 = arith.minimumf %scan3A_592, %add3A_903 : vector<16xf32>
        %max3A_905 = arith.maximumf %max3A_886, %min3A_904 : vector<16xf32>
        %get3A_906 = arith.constant 64 : index
        %get3A_907 = tpu.vector_load %arg11[%get3A_906] {strides = array<i32>} : memref<256xf32, #tpu.memory_space<vmem>>, vector<16xf32>,
        %get3A_908 = vector.shape_cast %get3A_907 : vector<16xf32> to vector<16xf32>
        %sub3A_909 = arith.subf %get3A_908, %gather3A_818 : vector<16xf32>
        %get3A_910 = arith.constant 64 : index
        %get3A_911 = tpu.vector_load %arg12[%get3A_910] {strides = array<i32>} : memref<256xf32, #tpu.memory_space<vmem>>, vector<16xf32>,
        %get3A_912 = vector.shape_cast %get3A_911 : vector<16xf32> to vector<16xf32>
        %sub3A_913 = arith.subf %get3A_912, %gather3A_824 : vector<16xf32>
        %get3A_914 = arith.constant 64 : index
        %get3A_915 = tpu.vector_load %arg13[%get3A_914] {strides = array<i32>} : memref<256xf32, #tpu.memory_space<vmem>>, vector<16xf32>,
        %get3A_916 = vector.shape_cast %get3A_915 : vector<16xf32> to vector<16xf32>
        %sub3A_917 = arith.subf %get3A_916, %gather3A_830 : vector<16xf32>
        %mul3A_918 = arith.mulf %sub3A_909, %sub3A_909 : vector<16xf32>
        %mul3A_919 = arith.mulf %sub3A_913, %sub3A_913 : vector<16xf32>
        %add3A_920 = arith.addf %mul3A_918, %mul3A_919 : vector<16xf32>
        %mul3A_921 = arith.mulf %sub3A_917, %sub3A_917 : vector<16xf32>
        %add3A_922 = arith.addf %add3A_920, %mul3A_921 : vector<16xf32>
        %min3A_923 = arith.minimumf %scan3A_593, %add3A_922 : vector<16xf32>
        %max3A_924 = arith.maximumf %max3A_905, %min3A_923 : vector<16xf32>
        %get3A_925 = arith.constant 80 : index
        %get3A_926 = tpu.vector_load %arg11[%get3A_925] {strides = array<i32>} : memref<256xf32, #tpu.memory_space<vmem>>, vector<16xf32>,
        %get3A_927 = vector.shape_cast %get3A_926 : vector<16xf32> to vector<16xf32>
        %sub3A_928 = arith.subf %get3A_927, %gather3A_818 : vector<16xf32>
        %get3A_929 = arith.constant 80 : index
        %get3A_930 = tpu.vector_load %arg12[%get3A_929] {strides = array<i32>} : memref<256xf32, #tpu.memory_space<vmem>>, vector<16xf32>,
        %get3A_931 = vector.shape_cast %get3A_930 : vector<16xf32> to vector<16xf32>
        %sub3A_932 = arith.subf %get3A_931, %gather3A_824 : vector<16xf32>
        %get3A_933 = arith.constant 80 : index
        %get3A_934 = tpu.vector_load %arg13[%get3A_933] {strides = array<i32>} : memref<256xf32, #tpu.memory_space<vmem>>, vector<16xf32>,
        %get3A_935 = vector.shape_cast %get3A_934 : vector<16xf32> to vector<16xf32>
        %sub3A_936 = arith.subf %get3A_935, %gather3A_830 : vector<16xf32>
        %mul3A_937 = arith.mulf %sub3A_928, %sub3A_928 : vector<16xf32>
        %mul3A_938 = arith.mulf %sub3A_932, %sub3A_932 : vector<16xf32>
        %add3A_939 = arith.addf %mul3A_937, %mul3A_938 : vector<16xf32>
        %mul3A_940 = arith.mulf %sub3A_936, %sub3A_936 : vector<16xf32>
        %add3A_941 = arith.addf %add3A_939, %mul3A_940 : vector<16xf32>
        %min3A_942 = arith.minimumf %scan3A_594, %add3A_941 : vector<16xf32>
        %max3A_943 = arith.maximumf %max3A_924, %min3A_942 : vector<16xf32>
        %get3A_944 = arith.constant 96 : index
        %get3A_945 = tpu.vector_load %arg11[%get3A_944] {strides = array<i32>} : memref<256xf32, #tpu.memory_space<vmem>>, vector<16xf32>,
        %get3A_946 = vector.shape_cast %get3A_945 : vector<16xf32> to vector<16xf32>
        %sub3A_947 = arith.subf %get3A_946, %gather3A_818 : vector<16xf32>
        %get3A_948 = arith.constant 96 : index
        %get3A_949 = tpu.vector_load %arg12[%get3A_948] {strides = array<i32>} : memref<256xf32, #tpu.memory_space<vmem>>, vector<16xf32>,
        %get3A_950 = vector.shape_cast %get3A_949 : vector<16xf32> to vector<16xf32>
        %sub3A_951 = arith.subf %get3A_950, %gather3A_824 : vector<16xf32>
        %get3A_952 = arith.constant 96 : index
        %get3A_953 = tpu.vector_load %arg13[%get3A_952] {strides = array<i32>} : memref<256xf32, #tpu.memory_space<vmem>>, vector<16xf32>,
        %get3A_954 = vector.shape_cast %get3A_953 : vector<16xf32> to vector<16xf32>
        %sub3A_955 = arith.subf %get3A_954, %gather3A_830 : vector<16xf32>
        %mul3A_956 = arith.mulf %sub3A_947, %sub3A_947 : vector<16xf32>
        %mul3A_957 = arith.mulf %sub3A_951, %sub3A_951 : vector<16xf32>
        %add3A_958 = arith.addf %mul3A_956, %mul3A_957 : vector<16xf32>
        %mul3A_959 = arith.mulf %sub3A_955, %sub3A_955 : vector<16xf32>
        %add3A_960 = arith.addf %add3A_958, %mul3A_959 : vector<16xf32>
        %min3A_961 = arith.minimumf %scan3A_595, %add3A_960 : vector<16xf32>
        %max3A_962 = arith.maximumf %max3A_943, %min3A_961 : vector<16xf32>
        %get3A_963 = arith.constant 112 : index
        %get3A_964 = tpu.vector_load %arg11[%get3A_963] {strides = array<i32>} : memref<256xf32, #tpu.memory_space<vmem>>, vector<16xf32>,
        %get3A_965 = vector.shape_cast %get3A_964 : vector<16xf32> to vector<16xf32>
        %sub3A_966 = arith.subf %get3A_965, %gather3A_818 : vector<16xf32>
        %get3A_967 = arith.constant 112 : index
        %get3A_968 = tpu.vector_load %arg12[%get3A_967] {strides = array<i32>} : memref<256xf32, #tpu.memory_space<vmem>>, vector<16xf32>,
        %get3A_969 = vector.shape_cast %get3A_968 : vector<16xf32> to vector<16xf32>
        %sub3A_970 = arith.subf %get3A_969, %gather3A_824 : vector<16xf32>
        %get3A_971 = arith.constant 112 : index
        %get3A_972 = tpu.vector_load %arg13[%get3A_971] {strides = array<i32>} : memref<256xf32, #tpu.memory_space<vmem>>, vector<16xf32>,
        %get3A_973 = vector.shape_cast %get3A_972 : vector<16xf32> to vector<16xf32>
        %sub3A_974 = arith.subf %get3A_973, %gather3A_830 : vector<16xf32>
        %mul3A_975 = arith.mulf %sub3A_966, %sub3A_966 : vector<16xf32>
        %mul3A_976 = arith.mulf %sub3A_970, %sub3A_970 : vector<16xf32>
        %add3A_977 = arith.addf %mul3A_975, %mul3A_976 : vector<16xf32>
        %mul3A_978 = arith.mulf %sub3A_974, %sub3A_974 : vector<16xf32>
        %add3A_979 = arith.addf %add3A_977, %mul3A_978 : vector<16xf32>
        %min3A_980 = arith.minimumf %scan3A_596, %add3A_979 : vector<16xf32>
        %max3A_981 = arith.maximumf %max3A_962, %min3A_980 : vector<16xf32>
        %get3A_982 = arith.constant 128 : index
        %get3A_983 = tpu.vector_load %arg11[%get3A_982] {strides = array<i32>} : memref<256xf32, #tpu.memory_space<vmem>>, vector<16xf32>,
        %get3A_984 = vector.shape_cast %get3A_983 : vector<16xf32> to vector<16xf32>
        %sub3A_985 = arith.subf %get3A_984, %gather3A_818 : vector<16xf32>
        %get3A_986 = arith.constant 128 : index
        %get3A_987 = tpu.vector_load %arg12[%get3A_986] {strides = array<i32>} : memref<256xf32, #tpu.memory_space<vmem>>, vector<16xf32>,
        %get3A_988 = vector.shape_cast %get3A_987 : vector<16xf32> to vector<16xf32>
        %sub3A_989 = arith.subf %get3A_988, %gather3A_824 : vector<16xf32>
        %get3A_990 = arith.constant 128 : index
        %get3A_991 = tpu.vector_load %arg13[%get3A_990] {strides = array<i32>} : memref<256xf32, #tpu.memory_space<vmem>>, vector<16xf32>,
        %get3A_992 = vector.shape_cast %get3A_991 : vector<16xf32> to vector<16xf32>
        %sub3A_993 = arith.subf %get3A_992, %gather3A_830 : vector<16xf32>
        %mul3A_994 = arith.mulf %sub3A_985, %sub3A_985 : vector<16xf32>
        %mul3A_995 = arith.mulf %sub3A_989, %sub3A_989 : vector<16xf32>
        %add3A_996 = arith.addf %mul3A_994, %mul3A_995 : vector<16xf32>
        %mul3A_997 = arith.mulf %sub3A_993, %sub3A_993 : vector<16xf32>
        %add3A_998 = arith.addf %add3A_996, %mul3A_997 : vector<16xf32>
        %min3A_999 = arith.minimumf %scan3A_597, %add3A_998 : vector<16xf32>
        %max3A_1000 = arith.maximumf %max3A_981, %min3A_999 : vector<16xf32>
        %get3A_1001 = arith.constant 144 : index
        %get3A_1002 = tpu.vector_load %arg11[%get3A_1001] {strides = array<i32>} : memref<256xf32, #tpu.memory_space<vmem>>, vector<16xf32>,
        %get3A_1003 = vector.shape_cast %get3A_1002 : vector<16xf32> to vector<16xf32>
        %sub3A_1004 = arith.subf %get3A_1003, %gather3A_818 : vector<16xf32>
        %get3A_1005 = arith.constant 144 : index
        %get3A_1006 = tpu.vector_load %arg12[%get3A_1005] {strides = array<i32>} : memref<256xf32, #tpu.memory_space<vmem>>, vector<16xf32>,
        %get3A_1007 = vector.shape_cast %get3A_1006 : vector<16xf32> to vector<16xf32>
        %sub3A_1008 = arith.subf %get3A_1007, %gather3A_824 : vector<16xf32>
        %get3A_1009 = arith.constant 144 : index
        %get3A_1010 = tpu.vector_load %arg13[%get3A_1009] {strides = array<i32>} : memref<256xf32, #tpu.memory_space<vmem>>, vector<16xf32>,
        %get3A_1011 = vector.shape_cast %get3A_1010 : vector<16xf32> to vector<16xf32>
        %sub3A_1012 = arith.subf %get3A_1011, %gather3A_830 : vector<16xf32>
        %mul3A_1013 = arith.mulf %sub3A_1004, %sub3A_1004 : vector<16xf32>
        %mul3A_1014 = arith.mulf %sub3A_1008, %sub3A_1008 : vector<16xf32>
        %add3A_1015 = arith.addf %mul3A_1013, %mul3A_1014 : vector<16xf32>
        %mul3A_1016 = arith.mulf %sub3A_1012, %sub3A_1012 : vector<16xf32>
        %add3A_1017 = arith.addf %add3A_1015, %mul3A_1016 : vector<16xf32>
        %min3A_1018 = arith.minimumf %scan3A_598, %add3A_1017 : vector<16xf32>
        %max3A_1019 = arith.maximumf %max3A_1000, %min3A_1018 : vector<16xf32>
        %get3A_1020 = arith.constant 160 : index
        %get3A_1021 = tpu.vector_load %arg11[%get3A_1020] {strides = array<i32>} : memref<256xf32, #tpu.memory_space<vmem>>, vector<16xf32>,
        %get3A_1022 = vector.shape_cast %get3A_1021 : vector<16xf32> to vector<16xf32>
        %sub3A_1023 = arith.subf %get3A_1022, %gather3A_818 : vector<16xf32>
        %get3A_1024 = arith.constant 160 : index
        %get3A_1025 = tpu.vector_load %arg12[%get3A_1024] {strides = array<i32>} : memref<256xf32, #tpu.memory_space<vmem>>, vector<16xf32>,
        %get3A_1026 = vector.shape_cast %get3A_1025 : vector<16xf32> to vector<16xf32>
        %sub3A_1027 = arith.subf %get3A_1026, %gather3A_824 : vector<16xf32>
        %get3A_1028 = arith.constant 160 : index
        %get3A_1029 = tpu.vector_load %arg13[%get3A_1028] {strides = array<i32>} : memref<256xf32, #tpu.memory_space<vmem>>, vector<16xf32>,
        %get3A_1030 = vector.shape_cast %get3A_1029 : vector<16xf32> to vector<16xf32>
        %sub3A_1031 = arith.subf %get3A_1030, %gather3A_830 : vector<16xf32>
        %mul3A_1032 = arith.mulf %sub3A_1023, %sub3A_1023 : vector<16xf32>
        %mul3A_1033 = arith.mulf %sub3A_1027, %sub3A_1027 : vector<16xf32>
        %add3A_1034 = arith.addf %mul3A_1032, %mul3A_1033 : vector<16xf32>
        %mul3A_1035 = arith.mulf %sub3A_1031, %sub3A_1031 : vector<16xf32>
        %add3A_1036 = arith.addf %add3A_1034, %mul3A_1035 : vector<16xf32>
        %min3A_1037 = arith.minimumf %scan3A_599, %add3A_1036 : vector<16xf32>
        %max3A_1038 = arith.maximumf %max3A_1019, %min3A_1037 : vector<16xf32>
        %get3A_1039 = arith.constant 176 : index
        %get3A_1040 = tpu.vector_load %arg11[%get3A_1039] {strides = array<i32>} : memref<256xf32, #tpu.memory_space<vmem>>, vector<16xf32>,
        %get3A_1041 = vector.shape_cast %get3A_1040 : vector<16xf32> to vector<16xf32>
        %sub3A_1042 = arith.subf %get3A_1041, %gather3A_818 : vector<16xf32>
        %get3A_1043 = arith.constant 176 : index
        %get3A_1044 = tpu.vector_load %arg12[%get3A_1043] {strides = array<i32>} : memref<256xf32, #tpu.memory_space<vmem>>, vector<16xf32>,
        %get3A_1045 = vector.shape_cast %get3A_1044 : vector<16xf32> to vector<16xf32>
        %sub3A_1046 = arith.subf %get3A_1045, %gather3A_824 : vector<16xf32>
        %get3A_1047 = arith.constant 176 : index
        %get3A_1048 = tpu.vector_load %arg13[%get3A_1047] {strides = array<i32>} : memref<256xf32, #tpu.memory_space<vmem>>, vector<16xf32>,
        %get3A_1049 = vector.shape_cast %get3A_1048 : vector<16xf32> to vector<16xf32>
        %sub3A_1050 = arith.subf %get3A_1049, %gather3A_830 : vector<16xf32>
        %mul3A_1051 = arith.mulf %sub3A_1042, %sub3A_1042 : vector<16xf32>
        %mul3A_1052 = arith.mulf %sub3A_1046, %sub3A_1046 : vector<16xf32>
        %add3A_1053 = arith.addf %mul3A_1051, %mul3A_1052 : vector<16xf32>
        %mul3A_1054 = arith.mulf %sub3A_1050, %sub3A_1050 : vector<16xf32>
        %add3A_1055 = arith.addf %add3A_1053, %mul3A_1054 : vector<16xf32>
        %min3A_1056 = arith.minimumf %scan3A_600, %add3A_1055 : vector<16xf32>
        %max3A_1057 = arith.maximumf %max3A_1038, %min3A_1056 : vector<16xf32>
        %get3A_1058 = arith.constant 192 : index
        %get3A_1059 = tpu.vector_load %arg11[%get3A_1058] {strides = array<i32>} : memref<256xf32, #tpu.memory_space<vmem>>, vector<16xf32>,
        %get3A_1060 = vector.shape_cast %get3A_1059 : vector<16xf32> to vector<16xf32>
        %sub3A_1061 = arith.subf %get3A_1060, %gather3A_818 : vector<16xf32>
        %get3A_1062 = arith.constant 192 : index
        %get3A_1063 = tpu.vector_load %arg12[%get3A_1062] {strides = array<i32>} : memref<256xf32, #tpu.memory_space<vmem>>, vector<16xf32>,
        %get3A_1064 = vector.shape_cast %get3A_1063 : vector<16xf32> to vector<16xf32>
        %sub3A_1065 = arith.subf %get3A_1064, %gather3A_824 : vector<16xf32>
        %get3A_1066 = arith.constant 192 : index
        %get3A_1067 = tpu.vector_load %arg13[%get3A_1066] {strides = array<i32>} : memref<256xf32, #tpu.memory_space<vmem>>, vector<16xf32>,
        %get3A_1068 = vector.shape_cast %get3A_1067 : vector<16xf32> to vector<16xf32>
        %sub3A_1069 = arith.subf %get3A_1068, %gather3A_830 : vector<16xf32>
        %mul3A_1070 = arith.mulf %sub3A_1061, %sub3A_1061 : vector<16xf32>
        %mul3A_1071 = arith.mulf %sub3A_1065, %sub3A_1065 : vector<16xf32>
        %add3A_1072 = arith.addf %mul3A_1070, %mul3A_1071 : vector<16xf32>
        %mul3A_1073 = arith.mulf %sub3A_1069, %sub3A_1069 : vector<16xf32>
        %add3A_1074 = arith.addf %add3A_1072, %mul3A_1073 : vector<16xf32>
        %min3A_1075 = arith.minimumf %scan3A_601, %add3A_1074 : vector<16xf32>
        %max3A_1076 = arith.maximumf %max3A_1057, %min3A_1075 : vector<16xf32>
        %get3A_1077 = arith.constant 208 : index
        %get3A_1078 = tpu.vector_load %arg11[%get3A_1077] {strides = array<i32>} : memref<256xf32, #tpu.memory_space<vmem>>, vector<16xf32>,
        %get3A_1079 = vector.shape_cast %get3A_1078 : vector<16xf32> to vector<16xf32>
        %sub3A_1080 = arith.subf %get3A_1079, %gather3A_818 : vector<16xf32>
        %get3A_1081 = arith.constant 208 : index
        %get3A_1082 = tpu.vector_load %arg12[%get3A_1081] {strides = array<i32>} : memref<256xf32, #tpu.memory_space<vmem>>, vector<16xf32>,
        %get3A_1083 = vector.shape_cast %get3A_1082 : vector<16xf32> to vector<16xf32>
        %sub3A_1084 = arith.subf %get3A_1083, %gather3A_824 : vector<16xf32>
        %get3A_1085 = arith.constant 208 : index
        %get3A_1086 = tpu.vector_load %arg13[%get3A_1085] {strides = array<i32>} : memref<256xf32, #tpu.memory_space<vmem>>, vector<16xf32>,
        %get3A_1087 = vector.shape_cast %get3A_1086 : vector<16xf32> to vector<16xf32>
        %sub3A_1088 = arith.subf %get3A_1087, %gather3A_830 : vector<16xf32>
        %mul3A_1089 = arith.mulf %sub3A_1080, %sub3A_1080 : vector<16xf32>
        %mul3A_1090 = arith.mulf %sub3A_1084, %sub3A_1084 : vector<16xf32>
        %add3A_1091 = arith.addf %mul3A_1089, %mul3A_1090 : vector<16xf32>
        %mul3A_1092 = arith.mulf %sub3A_1088, %sub3A_1088 : vector<16xf32>
        %add3A_1093 = arith.addf %add3A_1091, %mul3A_1092 : vector<16xf32>
        %min3A_1094 = arith.minimumf %scan3A_602, %add3A_1093 : vector<16xf32>
        %max3A_1095 = arith.maximumf %max3A_1076, %min3A_1094 : vector<16xf32>
        %get3A_1096 = arith.constant 224 : index
        %get3A_1097 = tpu.vector_load %arg11[%get3A_1096] {strides = array<i32>} : memref<256xf32, #tpu.memory_space<vmem>>, vector<16xf32>,
        %get3A_1098 = vector.shape_cast %get3A_1097 : vector<16xf32> to vector<16xf32>
        %sub3A_1099 = arith.subf %get3A_1098, %gather3A_818 : vector<16xf32>
        %get3A_1100 = arith.constant 224 : index
        %get3A_1101 = tpu.vector_load %arg12[%get3A_1100] {strides = array<i32>} : memref<256xf32, #tpu.memory_space<vmem>>, vector<16xf32>,
        %get3A_1102 = vector.shape_cast %get3A_1101 : vector<16xf32> to vector<16xf32>
        %sub3A_1103 = arith.subf %get3A_1102, %gather3A_824 : vector<16xf32>
        %get3A_1104 = arith.constant 224 : index
        %get3A_1105 = tpu.vector_load %arg13[%get3A_1104] {strides = array<i32>} : memref<256xf32, #tpu.memory_space<vmem>>, vector<16xf32>,
        %get3A_1106 = vector.shape_cast %get3A_1105 : vector<16xf32> to vector<16xf32>
        %sub3A_1107 = arith.subf %get3A_1106, %gather3A_830 : vector<16xf32>
        %mul3A_1108 = arith.mulf %sub3A_1099, %sub3A_1099 : vector<16xf32>
        %mul3A_1109 = arith.mulf %sub3A_1103, %sub3A_1103 : vector<16xf32>
        %add3A_1110 = arith.addf %mul3A_1108, %mul3A_1109 : vector<16xf32>
        %mul3A_1111 = arith.mulf %sub3A_1107, %sub3A_1107 : vector<16xf32>
        %add3A_1112 = arith.addf %add3A_1110, %mul3A_1111 : vector<16xf32>
        %min3A_1113 = arith.minimumf %scan3A_603, %add3A_1112 : vector<16xf32>
        %max3A_1114 = arith.maximumf %max3A_1095, %min3A_1113 : vector<16xf32>
        %get3A_1115 = arith.constant 240 : index
        %get3A_1116 = tpu.vector_load %arg11[%get3A_1115] {strides = array<i32>} : memref<256xf32, #tpu.memory_space<vmem>>, vector<16xf32>,
        %get3A_1117 = vector.shape_cast %get3A_1116 : vector<16xf32> to vector<16xf32>
        %sub3A_1118 = arith.subf %get3A_1117, %gather3A_818 : vector<16xf32>
        %get3A_1119 = arith.constant 240 : index
        %get3A_1120 = tpu.vector_load %arg12[%get3A_1119] {strides = array<i32>} : memref<256xf32, #tpu.memory_space<vmem>>, vector<16xf32>,
        %get3A_1121 = vector.shape_cast %get3A_1120 : vector<16xf32> to vector<16xf32>
        %sub3A_1122 = arith.subf %get3A_1121, %gather3A_824 : vector<16xf32>
        %get3A_1123 = arith.constant 240 : index
        %get3A_1124 = tpu.vector_load %arg13[%get3A_1123] {strides = array<i32>} : memref<256xf32, #tpu.memory_space<vmem>>, vector<16xf32>,
        %get3A_1125 = vector.shape_cast %get3A_1124 : vector<16xf32> to vector<16xf32>
        %sub3A_1126 = arith.subf %get3A_1125, %gather3A_830 : vector<16xf32>
        %mul3A_1127 = arith.mulf %sub3A_1118, %sub3A_1118 : vector<16xf32>
        %mul3A_1128 = arith.mulf %sub3A_1122, %sub3A_1122 : vector<16xf32>
        %add3A_1129 = arith.addf %mul3A_1127, %mul3A_1128 : vector<16xf32>
        %mul3A_1130 = arith.mulf %sub3A_1126, %sub3A_1126 : vector<16xf32>
        %add3A_1131 = arith.addf %add3A_1129, %mul3A_1130 : vector<16xf32>
        %min3A_1132 = arith.minimumf %scan3A_604, %add3A_1131 : vector<16xf32>
        %max3A_1133 = arith.maximumf %max3A_1114, %min3A_1132 : vector<16xf32>
        %and3A_1134 = arith.constant 15 : i32
        %and3A_1135 = vector.broadcast %and3A_1134 : i32 to vector<16xi32>
        %and3A_1136 = arith.andi %scan3A_587, %and3A_1135 : vector<16xi32>
        %convert_element_type3A_1137 = arith.sitofp %min3A_788 : vector<16xi32> to vector<16xf32>
        %jit3A_1138 = arith.constant 16 : i32
        %div3A_1139 = arith.divsi %scan3A_586, %jit3A_1138 : i32
        %sign3A_1140 = arith.constant 0 : i32
        %sign3A_1141 = arith.cmpi sgt, %scan3A_586, %sign3A_1140 : i32
        %sign3A_1142 = arith.extui %sign3A_1141 : i1 to i32
        %sign3A_1143 = arith.constant 0 : i32
        %sign3A_1144 = arith.cmpi slt, %scan3A_586, %sign3A_1143 : i32
        %sign3A_1145 = arith.extui %sign3A_1144 : i1 to i32
        %sign3A_1146 = arith.subi %sign3A_1142, %sign3A_1145 : i32
        %sign3A_1147 = arith.constant 0 : i32
        %sign3A_1148 = arith.cmpi sgt, %jit3A_1138, %sign3A_1147 : i32
        %sign3A_1149 = arith.extui %sign3A_1148 : i1 to i32
        %sign3A_1150 = arith.constant 0 : i32
        %sign3A_1151 = arith.cmpi slt, %jit3A_1138, %sign3A_1150 : i32
        %sign3A_1152 = arith.extui %sign3A_1151 : i1 to i32
        %sign3A_1153 = arith.subi %sign3A_1149, %sign3A_1152 : i32
        %ne3A_1154 = arith.cmpi ne, %sign3A_1146, %sign3A_1153 : i32
        %rem3A_1155 = arith.remsi %scan3A_586, %jit3A_1138 : i32
        %ne3A_1156 = arith.constant 0 : i32
        %ne3A_1157 = arith.cmpi ne, %rem3A_1155, %ne3A_1156 : i32
        %and3A_1158 = arith.andi %ne3A_1154, %ne3A_1157 : i1
        %sub3A_1159 = arith.constant 1 : i32
        %sub3A_1160 = arith.subi %div3A_1139, %sub3A_1159 : i32
        %select_n3A_1161 = arith.select %and3A_1158, %sub3A_1160, %div3A_1139 : i32
        %mul3A_1162 = arith.constant 16 : i32
        %mul3A_1163 = arith.muli %select_n3A_1161, %mul3A_1162 : i32
        %multiple_of3A_1164 = tpu.assume_multiple %mul3A_1163, 16 : i32
        %get3A_1165 = arith.index_cast %multiple_of3A_1164 : i32 to index
        %get3A_1166 = tpu.vector_load %arg14[%get3A_1165] {strides = array<i32>} : memref<128xf32, #tpu.memory_space<vmem>>, vector<16xf32>,
        %get3A_1167 = vector.shape_cast %get3A_1166 : vector<16xf32> to vector<16xf32>
        %eq3A_1168 = arith.cmpi eq, %iota3A, %and3A_1136 : vector<16xi32>
        %select_n3A_1169 = arith.select %eq3A_1168, %convert_element_type3A_1137, %get3A_1167 : vector<16xi1>, vector<16xf32>
        %swap3A_1170 = arith.index_cast %multiple_of3A_1164 : i32 to index
        %swap3A_1171 = tpu.vector_load %arg14[%swap3A_1170] {strides = array<i32>} : memref<128xf32, #tpu.memory_space<vmem>>, vector<16xf32>,
        %swap3A_1172 = vector.shape_cast %swap3A_1171 : vector<16xf32> to vector<16xf32>
        %swap3A_1173 = vector.shape_cast %select_n3A_1169 : vector<16xf32> to vector<16xf32>
        tpu.vector_store %arg14[%swap3A_1170], %swap3A_1173 {strides = array<i32>} : memref<128xf32, #tpu.memory_space<vmem>>, vector<16xf32>,
        %jit3A_1174 = arith.constant 16 : i32
        %div3A_1175 = arith.divsi %scan3A_586, %jit3A_1174 : i32
        %sign3A_1176 = arith.constant 0 : i32
        %sign3A_1177 = arith.cmpi sgt, %scan3A_586, %sign3A_1176 : i32
        %sign3A_1178 = arith.extui %sign3A_1177 : i1 to i32
        %sign3A_1179 = arith.constant 0 : i32
        %sign3A_1180 = arith.cmpi slt, %scan3A_586, %sign3A_1179 : i32
        %sign3A_1181 = arith.extui %sign3A_1180 : i1 to i32
        %sign3A_1182 = arith.subi %sign3A_1178, %sign3A_1181 : i32
        %sign3A_1183 = arith.constant 0 : i32
        %sign3A_1184 = arith.cmpi sgt, %jit3A_1174, %sign3A_1183 : i32
        %sign3A_1185 = arith.extui %sign3A_1184 : i1 to i32
        %sign3A_1186 = arith.constant 0 : i32
        %sign3A_1187 = arith.cmpi slt, %jit3A_1174, %sign3A_1186 : i32
        %sign3A_1188 = arith.extui %sign3A_1187 : i1 to i32
        %sign3A_1189 = arith.subi %sign3A_1185, %sign3A_1188 : i32
        %ne3A_1190 = arith.cmpi ne, %sign3A_1182, %sign3A_1189 : i32
        %rem3A_1191 = arith.remsi %scan3A_586, %jit3A_1174 : i32
        %ne3A_1192 = arith.constant 0 : i32
        %ne3A_1193 = arith.cmpi ne, %rem3A_1191, %ne3A_1192 : i32
        %and3A_1194 = arith.andi %ne3A_1190, %ne3A_1193 : i1
        %sub3A_1195 = arith.constant 1 : i32
        %sub3A_1196 = arith.subi %div3A_1175, %sub3A_1195 : i32
        %select_n3A_1197 = arith.select %and3A_1194, %sub3A_1196, %div3A_1175 : i32
        %mul3A_1198 = arith.constant 16 : i32
        %mul3A_1199 = arith.muli %select_n3A_1197, %mul3A_1198 : i32
        %multiple_of3A_1200 = tpu.assume_multiple %mul3A_1199, 16 : i32
        %get3A_1201 = arith.index_cast %multiple_of3A_1200 : i32 to index
        %get3A_1202 = tpu.vector_load %arg15[%get3A_1201] {strides = array<i32>} : memref<128xf32, #tpu.memory_space<vmem>>, vector<16xf32>,
        %get3A_1203 = vector.shape_cast %get3A_1202 : vector<16xf32> to vector<16xf32>
        %eq3A_1204 = arith.cmpi eq, %iota3A, %and3A_1136 : vector<16xi32>
        %select_n3A_1205 = arith.select %eq3A_1204, %gather3A_818, %get3A_1203 : vector<16xi1>, vector<16xf32>
        %swap3A_1206 = arith.index_cast %multiple_of3A_1200 : i32 to index
        %swap3A_1207 = tpu.vector_load %arg15[%swap3A_1206] {strides = array<i32>} : memref<128xf32, #tpu.memory_space<vmem>>, vector<16xf32>,
        %swap3A_1208 = vector.shape_cast %swap3A_1207 : vector<16xf32> to vector<16xf32>
        %swap3A_1209 = vector.shape_cast %select_n3A_1205 : vector<16xf32> to vector<16xf32>
        tpu.vector_store %arg15[%swap3A_1206], %swap3A_1209 {strides = array<i32>} : memref<128xf32, #tpu.memory_space<vmem>>, vector<16xf32>,
        %jit3A_1210 = arith.constant 16 : i32
        %div3A_1211 = arith.divsi %scan3A_586, %jit3A_1210 : i32
        %sign3A_1212 = arith.constant 0 : i32
        %sign3A_1213 = arith.cmpi sgt, %scan3A_586, %sign3A_1212 : i32
        %sign3A_1214 = arith.extui %sign3A_1213 : i1 to i32
        %sign3A_1215 = arith.constant 0 : i32
        %sign3A_1216 = arith.cmpi slt, %scan3A_586, %sign3A_1215 : i32
        %sign3A_1217 = arith.extui %sign3A_1216 : i1 to i32
        %sign3A_1218 = arith.subi %sign3A_1214, %sign3A_1217 : i32
        %sign3A_1219 = arith.constant 0 : i32
        %sign3A_1220 = arith.cmpi sgt, %jit3A_1210, %sign3A_1219 : i32
        %sign3A_1221 = arith.extui %sign3A_1220 : i1 to i32
        %sign3A_1222 = arith.constant 0 : i32
        %sign3A_1223 = arith.cmpi slt, %jit3A_1210, %sign3A_1222 : i32
        %sign3A_1224 = arith.extui %sign3A_1223 : i1 to i32
        %sign3A_1225 = arith.subi %sign3A_1221, %sign3A_1224 : i32
        %ne3A_1226 = arith.cmpi ne, %sign3A_1218, %sign3A_1225 : i32
        %rem3A_1227 = arith.remsi %scan3A_586, %jit3A_1210 : i32
        %ne3A_1228 = arith.constant 0 : i32
        %ne3A_1229 = arith.cmpi ne, %rem3A_1227, %ne3A_1228 : i32
        %and3A_1230 = arith.andi %ne3A_1226, %ne3A_1229 : i1
        %sub3A_1231 = arith.constant 1 : i32
        %sub3A_1232 = arith.subi %div3A_1211, %sub3A_1231 : i32
        %select_n3A_1233 = arith.select %and3A_1230, %sub3A_1232, %div3A_1211 : i32
        %mul3A_1234 = arith.constant 16 : i32
        %mul3A_1235 = arith.muli %select_n3A_1233, %mul3A_1234 : i32
        %multiple_of3A_1236 = tpu.assume_multiple %mul3A_1235, 16 : i32
        %get3A_1237 = arith.index_cast %multiple_of3A_1236 : i32 to index
        %get3A_1238 = tpu.vector_load %arg16[%get3A_1237] {strides = array<i32>} : memref<128xf32, #tpu.memory_space<vmem>>, vector<16xf32>,
        %get3A_1239 = vector.shape_cast %get3A_1238 : vector<16xf32> to vector<16xf32>
        %eq3A_1240 = arith.cmpi eq, %iota3A, %and3A_1136 : vector<16xi32>
        %select_n3A_1241 = arith.select %eq3A_1240, %gather3A_824, %get3A_1239 : vector<16xi1>, vector<16xf32>
        %swap3A_1242 = arith.index_cast %multiple_of3A_1236 : i32 to index
        %swap3A_1243 = tpu.vector_load %arg16[%swap3A_1242] {strides = array<i32>} : memref<128xf32, #tpu.memory_space<vmem>>, vector<16xf32>,
        %swap3A_1244 = vector.shape_cast %swap3A_1243 : vector<16xf32> to vector<16xf32>
        %swap3A_1245 = vector.shape_cast %select_n3A_1241 : vector<16xf32> to vector<16xf32>
        tpu.vector_store %arg16[%swap3A_1242], %swap3A_1245 {strides = array<i32>} : memref<128xf32, #tpu.memory_space<vmem>>, vector<16xf32>,
        %jit3A_1246 = arith.constant 16 : i32
        %div3A_1247 = arith.divsi %scan3A_586, %jit3A_1246 : i32
        %sign3A_1248 = arith.constant 0 : i32
        %sign3A_1249 = arith.cmpi sgt, %scan3A_586, %sign3A_1248 : i32
        %sign3A_1250 = arith.extui %sign3A_1249 : i1 to i32
        %sign3A_1251 = arith.constant 0 : i32
        %sign3A_1252 = arith.cmpi slt, %scan3A_586, %sign3A_1251 : i32
        %sign3A_1253 = arith.extui %sign3A_1252 : i1 to i32
        %sign3A_1254 = arith.subi %sign3A_1250, %sign3A_1253 : i32
        %sign3A_1255 = arith.constant 0 : i32
        %sign3A_1256 = arith.cmpi sgt, %jit3A_1246, %sign3A_1255 : i32
        %sign3A_1257 = arith.extui %sign3A_1256 : i1 to i32
        %sign3A_1258 = arith.constant 0 : i32
        %sign3A_1259 = arith.cmpi slt, %jit3A_1246, %sign3A_1258 : i32
        %sign3A_1260 = arith.extui %sign3A_1259 : i1 to i32
        %sign3A_1261 = arith.subi %sign3A_1257, %sign3A_1260 : i32
        %ne3A_1262 = arith.cmpi ne, %sign3A_1254, %sign3A_1261 : i32
        %rem3A_1263 = arith.remsi %scan3A_586, %jit3A_1246 : i32
        %ne3A_1264 = arith.constant 0 : i32
        %ne3A_1265 = arith.cmpi ne, %rem3A_1263, %ne3A_1264 : i32
        %and3A_1266 = arith.andi %ne3A_1262, %ne3A_1265 : i1
        %sub3A_1267 = arith.constant 1 : i32
        %sub3A_1268 = arith.subi %div3A_1247, %sub3A_1267 : i32
        %select_n3A_1269 = arith.select %and3A_1266, %sub3A_1268, %div3A_1247 : i32
        %mul3A_1270 = arith.constant 16 : i32
        %mul3A_1271 = arith.muli %select_n3A_1269, %mul3A_1270 : i32
        %multiple_of3A_1272 = tpu.assume_multiple %mul3A_1271, 16 : i32
        %get3A_1273 = arith.index_cast %multiple_of3A_1272 : i32 to index
        %get3A_1274 = tpu.vector_load %arg17[%get3A_1273] {strides = array<i32>} : memref<128xf32, #tpu.memory_space<vmem>>, vector<16xf32>,
        %get3A_1275 = vector.shape_cast %get3A_1274 : vector<16xf32> to vector<16xf32>
        %eq3A_1276 = arith.cmpi eq, %iota3A, %and3A_1136 : vector<16xi32>
        %select_n3A_1277 = arith.select %eq3A_1276, %gather3A_830, %get3A_1275 : vector<16xi1>, vector<16xf32>
        %swap3A_1278 = arith.index_cast %multiple_of3A_1272 : i32 to index
        %swap3A_1279 = tpu.vector_load %arg17[%swap3A_1278] {strides = array<i32>} : memref<128xf32, #tpu.memory_space<vmem>>, vector<16xf32>,
        %swap3A_1280 = vector.shape_cast %swap3A_1279 : vector<16xf32> to vector<16xf32>
        %swap3A_1281 = vector.shape_cast %select_n3A_1277 : vector<16xf32> to vector<16xf32>
        tpu.vector_store %arg17[%swap3A_1278], %swap3A_1281 {strides = array<i32>} : memref<128xf32, #tpu.memory_space<vmem>>, vector<16xf32>,
        %add3A_1282 = arith.constant 1 : i32
        %add3A_1283 = vector.broadcast %add3A_1282 : i32 to vector<16xi32>
        %add3A_1284 = arith.addi %scan3A_587, %add3A_1283 : vector<16xi32>
        scf.yield %add3A_1284, %max3A_1133, %min3A_848, %min3A_866, %min3A_885, %min3A_904, %min3A_923, %min3A_942, %min3A_961, %min3A_980, %min3A_999, %min3A_1018, %min3A_1037, %min3A_1056, %min3A_1075, %min3A_1094, %min3A_1113, %min3A_1132 : vector<16xi32>, vector<16xf32>, vector<16xf32>, vector<16xf32>, vector<16xf32>, vector<16xf32>, vector<16xf32>, vector<16xf32>, vector<16xf32>, vector<16xf32>, vector<16xf32>, vector<16xf32>, vector<16xf32>, vector<16xf32>, vector<16xf32>, vector<16xf32>, vector<16xf32>, vector<16xf32>
      }
      %scan3A_357 = arith.constant 127 : i32
      %iota3A_358 = tpu.iota {dimensions = array<i32: 0>} : vector<16xi32>
      %get3A_359 = arith.constant 0 : index
      %get3A_360 = tpu.vector_load %arg15[%get3A_359] {strides = array<i32>} : memref<128xf32, #tpu.memory_space<vmem>>, vector<16xf32>,
      %get3A_361 = vector.shape_cast %get3A_360 : vector<16xf32> to vector<16xf32>
      %broadcast_in_dim3A_362 = arith.constant 0 : i32
      %broadcast_in_dim3A_363 = vector.broadcast %broadcast_in_dim3A_362 : i32 to vector<16xi32>
      %broadcast_in_dim3A_364 = vector.shape_cast %broadcast_in_dim3A_363 : vector<16xi32> to vector<16x1xi32>
      %gather3A_365 = vector.shape_cast %broadcast_in_dim3A_364 : vector<16x1xi32> to vector<16xi32>
      %gather3A_366 = tpu.dynamic_gather %get3A_361[%gather3A_365] in [0] : vector<16xf32>, vector<16xi32> -> vector<16xf32>
      %get3A_367 = arith.constant 0 : index
      %get3A_368 = tpu.vector_load %arg16[%get3A_367] {strides = array<i32>} : memref<128xf32, #tpu.memory_space<vmem>>, vector<16xf32>,
      %get3A_369 = vector.shape_cast %get3A_368 : vector<16xf32> to vector<16xf32>
      %broadcast_in_dim3A_370 = arith.constant 0 : i32
      %broadcast_in_dim3A_371 = vector.broadcast %broadcast_in_dim3A_370 : i32 to vector<16xi32>
      %broadcast_in_dim3A_372 = vector.shape_cast %broadcast_in_dim3A_371 : vector<16xi32> to vector<16x1xi32>
      %gather3A_373 = vector.shape_cast %broadcast_in_dim3A_372 : vector<16x1xi32> to vector<16xi32>
      %gather3A_374 = tpu.dynamic_gather %get3A_369[%gather3A_373] in [0] : vector<16xf32>, vector<16xi32> -> vector<16xf32>
      %get3A_375 = arith.constant 0 : index
      %get3A_376 = tpu.vector_load %arg17[%get3A_375] {strides = array<i32>} : memref<128xf32, #tpu.memory_space<vmem>>, vector<16xf32>,
      %get3A_377 = vector.shape_cast %get3A_376 : vector<16xf32> to vector<16xf32>
      %broadcast_in_dim3A_378 = arith.constant 0 : i32
      %broadcast_in_dim3A_379 = vector.broadcast %broadcast_in_dim3A_378 : i32 to vector<16xi32>
      %broadcast_in_dim3A_380 = vector.shape_cast %broadcast_in_dim3A_379 : vector<16xi32> to vector<16x1xi32>
      %gather3A_381 = vector.shape_cast %broadcast_in_dim3A_380 : vector<16x1xi32> to vector<16xi32>
      %gather3A_382 = tpu.dynamic_gather %get3A_377[%gather3A_381] in [0] : vector<16xf32>, vector<16xi32> -> vector<16xf32>
      %get3A_383 = arith.constant 0 : index
      %get3A_384 = tpu.vector_load %arg15[%get3A_383] {strides = array<i32>} : memref<128xf32, #tpu.memory_space<vmem>>, vector<16xf32>,
      %get3A_385 = vector.shape_cast %get3A_384 : vector<16xf32> to vector<16xf32>
      %sub3A_386 = arith.subf %get3A_385, %gather3A_366 : vector<16xf32>
      %get3A_387 = arith.constant 0 : index
      %get3A_388 = tpu.vector_load %arg16[%get3A_387] {strides = array<i32>} : memref<128xf32, #tpu.memory_space<vmem>>, vector<16xf32>,
      %get3A_389 = vector.shape_cast %get3A_388 : vector<16xf32> to vector<16xf32>
      %sub3A_390 = arith.subf %get3A_389, %gather3A_374 : vector<16xf32>
      %get3A_391 = arith.constant 0 : index
      %get3A_392 = tpu.vector_load %arg17[%get3A_391] {strides = array<i32>} : memref<128xf32, #tpu.memory_space<vmem>>, vector<16xf32>,
      %get3A_393 = vector.shape_cast %get3A_392 : vector<16xf32> to vector<16xf32>
      %sub3A_394 = arith.subf %get3A_393, %gather3A_382 : vector<16xf32>
      %mul3A_395 = arith.mulf %sub3A_386, %sub3A_386 : vector<16xf32>
      %mul3A_396 = arith.mulf %sub3A_390, %sub3A_390 : vector<16xf32>
      %add3A_397 = arith.addf %mul3A_395, %mul3A_396 : vector<16xf32>
      %mul3A_398 = arith.mulf %sub3A_394, %sub3A_394 : vector<16xf32>
      %add3A_399 = arith.addf %add3A_397, %mul3A_398 : vector<16xf32>
      %get3A_400 = arith.constant 16 : index
      %get3A_401 = tpu.vector_load %arg15[%get3A_400] {strides = array<i32>} : memref<128xf32, #tpu.memory_space<vmem>>, vector<16xf32>,
      %get3A_402 = vector.shape_cast %get3A_401 : vector<16xf32> to vector<16xf32>
      %sub3A_403 = arith.subf %get3A_402, %gather3A_366 : vector<16xf32>
      %get3A_404 = arith.constant 16 : index
      %get3A_405 = tpu.vector_load %arg16[%get3A_404] {strides = array<i32>} : memref<128xf32, #tpu.memory_space<vmem>>, vector<16xf32>,
      %get3A_406 = vector.shape_cast %get3A_405 : vector<16xf32> to vector<16xf32>
      %sub3A_407 = arith.subf %get3A_406, %gather3A_374 : vector<16xf32>
      %get3A_408 = arith.constant 16 : index
      %get3A_409 = tpu.vector_load %arg17[%get3A_408] {strides = array<i32>} : memref<128xf32, #tpu.memory_space<vmem>>, vector<16xf32>,
      %get3A_410 = vector.shape_cast %get3A_409 : vector<16xf32> to vector<16xf32>
      %sub3A_411 = arith.subf %get3A_410, %gather3A_382 : vector<16xf32>
      %mul3A_412 = arith.mulf %sub3A_403, %sub3A_403 : vector<16xf32>
      %mul3A_413 = arith.mulf %sub3A_407, %sub3A_407 : vector<16xf32>
      %add3A_414 = arith.addf %mul3A_412, %mul3A_413 : vector<16xf32>
      %mul3A_415 = arith.mulf %sub3A_411, %sub3A_411 : vector<16xf32>
      %add3A_416 = arith.addf %add3A_414, %mul3A_415 : vector<16xf32>
      %max3A_417 = arith.maximumf %add3A_399, %add3A_416 : vector<16xf32>
      %get3A_418 = arith.constant 32 : index
      %get3A_419 = tpu.vector_load %arg15[%get3A_418] {strides = array<i32>} : memref<128xf32, #tpu.memory_space<vmem>>, vector<16xf32>,
      %get3A_420 = vector.shape_cast %get3A_419 : vector<16xf32> to vector<16xf32>
      %sub3A_421 = arith.subf %get3A_420, %gather3A_366 : vector<16xf32>
      %get3A_422 = arith.constant 32 : index
      %get3A_423 = tpu.vector_load %arg16[%get3A_422] {strides = array<i32>} : memref<128xf32, #tpu.memory_space<vmem>>, vector<16xf32>,
      %get3A_424 = vector.shape_cast %get3A_423 : vector<16xf32> to vector<16xf32>
      %sub3A_425 = arith.subf %get3A_424, %gather3A_374 : vector<16xf32>
      %get3A_426 = arith.constant 32 : index
      %get3A_427 = tpu.vector_load %arg17[%get3A_426] {strides = array<i32>} : memref<128xf32, #tpu.memory_space<vmem>>, vector<16xf32>,
      %get3A_428 = vector.shape_cast %get3A_427 : vector<16xf32> to vector<16xf32>
      %sub3A_429 = arith.subf %get3A_428, %gather3A_382 : vector<16xf32>
      %mul3A_430 = arith.mulf %sub3A_421, %sub3A_421 : vector<16xf32>
      %mul3A_431 = arith.mulf %sub3A_425, %sub3A_425 : vector<16xf32>
      %add3A_432 = arith.addf %mul3A_430, %mul3A_431 : vector<16xf32>
      %mul3A_433 = arith.mulf %sub3A_429, %sub3A_429 : vector<16xf32>
      %add3A_434 = arith.addf %add3A_432, %mul3A_433 : vector<16xf32>
      %max3A_435 = arith.maximumf %max3A_417, %add3A_434 : vector<16xf32>
      %get3A_436 = arith.constant 48 : index
      %get3A_437 = tpu.vector_load %arg15[%get3A_436] {strides = array<i32>} : memref<128xf32, #tpu.memory_space<vmem>>, vector<16xf32>,
      %get3A_438 = vector.shape_cast %get3A_437 : vector<16xf32> to vector<16xf32>
      %sub3A_439 = arith.subf %get3A_438, %gather3A_366 : vector<16xf32>
      %get3A_440 = arith.constant 48 : index
      %get3A_441 = tpu.vector_load %arg16[%get3A_440] {strides = array<i32>} : memref<128xf32, #tpu.memory_space<vmem>>, vector<16xf32>,
      %get3A_442 = vector.shape_cast %get3A_441 : vector<16xf32> to vector<16xf32>
      %sub3A_443 = arith.subf %get3A_442, %gather3A_374 : vector<16xf32>
      %get3A_444 = arith.constant 48 : index
      %get3A_445 = tpu.vector_load %arg17[%get3A_444] {strides = array<i32>} : memref<128xf32, #tpu.memory_space<vmem>>, vector<16xf32>,
      %get3A_446 = vector.shape_cast %get3A_445 : vector<16xf32> to vector<16xf32>
      %sub3A_447 = arith.subf %get3A_446, %gather3A_382 : vector<16xf32>
      %mul3A_448 = arith.mulf %sub3A_439, %sub3A_439 : vector<16xf32>
      %mul3A_449 = arith.mulf %sub3A_443, %sub3A_443 : vector<16xf32>
      %add3A_450 = arith.addf %mul3A_448, %mul3A_449 : vector<16xf32>
      %mul3A_451 = arith.mulf %sub3A_447, %sub3A_447 : vector<16xf32>
      %add3A_452 = arith.addf %add3A_450, %mul3A_451 : vector<16xf32>
      %max3A_453 = arith.maximumf %max3A_435, %add3A_452 : vector<16xf32>
      %get3A_454 = arith.constant 64 : index
      %get3A_455 = tpu.vector_load %arg15[%get3A_454] {strides = array<i32>} : memref<128xf32, #tpu.memory_space<vmem>>, vector<16xf32>,
      %get3A_456 = vector.shape_cast %get3A_455 : vector<16xf32> to vector<16xf32>
      %sub3A_457 = arith.subf %get3A_456, %gather3A_366 : vector<16xf32>
      %get3A_458 = arith.constant 64 : index
      %get3A_459 = tpu.vector_load %arg16[%get3A_458] {strides = array<i32>} : memref<128xf32, #tpu.memory_space<vmem>>, vector<16xf32>,
      %get3A_460 = vector.shape_cast %get3A_459 : vector<16xf32> to vector<16xf32>
      %sub3A_461 = arith.subf %get3A_460, %gather3A_374 : vector<16xf32>
      %get3A_462 = arith.constant 64 : index
      %get3A_463 = tpu.vector_load %arg17[%get3A_462] {strides = array<i32>} : memref<128xf32, #tpu.memory_space<vmem>>, vector<16xf32>,
      %get3A_464 = vector.shape_cast %get3A_463 : vector<16xf32> to vector<16xf32>
      %sub3A_465 = arith.subf %get3A_464, %gather3A_382 : vector<16xf32>
      %mul3A_466 = arith.mulf %sub3A_457, %sub3A_457 : vector<16xf32>
      %mul3A_467 = arith.mulf %sub3A_461, %sub3A_461 : vector<16xf32>
      %add3A_468 = arith.addf %mul3A_466, %mul3A_467 : vector<16xf32>
      %mul3A_469 = arith.mulf %sub3A_465, %sub3A_465 : vector<16xf32>
      %add3A_470 = arith.addf %add3A_468, %mul3A_469 : vector<16xf32>
      %max3A_471 = arith.maximumf %max3A_453, %add3A_470 : vector<16xf32>
      %get3A_472 = arith.constant 80 : index
      %get3A_473 = tpu.vector_load %arg15[%get3A_472] {strides = array<i32>} : memref<128xf32, #tpu.memory_space<vmem>>, vector<16xf32>,
      %get3A_474 = vector.shape_cast %get3A_473 : vector<16xf32> to vector<16xf32>
      %sub3A_475 = arith.subf %get3A_474, %gather3A_366 : vector<16xf32>
      %get3A_476 = arith.constant 80 : index
      %get3A_477 = tpu.vector_load %arg16[%get3A_476] {strides = array<i32>} : memref<128xf32, #tpu.memory_space<vmem>>, vector<16xf32>,
      %get3A_478 = vector.shape_cast %get3A_477 : vector<16xf32> to vector<16xf32>
      %sub3A_479 = arith.subf %get3A_478, %gather3A_374 : vector<16xf32>
      %get3A_480 = arith.constant 80 : index
      %get3A_481 = tpu.vector_load %arg17[%get3A_480] {strides = array<i32>} : memref<128xf32, #tpu.memory_space<vmem>>, vector<16xf32>,
      %get3A_482 = vector.shape_cast %get3A_481 : vector<16xf32> to vector<16xf32>
      %sub3A_483 = arith.subf %get3A_482, %gather3A_382 : vector<16xf32>
      %mul3A_484 = arith.mulf %sub3A_475, %sub3A_475 : vector<16xf32>
      %mul3A_485 = arith.mulf %sub3A_479, %sub3A_479 : vector<16xf32>
      %add3A_486 = arith.addf %mul3A_484, %mul3A_485 : vector<16xf32>
      %mul3A_487 = arith.mulf %sub3A_483, %sub3A_483 : vector<16xf32>
      %add3A_488 = arith.addf %add3A_486, %mul3A_487 : vector<16xf32>
      %max3A_489 = arith.maximumf %max3A_471, %add3A_488 : vector<16xf32>
      %get3A_490 = arith.constant 96 : index
      %get3A_491 = tpu.vector_load %arg15[%get3A_490] {strides = array<i32>} : memref<128xf32, #tpu.memory_space<vmem>>, vector<16xf32>,
      %get3A_492 = vector.shape_cast %get3A_491 : vector<16xf32> to vector<16xf32>
      %sub3A_493 = arith.subf %get3A_492, %gather3A_366 : vector<16xf32>
      %get3A_494 = arith.constant 96 : index
      %get3A_495 = tpu.vector_load %arg16[%get3A_494] {strides = array<i32>} : memref<128xf32, #tpu.memory_space<vmem>>, vector<16xf32>,
      %get3A_496 = vector.shape_cast %get3A_495 : vector<16xf32> to vector<16xf32>
      %sub3A_497 = arith.subf %get3A_496, %gather3A_374 : vector<16xf32>
      %get3A_498 = arith.constant 96 : index
      %get3A_499 = tpu.vector_load %arg17[%get3A_498] {strides = array<i32>} : memref<128xf32, #tpu.memory_space<vmem>>, vector<16xf32>,
      %get3A_500 = vector.shape_cast %get3A_499 : vector<16xf32> to vector<16xf32>
      %sub3A_501 = arith.subf %get3A_500, %gather3A_382 : vector<16xf32>
      %mul3A_502 = arith.mulf %sub3A_493, %sub3A_493 : vector<16xf32>
      %mul3A_503 = arith.mulf %sub3A_497, %sub3A_497 : vector<16xf32>
      %add3A_504 = arith.addf %mul3A_502, %mul3A_503 : vector<16xf32>
      %mul3A_505 = arith.mulf %sub3A_501, %sub3A_501 : vector<16xf32>
      %add3A_506 = arith.addf %add3A_504, %mul3A_505 : vector<16xf32>
      %max3A_507 = arith.maximumf %max3A_489, %add3A_506 : vector<16xf32>
      %get3A_508 = arith.constant 112 : index
      %get3A_509 = tpu.vector_load %arg15[%get3A_508] {strides = array<i32>} : memref<128xf32, #tpu.memory_space<vmem>>, vector<16xf32>,
      %get3A_510 = vector.shape_cast %get3A_509 : vector<16xf32> to vector<16xf32>
      %sub3A_511 = arith.subf %get3A_510, %gather3A_366 : vector<16xf32>
      %get3A_512 = arith.constant 112 : index
      %get3A_513 = tpu.vector_load %arg16[%get3A_512] {strides = array<i32>} : memref<128xf32, #tpu.memory_space<vmem>>, vector<16xf32>,
      %get3A_514 = vector.shape_cast %get3A_513 : vector<16xf32> to vector<16xf32>
      %sub3A_515 = arith.subf %get3A_514, %gather3A_374 : vector<16xf32>
      %get3A_516 = arith.constant 112 : index
      %get3A_517 = tpu.vector_load %arg17[%get3A_516] {strides = array<i32>} : memref<128xf32, #tpu.memory_space<vmem>>, vector<16xf32>,
      %get3A_518 = vector.shape_cast %get3A_517 : vector<16xf32> to vector<16xf32>
      %sub3A_519 = arith.subf %get3A_518, %gather3A_382 : vector<16xf32>
      %mul3A_520 = arith.mulf %sub3A_511, %sub3A_511 : vector<16xf32>
      %mul3A_521 = arith.mulf %sub3A_515, %sub3A_515 : vector<16xf32>
      %add3A_522 = arith.addf %mul3A_520, %mul3A_521 : vector<16xf32>
      %mul3A_523 = arith.mulf %sub3A_519, %sub3A_519 : vector<16xf32>
      %add3A_524 = arith.addf %add3A_522, %mul3A_523 : vector<16xf32>
      %max3A_525 = arith.maximumf %max3A_507, %add3A_524 : vector<16xf32>
      %broadcast_in_dim3A_526 = arith.constant 0.000000e+00 : f32
      %broadcast_in_dim3A_527 = vector.broadcast %broadcast_in_dim3A_526 : f32 to vector<16xf32>
      %swap3A_528 = arith.constant 0 : index
      %swap3A_529 = tpu.vector_load %arg18[%swap3A_528] {strides = array<i32>} : memref<32xf32, #tpu.memory_space<vmem>>, vector<16xf32>,
      %swap3A_530 = vector.shape_cast %swap3A_529 : vector<16xf32> to vector<16xf32>
      %swap3A_531 = vector.shape_cast %broadcast_in_dim3A_527 : vector<16xf32> to vector<16xf32>
      tpu.vector_store %arg18[%swap3A_528], %swap3A_531 {strides = array<i32>} : memref<32xf32, #tpu.memory_space<vmem>>, vector<16xf32>,
      %eq3A_532 = arith.constant 0 : i32
      %eq3A_533 = vector.broadcast %eq3A_532 : i32 to vector<16xi32>
      %eq3A_534 = arith.cmpi eq, %iota3A_358, %eq3A_533 : vector<16xi32>
      %jit3A_535 = arith.constant 0.000000e+00 : f32
      %broadcast_in_dim3A_536 = vector.broadcast %jit3A_535 : f32 to vector<16xf32>
      %select_n3A_537 = arith.select %eq3A_534, %gather3A_366, %broadcast_in_dim3A_536 : vector<16xi1>, vector<16xf32>
      %swap3A_538 = arith.constant 0 : index
      %swap3A_539 = tpu.vector_load %arg19[%swap3A_538] {strides = array<i32>} : memref<32xf32, #tpu.memory_space<vmem>>, vector<16xf32>,
      %swap3A_540 = vector.shape_cast %swap3A_539 : vector<16xf32> to vector<16xf32>
      %swap3A_541 = vector.shape_cast %select_n3A_537 : vector<16xf32> to vector<16xf32>
      tpu.vector_store %arg19[%swap3A_538], %swap3A_541 {strides = array<i32>} : memref<32xf32, #tpu.memory_space<vmem>>, vector<16xf32>,
      %eq3A_542 = arith.constant 0 : i32
      %eq3A_543 = vector.broadcast %eq3A_542 : i32 to vector<16xi32>
      %eq3A_544 = arith.cmpi eq, %iota3A_358, %eq3A_543 : vector<16xi32>
      %jit3A_545 = arith.constant 0.000000e+00 : f32
      %broadcast_in_dim3A_546 = vector.broadcast %jit3A_545 : f32 to vector<16xf32>
      %select_n3A_547 = arith.select %eq3A_544, %gather3A_374, %broadcast_in_dim3A_546 : vector<16xi1>, vector<16xf32>
      %swap3A_548 = arith.constant 0 : index
      %swap3A_549 = tpu.vector_load %arg20[%swap3A_548] {strides = array<i32>} : memref<32xf32, #tpu.memory_space<vmem>>, vector<16xf32>,
      %swap3A_550 = vector.shape_cast %swap3A_549 : vector<16xf32> to vector<16xf32>
      %swap3A_551 = vector.shape_cast %select_n3A_547 : vector<16xf32> to vector<16xf32>
      tpu.vector_store %arg20[%swap3A_548], %swap3A_551 {strides = array<i32>} : memref<32xf32, #tpu.memory_space<vmem>>, vector<16xf32>,
      %eq3A_552 = arith.constant 0 : i32
      %eq3A_553 = vector.broadcast %eq3A_552 : i32 to vector<16xi32>
      %eq3A_554 = arith.cmpi eq, %iota3A_358, %eq3A_553 : vector<16xi32>
      %jit3A_555 = arith.constant 0.000000e+00 : f32
      %broadcast_in_dim3A_556 = vector.broadcast %jit3A_555 : f32 to vector<16xf32>
      %select_n3A_557 = arith.select %eq3A_554, %gather3A_382, %broadcast_in_dim3A_556 : vector<16xi1>, vector<16xf32>
      %swap3A_558 = arith.constant 0 : index
      %swap3A_559 = tpu.vector_load %arg21[%swap3A_558] {strides = array<i32>} : memref<32xf32, #tpu.memory_space<vmem>>, vector<16xf32>,
      %swap3A_560 = vector.shape_cast %swap3A_559 : vector<16xf32> to vector<16xf32>
      %swap3A_561 = vector.shape_cast %select_n3A_557 : vector<16xf32> to vector<16xf32>
      tpu.vector_store %arg21[%swap3A_558], %swap3A_561 {strides = array<i32>} : memref<32xf32, #tpu.memory_space<vmem>>, vector<16xf32>,
      %broadcast_in_dim3A_562 = arith.constant 1 : i32
      %broadcast_in_dim3A_563 = vector.broadcast %broadcast_in_dim3A_562 : i32 to vector<16xi32>
      %scan3A_564 = arith.constant 1 : i32
      %scan3A_565 = arith.constant 31 : i32
      %scan3A_566 = arith.addi %scan3A_564, %scan3A_565 : i32
      %scan3A_567 = arith.constant 1 : i32
      %scan3A_568:10 = scf.for %scan3A_586 = %scan3A_564 to %scan3A_566 step %scan3A_567 iter_args(%scan3A_587 = %broadcast_in_dim3A_563, %scan3A_588 = %max3A_525, %scan3A_589 = %add3A_399, %scan3A_590 = %add3A_416, %scan3A_591 = %add3A_434, %scan3A_592 = %add3A_452, %scan3A_593 = %add3A_470, %scan3A_594 = %add3A_488, %scan3A_595 = %add3A_506, %scan3A_596 = %add3A_524) -> (vector<16xi32>, vector<16xf32>, vector<16xf32>, vector<16xf32>, vector<16xf32>, vector<16xf32>, vector<16xf32>, vector<16xf32>, vector<16xf32>, vector<16xf32>)  : i32 {
        %xor3A = arith.constant 8 : i32
        %xor3A_597 = vector.broadcast %xor3A : i32 to vector<16xi32>
        %xor3A_598 = arith.xori %iota3A_358, %xor3A_597 : vector<16xi32>
        %broadcast_in_dim3A_599 = vector.shape_cast %xor3A_598 : vector<16xi32> to vector<16x1xi32>
        %gather3A_600 = vector.shape_cast %broadcast_in_dim3A_599 : vector<16x1xi32> to vector<16xi32>
        %gather3A_601 = tpu.dynamic_gather %scan3A_588[%gather3A_600] in [0] : vector<16xf32>, vector<16xi32> -> vector<16xf32>
        %max3A_602 = arith.maximumf %scan3A_588, %gather3A_601 : vector<16xf32>
        %xor3A_603 = arith.constant 4 : i32
        %xor3A_604 = vector.broadcast %xor3A_603 : i32 to vector<16xi32>
        %xor3A_605 = arith.xori %iota3A_358, %xor3A_604 : vector<16xi32>
        %broadcast_in_dim3A_606 = vector.shape_cast %xor3A_605 : vector<16xi32> to vector<16x1xi32>
        %gather3A_607 = vector.shape_cast %broadcast_in_dim3A_606 : vector<16x1xi32> to vector<16xi32>
        %gather3A_608 = tpu.dynamic_gather %max3A_602[%gather3A_607] in [0] : vector<16xf32>, vector<16xi32> -> vector<16xf32>
        %max3A_609 = arith.maximumf %max3A_602, %gather3A_608 : vector<16xf32>
        %xor3A_610 = arith.constant 2 : i32
        %xor3A_611 = vector.broadcast %xor3A_610 : i32 to vector<16xi32>
        %xor3A_612 = arith.xori %iota3A_358, %xor3A_611 : vector<16xi32>
        %broadcast_in_dim3A_613 = vector.shape_cast %xor3A_612 : vector<16xi32> to vector<16x1xi32>
        %gather3A_614 = vector.shape_cast %broadcast_in_dim3A_613 : vector<16x1xi32> to vector<16xi32>
        %gather3A_615 = tpu.dynamic_gather %max3A_609[%gather3A_614] in [0] : vector<16xf32>, vector<16xi32> -> vector<16xf32>
        %max3A_616 = arith.maximumf %max3A_609, %gather3A_615 : vector<16xf32>
        %xor3A_617 = arith.constant 1 : i32
        %xor3A_618 = vector.broadcast %xor3A_617 : i32 to vector<16xi32>
        %xor3A_619 = arith.xori %iota3A_358, %xor3A_618 : vector<16xi32>
        %broadcast_in_dim3A_620 = vector.shape_cast %xor3A_619 : vector<16xi32> to vector<16x1xi32>
        %gather3A_621 = vector.shape_cast %broadcast_in_dim3A_620 : vector<16x1xi32> to vector<16xi32>
        %gather3A_622 = tpu.dynamic_gather %max3A_616[%gather3A_621] in [0] : vector<16xf32>, vector<16xi32> -> vector<16xf32>
        %max3A_623 = arith.maximumf %max3A_616, %gather3A_622 : vector<16xf32>
        %broadcast_in_dim3A_624 = arith.constant 128 : i32
        %broadcast_in_dim3A_625 = vector.broadcast %broadcast_in_dim3A_624 : i32 to vector<16xi32>
        %eq3A_626 = arith.cmpf oeq, %scan3A_589, %max3A_623 : vector<16xf32>
        %add3A_627 = arith.constant 0 : i32
        %add3A_628 = vector.broadcast %add3A_627 : i32 to vector<16xi32>
        %add3A_629 = arith.addi %iota3A_358, %add3A_628 : vector<16xi32>
        %jit3A_630 = arith.constant 128 : i32
        %broadcast_in_dim3A_631 = vector.broadcast %jit3A_630 : i32 to vector<16xi32>
        %select_n3A_632 = arith.select %eq3A_626, %add3A_629, %broadcast_in_dim3A_631 : vector<16xi1>, vector<16xi32>
        %min3A = arith.minsi %broadcast_in_dim3A_625, %select_n3A_632 : vector<16xi32>
        %eq3A_633 = arith.cmpf oeq, %scan3A_590, %max3A_623 : vector<16xf32>
        %add3A_634 = arith.constant 16 : i32
        %add3A_635 = vector.broadcast %add3A_634 : i32 to vector<16xi32>
        %add3A_636 = arith.addi %iota3A_358, %add3A_635 : vector<16xi32>
        %jit3A_637 = arith.constant 128 : i32
        %broadcast_in_dim3A_638 = vector.broadcast %jit3A_637 : i32 to vector<16xi32>
        %select_n3A_639 = arith.select %eq3A_633, %add3A_636, %broadcast_in_dim3A_638 : vector<16xi1>, vector<16xi32>
        %min3A_640 = arith.minsi %min3A, %select_n3A_639 : vector<16xi32>
        %eq3A_641 = arith.cmpf oeq, %scan3A_591, %max3A_623 : vector<16xf32>
        %add3A_642 = arith.constant 32 : i32
        %add3A_643 = vector.broadcast %add3A_642 : i32 to vector<16xi32>
        %add3A_644 = arith.addi %iota3A_358, %add3A_643 : vector<16xi32>
        %jit3A_645 = arith.constant 128 : i32
        %broadcast_in_dim3A_646 = vector.broadcast %jit3A_645 : i32 to vector<16xi32>
        %select_n3A_647 = arith.select %eq3A_641, %add3A_644, %broadcast_in_dim3A_646 : vector<16xi1>, vector<16xi32>
        %min3A_648 = arith.minsi %min3A_640, %select_n3A_647 : vector<16xi32>
        %eq3A_649 = arith.cmpf oeq, %scan3A_592, %max3A_623 : vector<16xf32>
        %add3A_650 = arith.constant 48 : i32
        %add3A_651 = vector.broadcast %add3A_650 : i32 to vector<16xi32>
        %add3A_652 = arith.addi %iota3A_358, %add3A_651 : vector<16xi32>
        %jit3A_653 = arith.constant 128 : i32
        %broadcast_in_dim3A_654 = vector.broadcast %jit3A_653 : i32 to vector<16xi32>
        %select_n3A_655 = arith.select %eq3A_649, %add3A_652, %broadcast_in_dim3A_654 : vector<16xi1>, vector<16xi32>
        %min3A_656 = arith.minsi %min3A_648, %select_n3A_655 : vector<16xi32>
        %eq3A_657 = arith.cmpf oeq, %scan3A_593, %max3A_623 : vector<16xf32>
        %add3A_658 = arith.constant 64 : i32
        %add3A_659 = vector.broadcast %add3A_658 : i32 to vector<16xi32>
        %add3A_660 = arith.addi %iota3A_358, %add3A_659 : vector<16xi32>
        %jit3A_661 = arith.constant 128 : i32
        %broadcast_in_dim3A_662 = vector.broadcast %jit3A_661 : i32 to vector<16xi32>
        %select_n3A_663 = arith.select %eq3A_657, %add3A_660, %broadcast_in_dim3A_662 : vector<16xi1>, vector<16xi32>
        %min3A_664 = arith.minsi %min3A_656, %select_n3A_663 : vector<16xi32>
        %eq3A_665 = arith.cmpf oeq, %scan3A_594, %max3A_623 : vector<16xf32>
        %add3A_666 = arith.constant 80 : i32
        %add3A_667 = vector.broadcast %add3A_666 : i32 to vector<16xi32>
        %add3A_668 = arith.addi %iota3A_358, %add3A_667 : vector<16xi32>
        %jit3A_669 = arith.constant 128 : i32
        %broadcast_in_dim3A_670 = vector.broadcast %jit3A_669 : i32 to vector<16xi32>
        %select_n3A_671 = arith.select %eq3A_665, %add3A_668, %broadcast_in_dim3A_670 : vector<16xi1>, vector<16xi32>
        %min3A_672 = arith.minsi %min3A_664, %select_n3A_671 : vector<16xi32>
        %eq3A_673 = arith.cmpf oeq, %scan3A_595, %max3A_623 : vector<16xf32>
        %add3A_674 = arith.constant 96 : i32
        %add3A_675 = vector.broadcast %add3A_674 : i32 to vector<16xi32>
        %add3A_676 = arith.addi %iota3A_358, %add3A_675 : vector<16xi32>
        %jit3A_677 = arith.constant 128 : i32
        %broadcast_in_dim3A_678 = vector.broadcast %jit3A_677 : i32 to vector<16xi32>
        %select_n3A_679 = arith.select %eq3A_673, %add3A_676, %broadcast_in_dim3A_678 : vector<16xi1>, vector<16xi32>
        %min3A_680 = arith.minsi %min3A_672, %select_n3A_679 : vector<16xi32>
        %eq3A_681 = arith.cmpf oeq, %scan3A_596, %max3A_623 : vector<16xf32>
        %add3A_682 = arith.constant 112 : i32
        %add3A_683 = vector.broadcast %add3A_682 : i32 to vector<16xi32>
        %add3A_684 = arith.addi %iota3A_358, %add3A_683 : vector<16xi32>
        %jit3A_685 = arith.constant 128 : i32
        %broadcast_in_dim3A_686 = vector.broadcast %jit3A_685 : i32 to vector<16xi32>
        %select_n3A_687 = arith.select %eq3A_681, %add3A_684, %broadcast_in_dim3A_686 : vector<16xi1>, vector<16xi32>
        %min3A_688 = arith.minsi %min3A_680, %select_n3A_687 : vector<16xi32>
        %xor3A_689 = arith.constant 8 : i32
        %xor3A_690 = vector.broadcast %xor3A_689 : i32 to vector<16xi32>
        %xor3A_691 = arith.xori %iota3A_358, %xor3A_690 : vector<16xi32>
        %broadcast_in_dim3A_692 = vector.shape_cast %xor3A_691 : vector<16xi32> to vector<16x1xi32>
        %gather3A_693 = vector.shape_cast %broadcast_in_dim3A_692 : vector<16x1xi32> to vector<16xi32>
        %gather3A_694 = tpu.dynamic_gather %min3A_688[%gather3A_693] in [0] : vector<16xi32>, vector<16xi32> -> vector<16xi32>
        %min3A_695 = arith.minsi %min3A_688, %gather3A_694 : vector<16xi32>
        %xor3A_696 = arith.constant 4 : i32
        %xor3A_697 = vector.broadcast %xor3A_696 : i32 to vector<16xi32>
        %xor3A_698 = arith.xori %iota3A_358, %xor3A_697 : vector<16xi32>
        %broadcast_in_dim3A_699 = vector.shape_cast %xor3A_698 : vector<16xi32> to vector<16x1xi32>
        %gather3A_700 = vector.shape_cast %broadcast_in_dim3A_699 : vector<16x1xi32> to vector<16xi32>
        %gather3A_701 = tpu.dynamic_gather %min3A_695[%gather3A_700] in [0] : vector<16xi32>, vector<16xi32> -> vector<16xi32>
        %min3A_702 = arith.minsi %min3A_695, %gather3A_701 : vector<16xi32>
        %xor3A_703 = arith.constant 2 : i32
        %xor3A_704 = vector.broadcast %xor3A_703 : i32 to vector<16xi32>
        %xor3A_705 = arith.xori %iota3A_358, %xor3A_704 : vector<16xi32>
        %broadcast_in_dim3A_706 = vector.shape_cast %xor3A_705 : vector<16xi32> to vector<16x1xi32>
        %gather3A_707 = vector.shape_cast %broadcast_in_dim3A_706 : vector<16x1xi32> to vector<16xi32>
        %gather3A_708 = tpu.dynamic_gather %min3A_702[%gather3A_707] in [0] : vector<16xi32>, vector<16xi32> -> vector<16xi32>
        %min3A_709 = arith.minsi %min3A_702, %gather3A_708 : vector<16xi32>
        %xor3A_710 = arith.constant 1 : i32
        %xor3A_711 = vector.broadcast %xor3A_710 : i32 to vector<16xi32>
        %xor3A_712 = arith.xori %iota3A_358, %xor3A_711 : vector<16xi32>
        %broadcast_in_dim3A_713 = vector.shape_cast %xor3A_712 : vector<16xi32> to vector<16x1xi32>
        %gather3A_714 = vector.shape_cast %broadcast_in_dim3A_713 : vector<16x1xi32> to vector<16xi32>
        %gather3A_715 = tpu.dynamic_gather %min3A_709[%gather3A_714] in [0] : vector<16xi32>, vector<16xi32> -> vector<16xi32>
        %min3A_716 = arith.minsi %min3A_709, %gather3A_715 : vector<16xi32>
        %slice3A = vector.extract_strided_slice %min3A_716 {offsets = [0], sizes = [1], strides = [1]} : vector<16xi32> to vector<1xi32>
        %squeeze3A = vector.extract %slice3A[0] : i32 from vector<1xi32>
        %jit3A_717 = arith.constant 16 : i32
        %div3A = arith.divsi %squeeze3A, %jit3A_717 : i32
        %sign3A = arith.constant 0 : i32
        %sign3A_718 = arith.cmpi sgt, %squeeze3A, %sign3A : i32
        %sign3A_719 = arith.extui %sign3A_718 : i1 to i32
        %sign3A_720 = arith.constant 0 : i32
        %sign3A_721 = arith.cmpi slt, %squeeze3A, %sign3A_720 : i32
        %sign3A_722 = arith.extui %sign3A_721 : i1 to i32
        %sign3A_723 = arith.subi %sign3A_719, %sign3A_722 : i32
        %sign3A_724 = arith.constant 0 : i32
        %sign3A_725 = arith.cmpi sgt, %jit3A_717, %sign3A_724 : i32
        %sign3A_726 = arith.extui %sign3A_725 : i1 to i32
        %sign3A_727 = arith.constant 0 : i32
        %sign3A_728 = arith.cmpi slt, %jit3A_717, %sign3A_727 : i32
        %sign3A_729 = arith.extui %sign3A_728 : i1 to i32
        %sign3A_730 = arith.subi %sign3A_726, %sign3A_729 : i32
        %ne3A = arith.cmpi ne, %sign3A_723, %sign3A_730 : i32
        %rem3A = arith.remsi %squeeze3A, %jit3A_717 : i32
        %ne3A_731 = arith.constant 0 : i32
        %ne3A_732 = arith.cmpi ne, %rem3A, %ne3A_731 : i32
        %and3A = arith.andi %ne3A, %ne3A_732 : i1
        %sub3A_733 = arith.constant 1 : i32
        %sub3A_734 = arith.subi %div3A, %sub3A_733 : i32
        %select_n3A_735 = arith.select %and3A, %sub3A_734, %div3A : i32
        %mul3A_736 = arith.constant 16 : i32
        %mul3A_737 = arith.muli %select_n3A_735, %mul3A_736 : i32
        %multiple_of3A = tpu.assume_multiple %mul3A_737, 16 : i32
        %and3A_738 = arith.constant 15 : i32
        %and3A_739 = vector.broadcast %and3A_738 : i32 to vector<16xi32>
        %and3A_740 = arith.andi %min3A_716, %and3A_739 : vector<16xi32>
        %get3A_741 = arith.index_cast %multiple_of3A : i32 to index
        %get3A_742 = tpu.vector_load %arg15[%get3A_741] {strides = array<i32>} : memref<128xf32, #tpu.memory_space<vmem>>, vector<16xf32>,
        %get3A_743 = vector.shape_cast %get3A_742 : vector<16xf32> to vector<16xf32>
        %broadcast_in_dim3A_744 = vector.shape_cast %and3A_740 : vector<16xi32> to vector<16x1xi32>
        %gather3A_745 = vector.shape_cast %broadcast_in_dim3A_744 : vector<16x1xi32> to vector<16xi32>
        %gather3A_746 = tpu.dynamic_gather %get3A_743[%gather3A_745] in [0] : vector<16xf32>, vector<16xi32> -> vector<16xf32>
        %get3A_747 = arith.index_cast %multiple_of3A : i32 to index
        %get3A_748 = tpu.vector_load %arg16[%get3A_747] {strides = array<i32>} : memref<128xf32, #tpu.memory_space<vmem>>, vector<16xf32>,
        %get3A_749 = vector.shape_cast %get3A_748 : vector<16xf32> to vector<16xf32>
        %broadcast_in_dim3A_750 = vector.shape_cast %and3A_740 : vector<16xi32> to vector<16x1xi32>
        %gather3A_751 = vector.shape_cast %broadcast_in_dim3A_750 : vector<16x1xi32> to vector<16xi32>
        %gather3A_752 = tpu.dynamic_gather %get3A_749[%gather3A_751] in [0] : vector<16xf32>, vector<16xi32> -> vector<16xf32>
        %get3A_753 = arith.index_cast %multiple_of3A : i32 to index
        %get3A_754 = tpu.vector_load %arg17[%get3A_753] {strides = array<i32>} : memref<128xf32, #tpu.memory_space<vmem>>, vector<16xf32>,
        %get3A_755 = vector.shape_cast %get3A_754 : vector<16xf32> to vector<16xf32>
        %broadcast_in_dim3A_756 = vector.shape_cast %and3A_740 : vector<16xi32> to vector<16x1xi32>
        %gather3A_757 = vector.shape_cast %broadcast_in_dim3A_756 : vector<16x1xi32> to vector<16xi32>
        %gather3A_758 = tpu.dynamic_gather %get3A_755[%gather3A_757] in [0] : vector<16xf32>, vector<16xi32> -> vector<16xf32>
        %get3A_759 = arith.constant 0 : index
        %get3A_760 = tpu.vector_load %arg15[%get3A_759] {strides = array<i32>} : memref<128xf32, #tpu.memory_space<vmem>>, vector<16xf32>,
        %get3A_761 = vector.shape_cast %get3A_760 : vector<16xf32> to vector<16xf32>
        %sub3A_762 = arith.subf %get3A_761, %gather3A_746 : vector<16xf32>
        %get3A_763 = arith.constant 0 : index
        %get3A_764 = tpu.vector_load %arg16[%get3A_763] {strides = array<i32>} : memref<128xf32, #tpu.memory_space<vmem>>, vector<16xf32>,
        %get3A_765 = vector.shape_cast %get3A_764 : vector<16xf32> to vector<16xf32>
        %sub3A_766 = arith.subf %get3A_765, %gather3A_752 : vector<16xf32>
        %get3A_767 = arith.constant 0 : index
        %get3A_768 = tpu.vector_load %arg17[%get3A_767] {strides = array<i32>} : memref<128xf32, #tpu.memory_space<vmem>>, vector<16xf32>,
        %get3A_769 = vector.shape_cast %get3A_768 : vector<16xf32> to vector<16xf32>
        %sub3A_770 = arith.subf %get3A_769, %gather3A_758 : vector<16xf32>
        %mul3A_771 = arith.mulf %sub3A_762, %sub3A_762 : vector<16xf32>
        %mul3A_772 = arith.mulf %sub3A_766, %sub3A_766 : vector<16xf32>
        %add3A_773 = arith.addf %mul3A_771, %mul3A_772 : vector<16xf32>
        %mul3A_774 = arith.mulf %sub3A_770, %sub3A_770 : vector<16xf32>
        %add3A_775 = arith.addf %add3A_773, %mul3A_774 : vector<16xf32>
        %min3A_776 = arith.minimumf %scan3A_589, %add3A_775 : vector<16xf32>
        %get3A_777 = arith.constant 16 : index
        %get3A_778 = tpu.vector_load %arg15[%get3A_777] {strides = array<i32>} : memref<128xf32, #tpu.memory_space<vmem>>, vector<16xf32>,
        %get3A_779 = vector.shape_cast %get3A_778 : vector<16xf32> to vector<16xf32>
        %sub3A_780 = arith.subf %get3A_779, %gather3A_746 : vector<16xf32>
        %get3A_781 = arith.constant 16 : index
        %get3A_782 = tpu.vector_load %arg16[%get3A_781] {strides = array<i32>} : memref<128xf32, #tpu.memory_space<vmem>>, vector<16xf32>,
        %get3A_783 = vector.shape_cast %get3A_782 : vector<16xf32> to vector<16xf32>
        %sub3A_784 = arith.subf %get3A_783, %gather3A_752 : vector<16xf32>
        %get3A_785 = arith.constant 16 : index
        %get3A_786 = tpu.vector_load %arg17[%get3A_785] {strides = array<i32>} : memref<128xf32, #tpu.memory_space<vmem>>, vector<16xf32>,
        %get3A_787 = vector.shape_cast %get3A_786 : vector<16xf32> to vector<16xf32>
        %sub3A_788 = arith.subf %get3A_787, %gather3A_758 : vector<16xf32>
        %mul3A_789 = arith.mulf %sub3A_780, %sub3A_780 : vector<16xf32>
        %mul3A_790 = arith.mulf %sub3A_784, %sub3A_784 : vector<16xf32>
        %add3A_791 = arith.addf %mul3A_789, %mul3A_790 : vector<16xf32>
        %mul3A_792 = arith.mulf %sub3A_788, %sub3A_788 : vector<16xf32>
        %add3A_793 = arith.addf %add3A_791, %mul3A_792 : vector<16xf32>
        %min3A_794 = arith.minimumf %scan3A_590, %add3A_793 : vector<16xf32>
        %max3A_795 = arith.maximumf %min3A_776, %min3A_794 : vector<16xf32>
        %get3A_796 = arith.constant 32 : index
        %get3A_797 = tpu.vector_load %arg15[%get3A_796] {strides = array<i32>} : memref<128xf32, #tpu.memory_space<vmem>>, vector<16xf32>,
        %get3A_798 = vector.shape_cast %get3A_797 : vector<16xf32> to vector<16xf32>
        %sub3A_799 = arith.subf %get3A_798, %gather3A_746 : vector<16xf32>
        %get3A_800 = arith.constant 32 : index
        %get3A_801 = tpu.vector_load %arg16[%get3A_800] {strides = array<i32>} : memref<128xf32, #tpu.memory_space<vmem>>, vector<16xf32>,
        %get3A_802 = vector.shape_cast %get3A_801 : vector<16xf32> to vector<16xf32>
        %sub3A_803 = arith.subf %get3A_802, %gather3A_752 : vector<16xf32>
        %get3A_804 = arith.constant 32 : index
        %get3A_805 = tpu.vector_load %arg17[%get3A_804] {strides = array<i32>} : memref<128xf32, #tpu.memory_space<vmem>>, vector<16xf32>,
        %get3A_806 = vector.shape_cast %get3A_805 : vector<16xf32> to vector<16xf32>
        %sub3A_807 = arith.subf %get3A_806, %gather3A_758 : vector<16xf32>
        %mul3A_808 = arith.mulf %sub3A_799, %sub3A_799 : vector<16xf32>
        %mul3A_809 = arith.mulf %sub3A_803, %sub3A_803 : vector<16xf32>
        %add3A_810 = arith.addf %mul3A_808, %mul3A_809 : vector<16xf32>
        %mul3A_811 = arith.mulf %sub3A_807, %sub3A_807 : vector<16xf32>
        %add3A_812 = arith.addf %add3A_810, %mul3A_811 : vector<16xf32>
        %min3A_813 = arith.minimumf %scan3A_591, %add3A_812 : vector<16xf32>
        %max3A_814 = arith.maximumf %max3A_795, %min3A_813 : vector<16xf32>
        %get3A_815 = arith.constant 48 : index
        %get3A_816 = tpu.vector_load %arg15[%get3A_815] {strides = array<i32>} : memref<128xf32, #tpu.memory_space<vmem>>, vector<16xf32>,
        %get3A_817 = vector.shape_cast %get3A_816 : vector<16xf32> to vector<16xf32>
        %sub3A_818 = arith.subf %get3A_817, %gather3A_746 : vector<16xf32>
        %get3A_819 = arith.constant 48 : index
        %get3A_820 = tpu.vector_load %arg16[%get3A_819] {strides = array<i32>} : memref<128xf32, #tpu.memory_space<vmem>>, vector<16xf32>,
        %get3A_821 = vector.shape_cast %get3A_820 : vector<16xf32> to vector<16xf32>
        %sub3A_822 = arith.subf %get3A_821, %gather3A_752 : vector<16xf32>
        %get3A_823 = arith.constant 48 : index
        %get3A_824 = tpu.vector_load %arg17[%get3A_823] {strides = array<i32>} : memref<128xf32, #tpu.memory_space<vmem>>, vector<16xf32>,
        %get3A_825 = vector.shape_cast %get3A_824 : vector<16xf32> to vector<16xf32>
        %sub3A_826 = arith.subf %get3A_825, %gather3A_758 : vector<16xf32>
        %mul3A_827 = arith.mulf %sub3A_818, %sub3A_818 : vector<16xf32>
        %mul3A_828 = arith.mulf %sub3A_822, %sub3A_822 : vector<16xf32>
        %add3A_829 = arith.addf %mul3A_827, %mul3A_828 : vector<16xf32>
        %mul3A_830 = arith.mulf %sub3A_826, %sub3A_826 : vector<16xf32>
        %add3A_831 = arith.addf %add3A_829, %mul3A_830 : vector<16xf32>
        %min3A_832 = arith.minimumf %scan3A_592, %add3A_831 : vector<16xf32>
        %max3A_833 = arith.maximumf %max3A_814, %min3A_832 : vector<16xf32>
        %get3A_834 = arith.constant 64 : index
        %get3A_835 = tpu.vector_load %arg15[%get3A_834] {strides = array<i32>} : memref<128xf32, #tpu.memory_space<vmem>>, vector<16xf32>,
        %get3A_836 = vector.shape_cast %get3A_835 : vector<16xf32> to vector<16xf32>
        %sub3A_837 = arith.subf %get3A_836, %gather3A_746 : vector<16xf32>
        %get3A_838 = arith.constant 64 : index
        %get3A_839 = tpu.vector_load %arg16[%get3A_838] {strides = array<i32>} : memref<128xf32, #tpu.memory_space<vmem>>, vector<16xf32>,
        %get3A_840 = vector.shape_cast %get3A_839 : vector<16xf32> to vector<16xf32>
        %sub3A_841 = arith.subf %get3A_840, %gather3A_752 : vector<16xf32>
        %get3A_842 = arith.constant 64 : index
        %get3A_843 = tpu.vector_load %arg17[%get3A_842] {strides = array<i32>} : memref<128xf32, #tpu.memory_space<vmem>>, vector<16xf32>,
        %get3A_844 = vector.shape_cast %get3A_843 : vector<16xf32> to vector<16xf32>
        %sub3A_845 = arith.subf %get3A_844, %gather3A_758 : vector<16xf32>
        %mul3A_846 = arith.mulf %sub3A_837, %sub3A_837 : vector<16xf32>
        %mul3A_847 = arith.mulf %sub3A_841, %sub3A_841 : vector<16xf32>
        %add3A_848 = arith.addf %mul3A_846, %mul3A_847 : vector<16xf32>
        %mul3A_849 = arith.mulf %sub3A_845, %sub3A_845 : vector<16xf32>
        %add3A_850 = arith.addf %add3A_848, %mul3A_849 : vector<16xf32>
        %min3A_851 = arith.minimumf %scan3A_593, %add3A_850 : vector<16xf32>
        %max3A_852 = arith.maximumf %max3A_833, %min3A_851 : vector<16xf32>
        %get3A_853 = arith.constant 80 : index
        %get3A_854 = tpu.vector_load %arg15[%get3A_853] {strides = array<i32>} : memref<128xf32, #tpu.memory_space<vmem>>, vector<16xf32>,
        %get3A_855 = vector.shape_cast %get3A_854 : vector<16xf32> to vector<16xf32>
        %sub3A_856 = arith.subf %get3A_855, %gather3A_746 : vector<16xf32>
        %get3A_857 = arith.constant 80 : index
        %get3A_858 = tpu.vector_load %arg16[%get3A_857] {strides = array<i32>} : memref<128xf32, #tpu.memory_space<vmem>>, vector<16xf32>,
        %get3A_859 = vector.shape_cast %get3A_858 : vector<16xf32> to vector<16xf32>
        %sub3A_860 = arith.subf %get3A_859, %gather3A_752 : vector<16xf32>
        %get3A_861 = arith.constant 80 : index
        %get3A_862 = tpu.vector_load %arg17[%get3A_861] {strides = array<i32>} : memref<128xf32, #tpu.memory_space<vmem>>, vector<16xf32>,
        %get3A_863 = vector.shape_cast %get3A_862 : vector<16xf32> to vector<16xf32>
        %sub3A_864 = arith.subf %get3A_863, %gather3A_758 : vector<16xf32>
        %mul3A_865 = arith.mulf %sub3A_856, %sub3A_856 : vector<16xf32>
        %mul3A_866 = arith.mulf %sub3A_860, %sub3A_860 : vector<16xf32>
        %add3A_867 = arith.addf %mul3A_865, %mul3A_866 : vector<16xf32>
        %mul3A_868 = arith.mulf %sub3A_864, %sub3A_864 : vector<16xf32>
        %add3A_869 = arith.addf %add3A_867, %mul3A_868 : vector<16xf32>
        %min3A_870 = arith.minimumf %scan3A_594, %add3A_869 : vector<16xf32>
        %max3A_871 = arith.maximumf %max3A_852, %min3A_870 : vector<16xf32>
        %get3A_872 = arith.constant 96 : index
        %get3A_873 = tpu.vector_load %arg15[%get3A_872] {strides = array<i32>} : memref<128xf32, #tpu.memory_space<vmem>>, vector<16xf32>,
        %get3A_874 = vector.shape_cast %get3A_873 : vector<16xf32> to vector<16xf32>
        %sub3A_875 = arith.subf %get3A_874, %gather3A_746 : vector<16xf32>
        %get3A_876 = arith.constant 96 : index
        %get3A_877 = tpu.vector_load %arg16[%get3A_876] {strides = array<i32>} : memref<128xf32, #tpu.memory_space<vmem>>, vector<16xf32>,
        %get3A_878 = vector.shape_cast %get3A_877 : vector<16xf32> to vector<16xf32>
        %sub3A_879 = arith.subf %get3A_878, %gather3A_752 : vector<16xf32>
        %get3A_880 = arith.constant 96 : index
        %get3A_881 = tpu.vector_load %arg17[%get3A_880] {strides = array<i32>} : memref<128xf32, #tpu.memory_space<vmem>>, vector<16xf32>,
        %get3A_882 = vector.shape_cast %get3A_881 : vector<16xf32> to vector<16xf32>
        %sub3A_883 = arith.subf %get3A_882, %gather3A_758 : vector<16xf32>
        %mul3A_884 = arith.mulf %sub3A_875, %sub3A_875 : vector<16xf32>
        %mul3A_885 = arith.mulf %sub3A_879, %sub3A_879 : vector<16xf32>
        %add3A_886 = arith.addf %mul3A_884, %mul3A_885 : vector<16xf32>
        %mul3A_887 = arith.mulf %sub3A_883, %sub3A_883 : vector<16xf32>
        %add3A_888 = arith.addf %add3A_886, %mul3A_887 : vector<16xf32>
        %min3A_889 = arith.minimumf %scan3A_595, %add3A_888 : vector<16xf32>
        %max3A_890 = arith.maximumf %max3A_871, %min3A_889 : vector<16xf32>
        %get3A_891 = arith.constant 112 : index
        %get3A_892 = tpu.vector_load %arg15[%get3A_891] {strides = array<i32>} : memref<128xf32, #tpu.memory_space<vmem>>, vector<16xf32>,
        %get3A_893 = vector.shape_cast %get3A_892 : vector<16xf32> to vector<16xf32>
        %sub3A_894 = arith.subf %get3A_893, %gather3A_746 : vector<16xf32>
        %get3A_895 = arith.constant 112 : index
        %get3A_896 = tpu.vector_load %arg16[%get3A_895] {strides = array<i32>} : memref<128xf32, #tpu.memory_space<vmem>>, vector<16xf32>,
        %get3A_897 = vector.shape_cast %get3A_896 : vector<16xf32> to vector<16xf32>
        %sub3A_898 = arith.subf %get3A_897, %gather3A_752 : vector<16xf32>
        %get3A_899 = arith.constant 112 : index
        %get3A_900 = tpu.vector_load %arg17[%get3A_899] {strides = array<i32>} : memref<128xf32, #tpu.memory_space<vmem>>, vector<16xf32>,
        %get3A_901 = vector.shape_cast %get3A_900 : vector<16xf32> to vector<16xf32>
        %sub3A_902 = arith.subf %get3A_901, %gather3A_758 : vector<16xf32>
        %mul3A_903 = arith.mulf %sub3A_894, %sub3A_894 : vector<16xf32>
        %mul3A_904 = arith.mulf %sub3A_898, %sub3A_898 : vector<16xf32>
        %add3A_905 = arith.addf %mul3A_903, %mul3A_904 : vector<16xf32>
        %mul3A_906 = arith.mulf %sub3A_902, %sub3A_902 : vector<16xf32>
        %add3A_907 = arith.addf %add3A_905, %mul3A_906 : vector<16xf32>
        %min3A_908 = arith.minimumf %scan3A_596, %add3A_907 : vector<16xf32>
        %max3A_909 = arith.maximumf %max3A_890, %min3A_908 : vector<16xf32>
        %and3A_910 = arith.constant 15 : i32
        %and3A_911 = vector.broadcast %and3A_910 : i32 to vector<16xi32>
        %and3A_912 = arith.andi %scan3A_587, %and3A_911 : vector<16xi32>
        %convert_element_type3A_913 = arith.sitofp %min3A_716 : vector<16xi32> to vector<16xf32>
        %jit3A_914 = arith.constant 16 : i32
        %div3A_915 = arith.divsi %scan3A_586, %jit3A_914 : i32
        %sign3A_916 = arith.constant 0 : i32
        %sign3A_917 = arith.cmpi sgt, %scan3A_586, %sign3A_916 : i32
        %sign3A_918 = arith.extui %sign3A_917 : i1 to i32
        %sign3A_919 = arith.constant 0 : i32
        %sign3A_920 = arith.cmpi slt, %scan3A_586, %sign3A_919 : i32
        %sign3A_921 = arith.extui %sign3A_920 : i1 to i32
        %sign3A_922 = arith.subi %sign3A_918, %sign3A_921 : i32
        %sign3A_923 = arith.constant 0 : i32
        %sign3A_924 = arith.cmpi sgt, %jit3A_914, %sign3A_923 : i32
        %sign3A_925 = arith.extui %sign3A_924 : i1 to i32
        %sign3A_926 = arith.constant 0 : i32
        %sign3A_927 = arith.cmpi slt, %jit3A_914, %sign3A_926 : i32
        %sign3A_928 = arith.extui %sign3A_927 : i1 to i32
        %sign3A_929 = arith.subi %sign3A_925, %sign3A_928 : i32
        %ne3A_930 = arith.cmpi ne, %sign3A_922, %sign3A_929 : i32
        %rem3A_931 = arith.remsi %scan3A_586, %jit3A_914 : i32
        %ne3A_932 = arith.constant 0 : i32
        %ne3A_933 = arith.cmpi ne, %rem3A_931, %ne3A_932 : i32
        %and3A_934 = arith.andi %ne3A_930, %ne3A_933 : i1
        %sub3A_935 = arith.constant 1 : i32
        %sub3A_936 = arith.subi %div3A_915, %sub3A_935 : i32
        %select_n3A_937 = arith.select %and3A_934, %sub3A_936, %div3A_915 : i32
        %mul3A_938 = arith.constant 16 : i32
        %mul3A_939 = arith.muli %select_n3A_937, %mul3A_938 : i32
        %multiple_of3A_940 = tpu.assume_multiple %mul3A_939, 16 : i32
        %get3A_941 = arith.index_cast %multiple_of3A_940 : i32 to index
        %get3A_942 = tpu.vector_load %arg18[%get3A_941] {strides = array<i32>} : memref<32xf32, #tpu.memory_space<vmem>>, vector<16xf32>,
        %get3A_943 = vector.shape_cast %get3A_942 : vector<16xf32> to vector<16xf32>
        %eq3A_944 = arith.cmpi eq, %iota3A_358, %and3A_912 : vector<16xi32>
        %select_n3A_945 = arith.select %eq3A_944, %convert_element_type3A_913, %get3A_943 : vector<16xi1>, vector<16xf32>
        %swap3A_946 = arith.index_cast %multiple_of3A_940 : i32 to index
        %swap3A_947 = tpu.vector_load %arg18[%swap3A_946] {strides = array<i32>} : memref<32xf32, #tpu.memory_space<vmem>>, vector<16xf32>,
        %swap3A_948 = vector.shape_cast %swap3A_947 : vector<16xf32> to vector<16xf32>
        %swap3A_949 = vector.shape_cast %select_n3A_945 : vector<16xf32> to vector<16xf32>
        tpu.vector_store %arg18[%swap3A_946], %swap3A_949 {strides = array<i32>} : memref<32xf32, #tpu.memory_space<vmem>>, vector<16xf32>,
        %jit3A_950 = arith.constant 16 : i32
        %div3A_951 = arith.divsi %scan3A_586, %jit3A_950 : i32
        %sign3A_952 = arith.constant 0 : i32
        %sign3A_953 = arith.cmpi sgt, %scan3A_586, %sign3A_952 : i32
        %sign3A_954 = arith.extui %sign3A_953 : i1 to i32
        %sign3A_955 = arith.constant 0 : i32
        %sign3A_956 = arith.cmpi slt, %scan3A_586, %sign3A_955 : i32
        %sign3A_957 = arith.extui %sign3A_956 : i1 to i32
        %sign3A_958 = arith.subi %sign3A_954, %sign3A_957 : i32
        %sign3A_959 = arith.constant 0 : i32
        %sign3A_960 = arith.cmpi sgt, %jit3A_950, %sign3A_959 : i32
        %sign3A_961 = arith.extui %sign3A_960 : i1 to i32
        %sign3A_962 = arith.constant 0 : i32
        %sign3A_963 = arith.cmpi slt, %jit3A_950, %sign3A_962 : i32
        %sign3A_964 = arith.extui %sign3A_963 : i1 to i32
        %sign3A_965 = arith.subi %sign3A_961, %sign3A_964 : i32
        %ne3A_966 = arith.cmpi ne, %sign3A_958, %sign3A_965 : i32
        %rem3A_967 = arith.remsi %scan3A_586, %jit3A_950 : i32
        %ne3A_968 = arith.constant 0 : i32
        %ne3A_969 = arith.cmpi ne, %rem3A_967, %ne3A_968 : i32
        %and3A_970 = arith.andi %ne3A_966, %ne3A_969 : i1
        %sub3A_971 = arith.constant 1 : i32
        %sub3A_972 = arith.subi %div3A_951, %sub3A_971 : i32
        %select_n3A_973 = arith.select %and3A_970, %sub3A_972, %div3A_951 : i32
        %mul3A_974 = arith.constant 16 : i32
        %mul3A_975 = arith.muli %select_n3A_973, %mul3A_974 : i32
        %multiple_of3A_976 = tpu.assume_multiple %mul3A_975, 16 : i32
        %get3A_977 = arith.index_cast %multiple_of3A_976 : i32 to index
        %get3A_978 = tpu.vector_load %arg19[%get3A_977] {strides = array<i32>} : memref<32xf32, #tpu.memory_space<vmem>>, vector<16xf32>,
        %get3A_979 = vector.shape_cast %get3A_978 : vector<16xf32> to vector<16xf32>
        %eq3A_980 = arith.cmpi eq, %iota3A_358, %and3A_912 : vector<16xi32>
        %select_n3A_981 = arith.select %eq3A_980, %gather3A_746, %get3A_979 : vector<16xi1>, vector<16xf32>
        %swap3A_982 = arith.index_cast %multiple_of3A_976 : i32 to index
        %swap3A_983 = tpu.vector_load %arg19[%swap3A_982] {strides = array<i32>} : memref<32xf32, #tpu.memory_space<vmem>>, vector<16xf32>,
        %swap3A_984 = vector.shape_cast %swap3A_983 : vector<16xf32> to vector<16xf32>
        %swap3A_985 = vector.shape_cast %select_n3A_981 : vector<16xf32> to vector<16xf32>
        tpu.vector_store %arg19[%swap3A_982], %swap3A_985 {strides = array<i32>} : memref<32xf32, #tpu.memory_space<vmem>>, vector<16xf32>,
        %jit3A_986 = arith.constant 16 : i32
        %div3A_987 = arith.divsi %scan3A_586, %jit3A_986 : i32
        %sign3A_988 = arith.constant 0 : i32
        %sign3A_989 = arith.cmpi sgt, %scan3A_586, %sign3A_988 : i32
        %sign3A_990 = arith.extui %sign3A_989 : i1 to i32
        %sign3A_991 = arith.constant 0 : i32
        %sign3A_992 = arith.cmpi slt, %scan3A_586, %sign3A_991 : i32
        %sign3A_993 = arith.extui %sign3A_992 : i1 to i32
        %sign3A_994 = arith.subi %sign3A_990, %sign3A_993 : i32
        %sign3A_995 = arith.constant 0 : i32
        %sign3A_996 = arith.cmpi sgt, %jit3A_986, %sign3A_995 : i32
        %sign3A_997 = arith.extui %sign3A_996 : i1 to i32
        %sign3A_998 = arith.constant 0 : i32
        %sign3A_999 = arith.cmpi slt, %jit3A_986, %sign3A_998 : i32
        %sign3A_1000 = arith.extui %sign3A_999 : i1 to i32
        %sign3A_1001 = arith.subi %sign3A_997, %sign3A_1000 : i32
        %ne3A_1002 = arith.cmpi ne, %sign3A_994, %sign3A_1001 : i32
        %rem3A_1003 = arith.remsi %scan3A_586, %jit3A_986 : i32
        %ne3A_1004 = arith.constant 0 : i32
        %ne3A_1005 = arith.cmpi ne, %rem3A_1003, %ne3A_1004 : i32
        %and3A_1006 = arith.andi %ne3A_1002, %ne3A_1005 : i1
        %sub3A_1007 = arith.constant 1 : i32
        %sub3A_1008 = arith.subi %div3A_987, %sub3A_1007 : i32
        %select_n3A_1009 = arith.select %and3A_1006, %sub3A_1008, %div3A_987 : i32
        %mul3A_1010 = arith.constant 16 : i32
        %mul3A_1011 = arith.muli %select_n3A_1009, %mul3A_1010 : i32
        %multiple_of3A_1012 = tpu.assume_multiple %mul3A_1011, 16 : i32
        %get3A_1013 = arith.index_cast %multiple_of3A_1012 : i32 to index
        %get3A_1014 = tpu.vector_load %arg20[%get3A_1013] {strides = array<i32>} : memref<32xf32, #tpu.memory_space<vmem>>, vector<16xf32>,
        %get3A_1015 = vector.shape_cast %get3A_1014 : vector<16xf32> to vector<16xf32>
        %eq3A_1016 = arith.cmpi eq, %iota3A_358, %and3A_912 : vector<16xi32>
        %select_n3A_1017 = arith.select %eq3A_1016, %gather3A_752, %get3A_1015 : vector<16xi1>, vector<16xf32>
        %swap3A_1018 = arith.index_cast %multiple_of3A_1012 : i32 to index
        %swap3A_1019 = tpu.vector_load %arg20[%swap3A_1018] {strides = array<i32>} : memref<32xf32, #tpu.memory_space<vmem>>, vector<16xf32>,
        %swap3A_1020 = vector.shape_cast %swap3A_1019 : vector<16xf32> to vector<16xf32>
        %swap3A_1021 = vector.shape_cast %select_n3A_1017 : vector<16xf32> to vector<16xf32>
        tpu.vector_store %arg20[%swap3A_1018], %swap3A_1021 {strides = array<i32>} : memref<32xf32, #tpu.memory_space<vmem>>, vector<16xf32>,
        %jit3A_1022 = arith.constant 16 : i32
        %div3A_1023 = arith.divsi %scan3A_586, %jit3A_1022 : i32
        %sign3A_1024 = arith.constant 0 : i32
        %sign3A_1025 = arith.cmpi sgt, %scan3A_586, %sign3A_1024 : i32
        %sign3A_1026 = arith.extui %sign3A_1025 : i1 to i32
        %sign3A_1027 = arith.constant 0 : i32
        %sign3A_1028 = arith.cmpi slt, %scan3A_586, %sign3A_1027 : i32
        %sign3A_1029 = arith.extui %sign3A_1028 : i1 to i32
        %sign3A_1030 = arith.subi %sign3A_1026, %sign3A_1029 : i32
        %sign3A_1031 = arith.constant 0 : i32
        %sign3A_1032 = arith.cmpi sgt, %jit3A_1022, %sign3A_1031 : i32
        %sign3A_1033 = arith.extui %sign3A_1032 : i1 to i32
        %sign3A_1034 = arith.constant 0 : i32
        %sign3A_1035 = arith.cmpi slt, %jit3A_1022, %sign3A_1034 : i32
        %sign3A_1036 = arith.extui %sign3A_1035 : i1 to i32
        %sign3A_1037 = arith.subi %sign3A_1033, %sign3A_1036 : i32
        %ne3A_1038 = arith.cmpi ne, %sign3A_1030, %sign3A_1037 : i32
        %rem3A_1039 = arith.remsi %scan3A_586, %jit3A_1022 : i32
        %ne3A_1040 = arith.constant 0 : i32
        %ne3A_1041 = arith.cmpi ne, %rem3A_1039, %ne3A_1040 : i32
        %and3A_1042 = arith.andi %ne3A_1038, %ne3A_1041 : i1
        %sub3A_1043 = arith.constant 1 : i32
        %sub3A_1044 = arith.subi %div3A_1023, %sub3A_1043 : i32
        %select_n3A_1045 = arith.select %and3A_1042, %sub3A_1044, %div3A_1023 : i32
        %mul3A_1046 = arith.constant 16 : i32
        %mul3A_1047 = arith.muli %select_n3A_1045, %mul3A_1046 : i32
        %multiple_of3A_1048 = tpu.assume_multiple %mul3A_1047, 16 : i32
        %get3A_1049 = arith.index_cast %multiple_of3A_1048 : i32 to index
        %get3A_1050 = tpu.vector_load %arg21[%get3A_1049] {strides = array<i32>} : memref<32xf32, #tpu.memory_space<vmem>>, vector<16xf32>,
        %get3A_1051 = vector.shape_cast %get3A_1050 : vector<16xf32> to vector<16xf32>
        %eq3A_1052 = arith.cmpi eq, %iota3A_358, %and3A_912 : vector<16xi32>
        %select_n3A_1053 = arith.select %eq3A_1052, %gather3A_758, %get3A_1051 : vector<16xi1>, vector<16xf32>
        %swap3A_1054 = arith.index_cast %multiple_of3A_1048 : i32 to index
        %swap3A_1055 = tpu.vector_load %arg21[%swap3A_1054] {strides = array<i32>} : memref<32xf32, #tpu.memory_space<vmem>>, vector<16xf32>,
        %swap3A_1056 = vector.shape_cast %swap3A_1055 : vector<16xf32> to vector<16xf32>
        %swap3A_1057 = vector.shape_cast %select_n3A_1053 : vector<16xf32> to vector<16xf32>
        tpu.vector_store %arg21[%swap3A_1054], %swap3A_1057 {strides = array<i32>} : memref<32xf32, #tpu.memory_space<vmem>>, vector<16xf32>,
        %add3A_1058 = arith.constant 1 : i32
        %add3A_1059 = vector.broadcast %add3A_1058 : i32 to vector<16xi32>
        %add3A_1060 = arith.addi %scan3A_587, %add3A_1059 : vector<16xi32>
        scf.yield %add3A_1060, %max3A_909, %min3A_776, %min3A_794, %min3A_813, %min3A_832, %min3A_851, %min3A_870, %min3A_889, %min3A_908 : vector<16xi32>, vector<16xf32>, vector<16xf32>, vector<16xf32>, vector<16xf32>, vector<16xf32>, vector<16xf32>, vector<16xf32>, vector<16xf32>, vector<16xf32>
      }
      %scan3A_569 = arith.constant 31 : i32
      %mul3A_570 = arith.constant 128 : i32
      %mul3A_571 = arith.muli %add3A, %mul3A_570 : i32
      "tpu.region"() ({
        %run_scoped3A = tpu.sem_alloc : memref<!tpu.dma_semaphore, #tpu.memory_space<semaphore_mem>>
        %dma_start3A = tpu.memref_slice %arg3[%mul3A_571] : memref<512xf32, #tpu.memory_space<hbm>> -> memref<128xf32, #tpu.memory_space<hbm>>
        %dma_start3A_586 = tpu.memref_slice %arg3[%mul3A_571] : memref<512xf32, #tpu.memory_space<hbm>> -> memref<128xf32, #tpu.memory_space<hbm>>
        tpu.enqueue_dma source(%arg14 : memref<128xf32, #tpu.memory_space<vmem>>) target(%dma_start3A_586 : memref<128xf32, #tpu.memory_space<hbm>>) target_semaphore(%run_scoped3A : memref<!tpu.dma_semaphore, #tpu.memory_space<semaphore_mem>>)
        %dma_wait3A = tpu.memref_slice %arg3[%mul3A_571] : memref<512xf32, #tpu.memory_space<hbm>> -> memref<128xf32, #tpu.memory_space<hbm>>
        %dma_wait3A_587 = tpu.memref_slice %arg3[%mul3A_571] : memref<512xf32, #tpu.memory_space<hbm>> -> memref<128xf32, #tpu.memory_space<hbm>>
        tpu.wait_dma2 semaphore(%run_scoped3A : memref<!tpu.dma_semaphore, #tpu.memory_space<semaphore_mem>>) src(%arg14 : memref<128xf32, #tpu.memory_space<vmem>>) dst(%dma_wait3A_587 : memref<128xf32, #tpu.memory_space<hbm>>)
        tpu.yield
      }) : () -> ()
      %mul3A_572 = arith.constant 128 : i32
      %mul3A_573 = arith.muli %add3A, %mul3A_572 : i32
      "tpu.region"() ({
        %run_scoped3A = tpu.sem_alloc : memref<!tpu.dma_semaphore, #tpu.memory_space<semaphore_mem>>
        %dma_start3A = tpu.memref_slice %arg4[%mul3A_573] : memref<512xf32, #tpu.memory_space<hbm>> -> memref<128xf32, #tpu.memory_space<hbm>>
        %dma_start3A_586 = tpu.memref_slice %arg4[%mul3A_573] : memref<512xf32, #tpu.memory_space<hbm>> -> memref<128xf32, #tpu.memory_space<hbm>>
        tpu.enqueue_dma source(%arg15 : memref<128xf32, #tpu.memory_space<vmem>>) target(%dma_start3A_586 : memref<128xf32, #tpu.memory_space<hbm>>) target_semaphore(%run_scoped3A : memref<!tpu.dma_semaphore, #tpu.memory_space<semaphore_mem>>)
        %dma_wait3A = tpu.memref_slice %arg4[%mul3A_573] : memref<512xf32, #tpu.memory_space<hbm>> -> memref<128xf32, #tpu.memory_space<hbm>>
        %dma_wait3A_587 = tpu.memref_slice %arg4[%mul3A_573] : memref<512xf32, #tpu.memory_space<hbm>> -> memref<128xf32, #tpu.memory_space<hbm>>
        tpu.wait_dma2 semaphore(%run_scoped3A : memref<!tpu.dma_semaphore, #tpu.memory_space<semaphore_mem>>) src(%arg15 : memref<128xf32, #tpu.memory_space<vmem>>) dst(%dma_wait3A_587 : memref<128xf32, #tpu.memory_space<hbm>>)
        tpu.yield
      }) : () -> ()
      %mul3A_574 = arith.constant 128 : i32
      %mul3A_575 = arith.muli %add3A, %mul3A_574 : i32
      "tpu.region"() ({
        %run_scoped3A = tpu.sem_alloc : memref<!tpu.dma_semaphore, #tpu.memory_space<semaphore_mem>>
        %dma_start3A = tpu.memref_slice %arg5[%mul3A_575] : memref<512xf32, #tpu.memory_space<hbm>> -> memref<128xf32, #tpu.memory_space<hbm>>
        %dma_start3A_586 = tpu.memref_slice %arg5[%mul3A_575] : memref<512xf32, #tpu.memory_space<hbm>> -> memref<128xf32, #tpu.memory_space<hbm>>
        tpu.enqueue_dma source(%arg16 : memref<128xf32, #tpu.memory_space<vmem>>) target(%dma_start3A_586 : memref<128xf32, #tpu.memory_space<hbm>>) target_semaphore(%run_scoped3A : memref<!tpu.dma_semaphore, #tpu.memory_space<semaphore_mem>>)
        %dma_wait3A = tpu.memref_slice %arg5[%mul3A_575] : memref<512xf32, #tpu.memory_space<hbm>> -> memref<128xf32, #tpu.memory_space<hbm>>
        %dma_wait3A_587 = tpu.memref_slice %arg5[%mul3A_575] : memref<512xf32, #tpu.memory_space<hbm>> -> memref<128xf32, #tpu.memory_space<hbm>>
        tpu.wait_dma2 semaphore(%run_scoped3A : memref<!tpu.dma_semaphore, #tpu.memory_space<semaphore_mem>>) src(%arg16 : memref<128xf32, #tpu.memory_space<vmem>>) dst(%dma_wait3A_587 : memref<128xf32, #tpu.memory_space<hbm>>)
        tpu.yield
      }) : () -> ()
      %mul3A_576 = arith.constant 128 : i32
      %mul3A_577 = arith.muli %add3A, %mul3A_576 : i32
      "tpu.region"() ({
        %run_scoped3A = tpu.sem_alloc : memref<!tpu.dma_semaphore, #tpu.memory_space<semaphore_mem>>
        %dma_start3A = tpu.memref_slice %arg6[%mul3A_577] : memref<512xf32, #tpu.memory_space<hbm>> -> memref<128xf32, #tpu.memory_space<hbm>>
        %dma_start3A_586 = tpu.memref_slice %arg6[%mul3A_577] : memref<512xf32, #tpu.memory_space<hbm>> -> memref<128xf32, #tpu.memory_space<hbm>>
        tpu.enqueue_dma source(%arg17 : memref<128xf32, #tpu.memory_space<vmem>>) target(%dma_start3A_586 : memref<128xf32, #tpu.memory_space<hbm>>) target_semaphore(%run_scoped3A : memref<!tpu.dma_semaphore, #tpu.memory_space<semaphore_mem>>)
        %dma_wait3A = tpu.memref_slice %arg6[%mul3A_577] : memref<512xf32, #tpu.memory_space<hbm>> -> memref<128xf32, #tpu.memory_space<hbm>>
        %dma_wait3A_587 = tpu.memref_slice %arg6[%mul3A_577] : memref<512xf32, #tpu.memory_space<hbm>> -> memref<128xf32, #tpu.memory_space<hbm>>
        tpu.wait_dma2 semaphore(%run_scoped3A : memref<!tpu.dma_semaphore, #tpu.memory_space<semaphore_mem>>) src(%arg17 : memref<128xf32, #tpu.memory_space<vmem>>) dst(%dma_wait3A_587 : memref<128xf32, #tpu.memory_space<hbm>>)
        tpu.yield
      }) : () -> ()
      %mul3A_578 = arith.constant 32 : i32
      %mul3A_579 = arith.muli %add3A, %mul3A_578 : i32
      "tpu.region"() ({
        %run_scoped3A = tpu.sem_alloc : memref<!tpu.dma_semaphore, #tpu.memory_space<semaphore_mem>>
        %dma_start3A = tpu.memref_slice %arg7[%mul3A_579] : memref<128xf32, #tpu.memory_space<hbm>> -> memref<32xf32, #tpu.memory_space<hbm>>
        %dma_start3A_586 = tpu.memref_slice %arg7[%mul3A_579] : memref<128xf32, #tpu.memory_space<hbm>> -> memref<32xf32, #tpu.memory_space<hbm>>
        tpu.enqueue_dma source(%arg18 : memref<32xf32, #tpu.memory_space<vmem>>) target(%dma_start3A_586 : memref<32xf32, #tpu.memory_space<hbm>>) target_semaphore(%run_scoped3A : memref<!tpu.dma_semaphore, #tpu.memory_space<semaphore_mem>>)
        %dma_wait3A = tpu.memref_slice %arg7[%mul3A_579] : memref<128xf32, #tpu.memory_space<hbm>> -> memref<32xf32, #tpu.memory_space<hbm>>
        %dma_wait3A_587 = tpu.memref_slice %arg7[%mul3A_579] : memref<128xf32, #tpu.memory_space<hbm>> -> memref<32xf32, #tpu.memory_space<hbm>>
        tpu.wait_dma2 semaphore(%run_scoped3A : memref<!tpu.dma_semaphore, #tpu.memory_space<semaphore_mem>>) src(%arg18 : memref<32xf32, #tpu.memory_space<vmem>>) dst(%dma_wait3A_587 : memref<32xf32, #tpu.memory_space<hbm>>)
        tpu.yield
      }) : () -> ()
      %mul3A_580 = arith.constant 32 : i32
      %mul3A_581 = arith.muli %add3A, %mul3A_580 : i32
      "tpu.region"() ({
        %run_scoped3A = tpu.sem_alloc : memref<!tpu.dma_semaphore, #tpu.memory_space<semaphore_mem>>
        %dma_start3A = tpu.memref_slice %arg8[%mul3A_581] : memref<128xf32, #tpu.memory_space<hbm>> -> memref<32xf32, #tpu.memory_space<hbm>>
        %dma_start3A_586 = tpu.memref_slice %arg8[%mul3A_581] : memref<128xf32, #tpu.memory_space<hbm>> -> memref<32xf32, #tpu.memory_space<hbm>>
        tpu.enqueue_dma source(%arg19 : memref<32xf32, #tpu.memory_space<vmem>>) target(%dma_start3A_586 : memref<32xf32, #tpu.memory_space<hbm>>) target_semaphore(%run_scoped3A : memref<!tpu.dma_semaphore, #tpu.memory_space<semaphore_mem>>)
        %dma_wait3A = tpu.memref_slice %arg8[%mul3A_581] : memref<128xf32, #tpu.memory_space<hbm>> -> memref<32xf32, #tpu.memory_space<hbm>>
        %dma_wait3A_587 = tpu.memref_slice %arg8[%mul3A_581] : memref<128xf32, #tpu.memory_space<hbm>> -> memref<32xf32, #tpu.memory_space<hbm>>
        tpu.wait_dma2 semaphore(%run_scoped3A : memref<!tpu.dma_semaphore, #tpu.memory_space<semaphore_mem>>) src(%arg19 : memref<32xf32, #tpu.memory_space<vmem>>) dst(%dma_wait3A_587 : memref<32xf32, #tpu.memory_space<hbm>>)
        tpu.yield
      }) : () -> ()
      %mul3A_582 = arith.constant 32 : i32
      %mul3A_583 = arith.muli %add3A, %mul3A_582 : i32
      "tpu.region"() ({
        %run_scoped3A = tpu.sem_alloc : memref<!tpu.dma_semaphore, #tpu.memory_space<semaphore_mem>>
        %dma_start3A = tpu.memref_slice %arg9[%mul3A_583] : memref<128xf32, #tpu.memory_space<hbm>> -> memref<32xf32, #tpu.memory_space<hbm>>
        %dma_start3A_586 = tpu.memref_slice %arg9[%mul3A_583] : memref<128xf32, #tpu.memory_space<hbm>> -> memref<32xf32, #tpu.memory_space<hbm>>
        tpu.enqueue_dma source(%arg20 : memref<32xf32, #tpu.memory_space<vmem>>) target(%dma_start3A_586 : memref<32xf32, #tpu.memory_space<hbm>>) target_semaphore(%run_scoped3A : memref<!tpu.dma_semaphore, #tpu.memory_space<semaphore_mem>>)
        %dma_wait3A = tpu.memref_slice %arg9[%mul3A_583] : memref<128xf32, #tpu.memory_space<hbm>> -> memref<32xf32, #tpu.memory_space<hbm>>
        %dma_wait3A_587 = tpu.memref_slice %arg9[%mul3A_583] : memref<128xf32, #tpu.memory_space<hbm>> -> memref<32xf32, #tpu.memory_space<hbm>>
        tpu.wait_dma2 semaphore(%run_scoped3A : memref<!tpu.dma_semaphore, #tpu.memory_space<semaphore_mem>>) src(%arg20 : memref<32xf32, #tpu.memory_space<vmem>>) dst(%dma_wait3A_587 : memref<32xf32, #tpu.memory_space<hbm>>)
        tpu.yield
      }) : () -> ()
      %mul3A_584 = arith.constant 32 : i32
      %mul3A_585 = arith.muli %add3A, %mul3A_584 : i32
      "tpu.region"() ({
        %run_scoped3A = tpu.sem_alloc : memref<!tpu.dma_semaphore, #tpu.memory_space<semaphore_mem>>
        %dma_start3A = tpu.memref_slice %arg10[%mul3A_585] : memref<128xf32, #tpu.memory_space<hbm>> -> memref<32xf32, #tpu.memory_space<hbm>>
        %dma_start3A_586 = tpu.memref_slice %arg10[%mul3A_585] : memref<128xf32, #tpu.memory_space<hbm>> -> memref<32xf32, #tpu.memory_space<hbm>>
        tpu.enqueue_dma source(%arg21 : memref<32xf32, #tpu.memory_space<vmem>>) target(%dma_start3A_586 : memref<32xf32, #tpu.memory_space<hbm>>) target_semaphore(%run_scoped3A : memref<!tpu.dma_semaphore, #tpu.memory_space<semaphore_mem>>)
        %dma_wait3A = tpu.memref_slice %arg10[%mul3A_585] : memref<128xf32, #tpu.memory_space<hbm>> -> memref<32xf32, #tpu.memory_space<hbm>>
        %dma_wait3A_587 = tpu.memref_slice %arg10[%mul3A_585] : memref<128xf32, #tpu.memory_space<hbm>> -> memref<32xf32, #tpu.memory_space<hbm>>
        tpu.wait_dma2 semaphore(%run_scoped3A : memref<!tpu.dma_semaphore, #tpu.memory_space<semaphore_mem>>) src(%arg21 : memref<32xf32, #tpu.memory_space<vmem>>) dst(%dma_wait3A_587 : memref<32xf32, #tpu.memory_space<hbm>>)
        tpu.yield
      }) : () -> ()
    } else {
    }
    return
  }
}

module attributes {stable_mosaic.version = 14 : i64} {
  func.func @_stage1_body(%arg0: i32, %arg1: memref<1x256x3xf32, #tpu.memory_space<vmem>>, %arg2: memref<1x3x256xf32, #tpu.memory_space<vmem>>, %arg3: memref<1x128x4xf32, #tpu.memory_space<vmem>>, %arg4: memref<3x64xf32, #tpu.memory_space<vmem>>, %arg5: memref<1x64xf32, #tpu.memory_space<vmem>>, %arg6: memref<64x128xf32, #tpu.memory_space<vmem>>, %arg7: memref<1x128xf32, #tpu.memory_space<vmem>>, %arg8: memref<1x128x128xbf16, #tpu.memory_space<vmem>>) attributes {dimension_semantics = [#tpu.dimension_semantics<arbitrary>], iteration_bounds = array<i64: 4>, scalar_prefetch = 0 : i64, scratch_operands = 0 : i64, tpu.core_type = #tpu.core_type<tc>, window_params = [{transform_indices = @transform_0, window_bounds = array<i64: 1, 256, 3>}, {transform_indices = @transform_1, window_bounds = array<i64: 1, 3, 256>}, {transform_indices = @transform_2, window_bounds = array<i64: 1, 128, 4>}, {pipeline_mode = #tpu.pipeline_mode<synchronous>, transform_indices = @transform_3, window_bounds = array<i64: 3, 64>}, {pipeline_mode = #tpu.pipeline_mode<synchronous>, transform_indices = @transform_4, window_bounds = array<i64: 1, 64>}, {pipeline_mode = #tpu.pipeline_mode<synchronous>, transform_indices = @transform_5, window_bounds = array<i64: 64, 128>}, {pipeline_mode = #tpu.pipeline_mode<synchronous>, transform_indices = @transform_6, window_bounds = array<i64: 1, 128>}, {transform_indices = @transform_7, window_bounds = array<i64: 1, 128, 128>}]} {
    %get3A = arith.constant 0 : index
    %get3A_0 = arith.constant 0 : index
    %get3A_1 = arith.constant 0 : index
    %get3A_2 = vector.load %arg1[%get3A, %get3A_0, %get3A_1] : memref<1x256x3xf32, #tpu.memory_space<vmem>>, vector<1x256x3xf32>
    %get3A_3 = vector.shape_cast %get3A_2 : vector<1x256x3xf32> to vector<256x3xf32>
    %get3A_4 = arith.constant 0 : index
    %get3A_5 = arith.constant 0 : index
    %get3A_6 = arith.constant 0 : index
    %get3A_7 = vector.load %arg2[%get3A_4, %get3A_5, %get3A_6] : memref<1x3x256xf32, #tpu.memory_space<vmem>>, vector<1x3x256xf32>
    %get3A_8 = vector.shape_cast %get3A_7 : vector<1x3x256xf32> to vector<3x256xf32>
    %get3A_9 = arith.constant 0 : index
    %get3A_10 = arith.constant 0 : index
    %get3A_11 = arith.constant 0 : index
    %get3A_12 = vector.load %arg3[%get3A_9, %get3A_10, %get3A_11] : memref<1x128x4xf32, #tpu.memory_space<vmem>>, vector<1x128x4xf32>
    %get3A_13 = vector.shape_cast %get3A_12 : vector<1x128x4xf32> to vector<128x4xf32>
    %slice3A = vector.extract_strided_slice %get3A_13 {offsets = [0, 0], sizes = [128, 3], strides = [1, 1]} : vector<128x4xf32> to vector<128x3xf32>
    %get3A_14 = arith.constant 0 : index
    %get3A_15 = arith.constant 0 : index
    %get3A_16 = vector.load %arg4[%get3A_14, %get3A_15] : memref<3x64xf32, #tpu.memory_space<vmem>>, vector<3x64xf32>
    %dot_general3A = arith.constant dense<0.000000e+00> : vector<256x64xf32>
    %dot_general3A_17 = tpu.matmul %get3A_3, %get3A_16, %dot_general3A {dimension_numbers = #tpu.dot_dimension_numbers<[1], [0], [0], [1], [0, 0, 1, 1], [], []>, transpose_lhs_hint = false} : vector<256x3xf32>, vector<3x64xf32>, vector<256x64xf32> -> vector<256x64xf32>
    %dot_general3A_18 = arith.constant dense<0.000000e+00> : vector<128x64xf32>
    %dot_general3A_19 = tpu.matmul %slice3A, %get3A_16, %dot_general3A_18 {dimension_numbers = #tpu.dot_dimension_numbers<[1], [0], [0], [1], [0, 0, 1, 1], [], []>, transpose_lhs_hint = false} : vector<128x3xf32>, vector<3x64xf32>, vector<128x64xf32> -> vector<128x64xf32>
    %get3A_20 = arith.constant 0 : index
    %get3A_21 = arith.constant 0 : index
    %get3A_22 = vector.load %arg5[%get3A_20, %get3A_21] : memref<1x64xf32, #tpu.memory_space<vmem>>, vector<1x64xf32>
    %add3A = vector.broadcast %get3A_22 : vector<1x64xf32> to vector<256x64xf32>
    %add3A_23 = arith.addf %dot_general3A_17, %add3A : vector<256x64xf32>
    %broadcast_in_dim3A = vector.shape_cast %add3A_23 : vector<256x64xf32> to vector<1x256x64xf32>
    %broadcast_in_dim3A_24 = vector.shape_cast %dot_general3A_19 : vector<128x64xf32> to vector<128x1x64xf32>
    %sub3A = vector.broadcast %broadcast_in_dim3A : vector<1x256x64xf32> to vector<128x256x64xf32>
    %sub3A_25 = vector.broadcast %broadcast_in_dim3A_24 : vector<128x1x64xf32> to vector<128x256x64xf32>
    %sub3A_26 = arith.subf %sub3A, %sub3A_25 : vector<128x256x64xf32>
    %max3A = arith.constant 0.000000e+00 : f32
    %max3A_27 = vector.broadcast %max3A : f32 to vector<128x256x64xf32>
    %max3A_28 = arith.maximumf %sub3A_26, %max3A_27 : vector<128x256x64xf32>
    %slice3A_29 = vector.extract_strided_slice %get3A_8 {offsets = [0, 0], sizes = [1, 256], strides = [1, 1]} : vector<3x256xf32> to vector<1x256xf32>
    %slice3A_30 = vector.extract_strided_slice %get3A_13 {offsets = [0, 0], sizes = [128, 1], strides = [1, 1]} : vector<128x4xf32> to vector<128x1xf32>
    %sub3A_31 = vector.broadcast %slice3A_29 : vector<1x256xf32> to vector<128x256xf32>
    %sub3A_32 = vector.broadcast %slice3A_30 : vector<128x1xf32> to vector<128x256xf32>
    %sub3A_33 = arith.subf %sub3A_31, %sub3A_32 : vector<128x256xf32>
    %slice3A_34 = vector.extract_strided_slice %get3A_8 {offsets = [1, 0], sizes = [1, 256], strides = [1, 1]} : vector<3x256xf32> to vector<1x256xf32>
    %slice3A_35 = vector.extract_strided_slice %get3A_13 {offsets = [0, 1], sizes = [128, 1], strides = [1, 1]} : vector<128x4xf32> to vector<128x1xf32>
    %sub3A_36 = vector.broadcast %slice3A_34 : vector<1x256xf32> to vector<128x256xf32>
    %sub3A_37 = vector.broadcast %slice3A_35 : vector<128x1xf32> to vector<128x256xf32>
    %sub3A_38 = arith.subf %sub3A_36, %sub3A_37 : vector<128x256xf32>
    %slice3A_39 = vector.extract_strided_slice %get3A_8 {offsets = [2, 0], sizes = [1, 256], strides = [1, 1]} : vector<3x256xf32> to vector<1x256xf32>
    %slice3A_40 = vector.extract_strided_slice %get3A_13 {offsets = [0, 2], sizes = [128, 1], strides = [1, 1]} : vector<128x4xf32> to vector<128x1xf32>
    %sub3A_41 = vector.broadcast %slice3A_39 : vector<1x256xf32> to vector<128x256xf32>
    %sub3A_42 = vector.broadcast %slice3A_40 : vector<128x1xf32> to vector<128x256xf32>
    %sub3A_43 = arith.subf %sub3A_41, %sub3A_42 : vector<128x256xf32>
    %mul3A = arith.mulf %sub3A_33, %sub3A_33 : vector<128x256xf32>
    %mul3A_44 = arith.mulf %sub3A_38, %sub3A_38 : vector<128x256xf32>
    %add3A_45 = arith.addf %mul3A, %mul3A_44 : vector<128x256xf32>
    %mul3A_46 = arith.mulf %sub3A_43, %sub3A_43 : vector<128x256xf32>
    %add3A_47 = arith.addf %add3A_45, %mul3A_46 : vector<128x256xf32>
    %iota3A = tpu.iota {dimensions = array<i32: 1>} : vector<128x256xi32>
    %lt3A = arith.constant 4.000000e-02 : f32
    %lt3A_48 = vector.broadcast %lt3A : f32 to vector<128x256xf32>
    %lt3A_49 = arith.cmpf olt, %add3A_47, %lt3A_48 : vector<128x256xf32>
    %slice3A_50 = vector.extract_strided_slice %get3A_13 {offsets = [0, 3], sizes = [128, 1], strides = [1, 1]} : vector<128x4xf32> to vector<128x1xf32>
    %convert_element_type3A = arith.fptosi %slice3A_50 : vector<128x1xf32> to vector<128x1xi32>
    %ne3A = vector.broadcast %convert_element_type3A : vector<128x1xi32> to vector<128x256xi32>
    %ne3A_51 = arith.cmpi ne, %iota3A, %ne3A : vector<128x256xi32>
    %and3A = arith.andi %lt3A_49, %ne3A_51 : vector<128x256xi1>
    %jit3A = arith.constant 0.000000e+00 : f32
    %jit3A_52 = arith.constant -1.000000e+09 : f32
    %broadcast_in_dim3A_53 = vector.broadcast %jit3A : f32 to vector<128x256xf32>
    %broadcast_in_dim3A_54 = vector.broadcast %jit3A_52 : f32 to vector<128x256xf32>
    %select_n3A = arith.select %and3A, %broadcast_in_dim3A_53, %broadcast_in_dim3A_54 : vector<128x256xi1>, vector<128x256xf32>
    %convert_element_type3A_55 = arith.truncf %select_n3A : vector<128x256xf32> to vector<128x256xbf16>
    %broadcast_in_dim3A_56 = vector.shape_cast %convert_element_type3A_55 : vector<128x256xbf16> to vector<128x256x1xbf16>
    %reshape3A = vector.shape_cast %max3A_28 : vector<128x256x64xf32> to vector<32768x64xf32>
    %convert_element_type3A_57 = arith.truncf %reshape3A : vector<32768x64xf32> to vector<32768x64xbf16>
    %get3A_58 = arith.constant 0 : index
    %get3A_59 = arith.constant 0 : index
    %get3A_60 = vector.load %arg6[%get3A_58, %get3A_59] : memref<64x128xf32, #tpu.memory_space<vmem>>, vector<64x128xf32>
    %convert_element_type3A_61 = arith.truncf %get3A_60 : vector<64x128xf32> to vector<64x128xbf16>
    %dot_general3A_62 = arith.constant dense<0.000000e+00> : vector<32768x128xf32>
    %dot_general3A_63 = tpu.matmul %convert_element_type3A_57, %convert_element_type3A_61, %dot_general3A_62 {dimension_numbers = #tpu.dot_dimension_numbers<[1], [0], [0], [1], [0, 0, 1, 1], [], []>, transpose_lhs_hint = false} : vector<32768x64xbf16>, vector<64x128xbf16>, vector<32768x128xf32> -> vector<32768x128xf32>
    %convert_element_type3A_64 = arith.truncf %dot_general3A_63 : vector<32768x128xf32> to vector<32768x128xbf16>
    %reshape3A_65 = vector.shape_cast %convert_element_type3A_64 : vector<32768x128xbf16> to vector<128x256x128xbf16>
    %add3A_66 = vector.broadcast %broadcast_in_dim3A_56 : vector<128x256x1xbf16> to vector<128x256x128xbf16>
    %add3A_67 = arith.addf %reshape3A_65, %add3A_66 : vector<128x256x128xbf16>
    %reduce_max3A = arith.constant dense<0xFF80> : vector<128x128xbf16>
    %reduce_max3A_68 = vector.multi_reduction <maximumf>, %add3A_67, %reduce_max3A [1] : vector<128x256x128xbf16> to vector<128x128xbf16>
    %get3A_69 = arith.constant 0 : index
    %get3A_70 = arith.constant 0 : index
    %get3A_71 = vector.load %arg7[%get3A_69, %get3A_70] : memref<1x128xf32, #tpu.memory_space<vmem>>, vector<1x128xf32>
    %convert_element_type3A_72 = arith.truncf %get3A_71 : vector<1x128xf32> to vector<1x128xbf16>
    %gt3A = arith.constant -4.991220e+08 : bf16
    %gt3A_73 = vector.broadcast %gt3A : bf16 to vector<128x128xbf16>
    %gt3A_74 = arith.cmpf ogt, %reduce_max3A_68, %gt3A_73 : vector<128x128xbf16>
    %add3A_75 = vector.broadcast %convert_element_type3A_72 : vector<1x128xbf16> to vector<128x128xbf16>
    %add3A_76 = arith.addf %reduce_max3A_68, %add3A_75 : vector<128x128xbf16>
    %jit3A_77 = arith.constant 0.000000e+00 : bf16
    %broadcast_in_dim3A_78 = vector.broadcast %jit3A_77 : bf16 to vector<128x128xbf16>
    %select_n3A_79 = arith.select %gt3A_74, %add3A_76, %broadcast_in_dim3A_78 : vector<128x128xi1>, vector<128x128xbf16>
    %swap3A = arith.constant 0 : index
    %swap3A_80 = arith.constant 0 : index
    %swap3A_81 = arith.constant 0 : index
    %swap3A_82 = vector.load %arg8[%swap3A, %swap3A_80, %swap3A_81] : memref<1x128x128xbf16, #tpu.memory_space<vmem>>, vector<1x128x128xbf16>
    %swap3A_83 = vector.shape_cast %swap3A_82 : vector<1x128x128xbf16> to vector<128x128xbf16>
    %swap3A_84 = vector.shape_cast %select_n3A_79 : vector<128x128xbf16> to vector<1x128x128xbf16>
    tpu.vector_store %arg8[%swap3A, %swap3A_80, %swap3A_81], %swap3A_84 {strides = array<i32>} : memref<1x128x128xbf16, #tpu.memory_space<vmem>>, vector<1x128x128xbf16>,
    return
  }
  func.func @transform_0(%arg0: i32) -> (i32, i32, i32) {
    %c0_i32 = arith.constant 0 : i32
    %c0_i32_0 = arith.constant 0 : i32
    %c0_i32_1 = arith.constant 0 : i32
    return %arg0, %c0_i32, %c0_i32_0 : i32, i32, i32
  }
  func.func @transform_1(%arg0: i32) -> (i32, i32, i32) {
    %c0_i32 = arith.constant 0 : i32
    %c0_i32_0 = arith.constant 0 : i32
    %c0_i32_1 = arith.constant 0 : i32
    return %arg0, %c0_i32, %c0_i32_0 : i32, i32, i32
  }
  func.func @transform_2(%arg0: i32) -> (i32, i32, i32) {
    %c0_i32 = arith.constant 0 : i32
    %c0_i32_0 = arith.constant 0 : i32
    %c0_i32_1 = arith.constant 0 : i32
    return %arg0, %c0_i32, %c0_i32_0 : i32, i32, i32
  }
  func.func @transform_3(%arg0: i32) -> (i32, i32) {
    %c0_i32 = arith.constant 0 : i32
    %c0_i32_0 = arith.constant 0 : i32
    %c0_i32_1 = arith.constant 0 : i32
    return %c0_i32, %c0_i32_0 : i32, i32
  }
  func.func @transform_4(%arg0: i32) -> (i32, i32) {
    %c0_i32 = arith.constant 0 : i32
    %c0_i32_0 = arith.constant 0 : i32
    %c0_i32_1 = arith.constant 0 : i32
    return %c0_i32, %c0_i32_0 : i32, i32
  }
  func.func @transform_5(%arg0: i32) -> (i32, i32) {
    %c0_i32 = arith.constant 0 : i32
    %c0_i32_0 = arith.constant 0 : i32
    %c0_i32_1 = arith.constant 0 : i32
    return %c0_i32, %c0_i32_0 : i32, i32
  }
  func.func @transform_6(%arg0: i32) -> (i32, i32) {
    %c0_i32 = arith.constant 0 : i32
    %c0_i32_0 = arith.constant 0 : i32
    %c0_i32_1 = arith.constant 0 : i32
    return %c0_i32, %c0_i32_0 : i32, i32
  }
  func.func @transform_7(%arg0: i32) -> (i32, i32, i32) {
    %c0_i32 = arith.constant 0 : i32
    %c0_i32_0 = arith.constant 0 : i32
    %c0_i32_1 = arith.constant 0 : i32
    return %arg0, %c0_i32, %c0_i32_0 : i32, i32, i32
  }
}

module attributes {stable_mosaic.version = 14 : i64} {
  func.func @_stage2_body(%arg0: i32, %arg1: memref<1x128x128xbf16, #tpu.memory_space<vmem>>, %arg2: memref<1x128x4xf32, #tpu.memory_space<vmem>>, %arg3: memref<1x3x128xf32, #tpu.memory_space<vmem>>, %arg4: memref<1x32x4xf32, #tpu.memory_space<vmem>>, %arg5: memref<128x256xf32, #tpu.memory_space<vmem>>, %arg6: memref<3x256xf32, #tpu.memory_space<vmem>>, %arg7: memref<1x256xf32, #tpu.memory_space<vmem>>, %arg8: memref<256x512xf32, #tpu.memory_space<vmem>>, %arg9: memref<1x512xf32, #tpu.memory_space<vmem>>, %arg10: memref<1x1x512xf32, #tpu.memory_space<vmem>>) attributes {dimension_semantics = [#tpu.dimension_semantics<arbitrary>], iteration_bounds = array<i64: 4>, scalar_prefetch = 0 : i64, scratch_operands = 0 : i64, tpu.core_type = #tpu.core_type<tc>, window_params = [{transform_indices = @transform_0, window_bounds = array<i64: 1, 128, 128>}, {transform_indices = @transform_1, window_bounds = array<i64: 1, 128, 4>}, {transform_indices = @transform_2, window_bounds = array<i64: 1, 3, 128>}, {transform_indices = @transform_3, window_bounds = array<i64: 1, 32, 4>}, {pipeline_mode = #tpu.pipeline_mode<synchronous>, transform_indices = @transform_4, window_bounds = array<i64: 128, 256>}, {pipeline_mode = #tpu.pipeline_mode<synchronous>, transform_indices = @transform_5, window_bounds = array<i64: 3, 256>}, {pipeline_mode = #tpu.pipeline_mode<synchronous>, transform_indices = @transform_6, window_bounds = array<i64: 1, 256>}, {pipeline_mode = #tpu.pipeline_mode<synchronous>, transform_indices = @transform_7, window_bounds = array<i64: 256, 512>}, {pipeline_mode = #tpu.pipeline_mode<synchronous>, transform_indices = @transform_8, window_bounds = array<i64: 1, 512>}, {transform_indices = @transform_9, window_bounds = array<i64: 1, 1, 512>}]} {
    %get3A = arith.constant 0 : index
    %get3A_0 = arith.constant 0 : index
    %get3A_1 = arith.constant 0 : index
    %get3A_2 = vector.load %arg1[%get3A, %get3A_0, %get3A_1] : memref<1x128x128xbf16, #tpu.memory_space<vmem>>, vector<1x128x128xbf16>
    %get3A_3 = vector.shape_cast %get3A_2 : vector<1x128x128xbf16> to vector<128x128xbf16>
    %get3A_4 = arith.constant 0 : index
    %get3A_5 = arith.constant 0 : index
    %get3A_6 = arith.constant 0 : index
    %get3A_7 = vector.load %arg2[%get3A_4, %get3A_5, %get3A_6] : memref<1x128x4xf32, #tpu.memory_space<vmem>>, vector<1x128x4xf32>
    %get3A_8 = vector.shape_cast %get3A_7 : vector<1x128x4xf32> to vector<128x4xf32>
    %get3A_9 = arith.constant 0 : index
    %get3A_10 = arith.constant 0 : index
    %get3A_11 = arith.constant 0 : index
    %get3A_12 = vector.load %arg3[%get3A_9, %get3A_10, %get3A_11] : memref<1x3x128xf32, #tpu.memory_space<vmem>>, vector<1x3x128xf32>
    %get3A_13 = vector.shape_cast %get3A_12 : vector<1x3x128xf32> to vector<3x128xf32>
    %slice3A = vector.extract_strided_slice %get3A_8 {offsets = [0, 0], sizes = [128, 3], strides = [1, 1]} : vector<128x4xf32> to vector<128x3xf32>
    %get3A_14 = arith.constant 0 : index
    %get3A_15 = arith.constant 0 : index
    %get3A_16 = arith.constant 0 : index
    %get3A_17 = vector.load %arg4[%get3A_14, %get3A_15, %get3A_16] : memref<1x32x4xf32, #tpu.memory_space<vmem>>, vector<1x32x4xf32>
    %get3A_18 = vector.shape_cast %get3A_17 : vector<1x32x4xf32> to vector<32x4xf32>
    %get3A_19 = arith.constant 0 : index
    %get3A_20 = arith.constant 0 : index
    %get3A_21 = vector.load %arg6[%get3A_19, %get3A_20] : memref<3x256xf32, #tpu.memory_space<vmem>>, vector<3x256xf32>
    %get3A_22 = arith.constant 0 : index
    %get3A_23 = arith.constant 0 : index
    %get3A_24 = vector.load %arg5[%get3A_22, %get3A_23] : memref<128x256xf32, #tpu.memory_space<vmem>>, vector<128x256xf32>
    %convert_element_type3A = arith.truncf %get3A_24 : vector<128x256xf32> to vector<128x256xbf16>
    %dot_general3A = arith.constant dense<0.000000e+00> : vector<128x256xf32>
    %dot_general3A_25 = tpu.matmul %get3A_3, %convert_element_type3A, %dot_general3A {dimension_numbers = #tpu.dot_dimension_numbers<[1], [0], [0], [1], [0, 0, 1, 1], [], []>, transpose_lhs_hint = false} : vector<128x128xbf16>, vector<128x256xbf16>, vector<128x256xf32> -> vector<128x256xf32>
    %dot_general3A_26 = arith.constant dense<0.000000e+00> : vector<128x256xf32>
    %dot_general3A_27 = tpu.matmul %slice3A, %get3A_21, %dot_general3A_26 {dimension_numbers = #tpu.dot_dimension_numbers<[1], [0], [0], [1], [0, 0, 1, 1], [], []>, transpose_lhs_hint = false} : vector<128x3xf32>, vector<3x256xf32>, vector<128x256xf32> -> vector<128x256xf32>
    %add3A = arith.addf %dot_general3A_25, %dot_general3A_27 : vector<128x256xf32>
    %get3A_28 = arith.constant 0 : index
    %get3A_29 = arith.constant 0 : index
    %get3A_30 = vector.load %arg7[%get3A_28, %get3A_29] : memref<1x256xf32, #tpu.memory_space<vmem>>, vector<1x256xf32>
    %add3A_31 = vector.broadcast %get3A_30 : vector<1x256xf32> to vector<128x256xf32>
    %add3A_32 = arith.addf %add3A, %add3A_31 : vector<128x256xf32>
    %slice3A_33 = vector.extract_strided_slice %get3A_18 {offsets = [0, 0], sizes = [32, 3], strides = [1, 1]} : vector<32x4xf32> to vector<32x3xf32>
    %dot_general3A_34 = arith.constant dense<0.000000e+00> : vector<32x256xf32>
    %dot_general3A_35 = tpu.matmul %slice3A_33, %get3A_21, %dot_general3A_34 {dimension_numbers = #tpu.dot_dimension_numbers<[1], [0], [0], [1], [0, 0, 1, 1], [], []>, transpose_lhs_hint = false} : vector<32x3xf32>, vector<3x256xf32>, vector<32x256xf32> -> vector<32x256xf32>
    %convert_element_type3A_36 = arith.truncf %add3A_32 : vector<128x256xf32> to vector<128x256xbf16>
    %convert_element_type3A_37 = arith.truncf %dot_general3A_35 : vector<32x256xf32> to vector<32x256xbf16>
    %broadcast_in_dim3A = vector.shape_cast %convert_element_type3A_36 : vector<128x256xbf16> to vector<1x128x256xbf16>
    %broadcast_in_dim3A_38 = vector.shape_cast %convert_element_type3A_37 : vector<32x256xbf16> to vector<32x1x256xbf16>
    %sub3A = vector.broadcast %broadcast_in_dim3A : vector<1x128x256xbf16> to vector<32x128x256xbf16>
    %sub3A_39 = vector.broadcast %broadcast_in_dim3A_38 : vector<32x1x256xbf16> to vector<32x128x256xbf16>
    %sub3A_40 = arith.subf %sub3A, %sub3A_39 : vector<32x128x256xbf16>
    %max3A = arith.constant 0.000000e+00 : bf16
    %max3A_41 = vector.broadcast %max3A : bf16 to vector<32x128x256xbf16>
    %max3A_42 = arith.maximumf %sub3A_40, %max3A_41 : vector<32x128x256xbf16>
    %slice3A_43 = vector.extract_strided_slice %get3A_13 {offsets = [0, 0], sizes = [1, 128], strides = [1, 1]} : vector<3x128xf32> to vector<1x128xf32>
    %slice3A_44 = vector.extract_strided_slice %get3A_18 {offsets = [0, 0], sizes = [32, 1], strides = [1, 1]} : vector<32x4xf32> to vector<32x1xf32>
    %sub3A_45 = vector.broadcast %slice3A_43 : vector<1x128xf32> to vector<32x128xf32>
    %sub3A_46 = vector.broadcast %slice3A_44 : vector<32x1xf32> to vector<32x128xf32>
    %sub3A_47 = arith.subf %sub3A_45, %sub3A_46 : vector<32x128xf32>
    %slice3A_48 = vector.extract_strided_slice %get3A_13 {offsets = [1, 0], sizes = [1, 128], strides = [1, 1]} : vector<3x128xf32> to vector<1x128xf32>
    %slice3A_49 = vector.extract_strided_slice %get3A_18 {offsets = [0, 1], sizes = [32, 1], strides = [1, 1]} : vector<32x4xf32> to vector<32x1xf32>
    %sub3A_50 = vector.broadcast %slice3A_48 : vector<1x128xf32> to vector<32x128xf32>
    %sub3A_51 = vector.broadcast %slice3A_49 : vector<32x1xf32> to vector<32x128xf32>
    %sub3A_52 = arith.subf %sub3A_50, %sub3A_51 : vector<32x128xf32>
    %slice3A_53 = vector.extract_strided_slice %get3A_13 {offsets = [2, 0], sizes = [1, 128], strides = [1, 1]} : vector<3x128xf32> to vector<1x128xf32>
    %slice3A_54 = vector.extract_strided_slice %get3A_18 {offsets = [0, 2], sizes = [32, 1], strides = [1, 1]} : vector<32x4xf32> to vector<32x1xf32>
    %sub3A_55 = vector.broadcast %slice3A_53 : vector<1x128xf32> to vector<32x128xf32>
    %sub3A_56 = vector.broadcast %slice3A_54 : vector<32x1xf32> to vector<32x128xf32>
    %sub3A_57 = arith.subf %sub3A_55, %sub3A_56 : vector<32x128xf32>
    %mul3A = arith.mulf %sub3A_47, %sub3A_47 : vector<32x128xf32>
    %mul3A_58 = arith.mulf %sub3A_52, %sub3A_52 : vector<32x128xf32>
    %add3A_59 = arith.addf %mul3A, %mul3A_58 : vector<32x128xf32>
    %mul3A_60 = arith.mulf %sub3A_57, %sub3A_57 : vector<32x128xf32>
    %add3A_61 = arith.addf %add3A_59, %mul3A_60 : vector<32x128xf32>
    %iota3A = tpu.iota {dimensions = array<i32: 1>} : vector<32x128xi32>
    %lt3A = arith.constant 1.600000e-01 : f32
    %lt3A_62 = vector.broadcast %lt3A : f32 to vector<32x128xf32>
    %lt3A_63 = arith.cmpf olt, %add3A_61, %lt3A_62 : vector<32x128xf32>
    %slice3A_64 = vector.extract_strided_slice %get3A_18 {offsets = [0, 3], sizes = [32, 1], strides = [1, 1]} : vector<32x4xf32> to vector<32x1xf32>
    %convert_element_type3A_65 = arith.fptosi %slice3A_64 : vector<32x1xf32> to vector<32x1xi32>
    %ne3A = vector.broadcast %convert_element_type3A_65 : vector<32x1xi32> to vector<32x128xi32>
    %ne3A_66 = arith.cmpi ne, %iota3A, %ne3A : vector<32x128xi32>
    %and3A = arith.andi %lt3A_63, %ne3A_66 : vector<32x128xi1>
    %jit3A = arith.constant 0.000000e+00 : f32
    %jit3A_67 = arith.constant -1.000000e+09 : f32
    %broadcast_in_dim3A_68 = vector.broadcast %jit3A : f32 to vector<32x128xf32>
    %broadcast_in_dim3A_69 = vector.broadcast %jit3A_67 : f32 to vector<32x128xf32>
    %select_n3A = arith.select %and3A, %broadcast_in_dim3A_68, %broadcast_in_dim3A_69 : vector<32x128xi1>, vector<32x128xf32>
    %convert_element_type3A_70 = arith.truncf %select_n3A : vector<32x128xf32> to vector<32x128xbf16>
    %broadcast_in_dim3A_71 = vector.shape_cast %convert_element_type3A_70 : vector<32x128xbf16> to vector<32x128x1xbf16>
    %reshape3A = vector.shape_cast %max3A_42 : vector<32x128x256xbf16> to vector<4096x256xbf16>
    %get3A_72 = arith.constant 0 : index
    %get3A_73 = arith.constant 0 : index
    %get3A_74 = vector.load %arg8[%get3A_72, %get3A_73] : memref<256x512xf32, #tpu.memory_space<vmem>>, vector<256x512xf32>
    %convert_element_type3A_75 = arith.truncf %get3A_74 : vector<256x512xf32> to vector<256x512xbf16>
    %dot_general3A_76 = arith.constant dense<0.000000e+00> : vector<4096x512xf32>
    %dot_general3A_77 = tpu.matmul %reshape3A, %convert_element_type3A_75, %dot_general3A_76 {dimension_numbers = #tpu.dot_dimension_numbers<[1], [0], [0], [1], [0, 0, 1, 1], [], []>, transpose_lhs_hint = false} : vector<4096x256xbf16>, vector<256x512xbf16>, vector<4096x512xf32> -> vector<4096x512xf32>
    %convert_element_type3A_78 = arith.truncf %dot_general3A_77 : vector<4096x512xf32> to vector<4096x512xbf16>
    %reshape3A_79 = vector.shape_cast %convert_element_type3A_78 : vector<4096x512xbf16> to vector<32x128x512xbf16>
    %add3A_80 = vector.broadcast %broadcast_in_dim3A_71 : vector<32x128x1xbf16> to vector<32x128x512xbf16>
    %add3A_81 = arith.addf %reshape3A_79, %add3A_80 : vector<32x128x512xbf16>
    %reduce_max3A = arith.constant dense<0xFF80> : vector<32x512xbf16>
    %reduce_max3A_82 = vector.multi_reduction <maximumf>, %add3A_81, %reduce_max3A [1] : vector<32x128x512xbf16> to vector<32x512xbf16>
    %convert_element_type3A_83 = arith.extf %reduce_max3A_82 : vector<32x512xbf16> to vector<32x512xf32>
    %gt3A = arith.constant -5.000000e+08 : f32
    %gt3A_84 = vector.broadcast %gt3A : f32 to vector<32x512xf32>
    %gt3A_85 = arith.cmpf ogt, %convert_element_type3A_83, %gt3A_84 : vector<32x512xf32>
    %get3A_86 = arith.constant 0 : index
    %get3A_87 = arith.constant 0 : index
    %get3A_88 = vector.load %arg9[%get3A_86, %get3A_87] : memref<1x512xf32, #tpu.memory_space<vmem>>, vector<1x512xf32>
    %add3A_89 = vector.broadcast %get3A_88 : vector<1x512xf32> to vector<32x512xf32>
    %add3A_90 = arith.addf %convert_element_type3A_83, %add3A_89 : vector<32x512xf32>
    %jit3A_91 = arith.constant 0.000000e+00 : f32
    %broadcast_in_dim3A_92 = vector.broadcast %jit3A_91 : f32 to vector<32x512xf32>
    %select_n3A_93 = arith.select %gt3A_85, %add3A_90, %broadcast_in_dim3A_92 : vector<32x512xi1>, vector<32x512xf32>
    %reduce_max3A_94 = arith.constant dense<0xFF800000> : vector<512xf32>
    %reduce_max3A_95 = vector.multi_reduction <maximumf>, %select_n3A_93, %reduce_max3A_94 [0] : vector<32x512xf32> to vector<512xf32>
    %swap3A = arith.constant 0 : index
    %swap3A_96 = arith.constant 0 : index
    %swap3A_97 = arith.constant 0 : index
    %swap3A_98 = vector.load %arg10[%swap3A, %swap3A_96, %swap3A_97] : memref<1x1x512xf32, #tpu.memory_space<vmem>>, vector<1x1x512xf32>
    %swap3A_99 = vector.shape_cast %swap3A_98 : vector<1x1x512xf32> to vector<512xf32>
    %swap3A_100 = vector.shape_cast %reduce_max3A_95 : vector<512xf32> to vector<1x1x512xf32>
    tpu.vector_store %arg10[%swap3A, %swap3A_96, %swap3A_97], %swap3A_100 {strides = array<i32>} : memref<1x1x512xf32, #tpu.memory_space<vmem>>, vector<1x1x512xf32>,
    return
  }
  func.func @transform_0(%arg0: i32) -> (i32, i32, i32) {
    %c0_i32 = arith.constant 0 : i32
    %c0_i32_0 = arith.constant 0 : i32
    %c0_i32_1 = arith.constant 0 : i32
    return %arg0, %c0_i32, %c0_i32_0 : i32, i32, i32
  }
  func.func @transform_1(%arg0: i32) -> (i32, i32, i32) {
    %c0_i32 = arith.constant 0 : i32
    %c0_i32_0 = arith.constant 0 : i32
    %c0_i32_1 = arith.constant 0 : i32
    return %arg0, %c0_i32, %c0_i32_0 : i32, i32, i32
  }
  func.func @transform_2(%arg0: i32) -> (i32, i32, i32) {
    %c0_i32 = arith.constant 0 : i32
    %c0_i32_0 = arith.constant 0 : i32
    %c0_i32_1 = arith.constant 0 : i32
    return %arg0, %c0_i32, %c0_i32_0 : i32, i32, i32
  }
  func.func @transform_3(%arg0: i32) -> (i32, i32, i32) {
    %c0_i32 = arith.constant 0 : i32
    %c0_i32_0 = arith.constant 0 : i32
    %c0_i32_1 = arith.constant 0 : i32
    return %arg0, %c0_i32, %c0_i32_0 : i32, i32, i32
  }
  func.func @transform_4(%arg0: i32) -> (i32, i32) {
    %c0_i32 = arith.constant 0 : i32
    %c0_i32_0 = arith.constant 0 : i32
    %c0_i32_1 = arith.constant 0 : i32
    return %c0_i32, %c0_i32_0 : i32, i32
  }
  func.func @transform_5(%arg0: i32) -> (i32, i32) {
    %c0_i32 = arith.constant 0 : i32
    %c0_i32_0 = arith.constant 0 : i32
    %c0_i32_1 = arith.constant 0 : i32
    return %c0_i32, %c0_i32_0 : i32, i32
  }
  func.func @transform_6(%arg0: i32) -> (i32, i32) {
    %c0_i32 = arith.constant 0 : i32
    %c0_i32_0 = arith.constant 0 : i32
    %c0_i32_1 = arith.constant 0 : i32
    return %c0_i32, %c0_i32_0 : i32, i32
  }
  func.func @transform_7(%arg0: i32) -> (i32, i32) {
    %c0_i32 = arith.constant 0 : i32
    %c0_i32_0 = arith.constant 0 : i32
    %c0_i32_1 = arith.constant 0 : i32
    return %c0_i32, %c0_i32_0 : i32, i32
  }
  func.func @transform_8(%arg0: i32) -> (i32, i32) {
    %c0_i32 = arith.constant 0 : i32
    %c0_i32_0 = arith.constant 0 : i32
    %c0_i32_1 = arith.constant 0 : i32
    return %c0_i32, %c0_i32_0 : i32, i32
  }
  func.func @transform_9(%arg0: i32) -> (i32, i32, i32) {
    %c0_i32 = arith.constant 0 : i32
    %c0_i32_0 = arith.constant 0 : i32
    %c0_i32_1 = arith.constant 0 : i32
    return %arg0, %c0_i32, %c0_i32_0 : i32, i32, i32
  }
}

</mosaic_0001>

<sc_bundles>
// kernel: kernel.5.cloned.1.call-start
scs
__scs_entry_jumppad:
0x0: {  	(pc) =	sbr.rel $0x88, $3  }
0x1: {  	(tag) =	ssettag $0x0;
	lr =	simm.s32 $0x1  }
0x2: {  	[smem:$0x3F98] =	sst lr;
	_ =	strace $0xD0000000  }
0x3: {  	_ = 	snop  }
0x4: {  	_ = 	snop  }
0x5: {  	_ = 	snop  }
0x6: {  	_ = 	snop  }
0x7: {  	_ = 	snop  }
__scs_overlays_trampoline_lowered:
0x8: {  	[smem:$0x3FA7] =	sst s0  }
0x9: {  	[smem:$0x3FA8] =	sst s1  }
0xa: {  	[smem:$0x3FA9] =	sst s2  }
0xb: {  	[smem:$0x3FAA] =	sst s3  }
0xc: {  	[smem:$0x3FAB] =	sst s4  }
0xd: {  	[smem:$0x3FAC] =	sst s5  }
0xe: {  	[smem:$0x3FAD] =	sst s6  }
0xf: {  	[smem:$0x3FAE] =	sst s7  }
0x10: {  	[smem:$0x3FAF] =	sst s8  }
0x11: {  	[smem:$0x3FB0] =	sst s9;
	s0 =	simm.s32 @!p0 $0x0  }
0x12: {  	s1 =	sld [smem:$0x3F96];
	s0 =	simm.s32 @p0 $0x1  }
0x13: {  	[smem:$0x3FB1] =	sst s0;
	s0 =	simm.s32 @!p1 $0x0  }
0x14: {  	s2 =	sld [smem:$0x3F95];
	s0 =	simm.s32 @p1 $0x1  }
0x15: {  	[smem:$0x3FB2] =	sst s0;
	s0 =	simm.s32 @!p2 $0x0  }
0x16: {  	s3 =	sld [smem:$0x3FDB];
	s0 =	simm.s32 @p2 $0x1  }
0x17: {  	s4 =	simm.s32 $0x1BF5;
	[smem:$0x3FB4] =	sst s0  }
0x18: {  	s0 =	sld [smem:$0x3F97];
	_ =	swait.ge [sflag:s4], $0x0  }
0x19: {  	s7 =	sld [smem:$0x3F98]  }
0x1a: {  	s8 =	sadd.s32 $0xFFFFE003, lr  }
0x1b: {  	s9 =	sadd.s32 $0xFFFFFEF7, lr;
	s5 =	simm.s32 $0xFFFFFFFF;
	p2 =	slt.u32 s8, $0xFFFFF086  }
0x1c: {  	p1 =	slt.u32 s9, $0xF7A;
	s5 =	simm.s32 @!p2 $0x0  }
0x1d: {  	s5 =	simm.s32 @p1 $0x1;
	p0 =	seq.s32 s7, s2  }
0x1e: {  	s7 =	smul.u32 @!p0 $0xF7A, s2;
	p2 =	seq.s32 @!p0 s5, $0x0  }
0x1f: {  	s9 =	smul.u32 $0xF7A, s1;
	s8 =	simm.s32 @!p0 $0x1BF5;
	p2 =	por !p2, p0  }
0x20: {  	[sflag:s8] =	ssyncset.s32 @!p0 $0xFFFFF086;
	s6 =	sadd.s32 @!p0 s3, s7;
	s7 =	simm.s32 @!p0 $0x108  }
0x21: {  	s3 =	sadd.s32 s3, s9;
	s6 =	sadd.s32 @!p0 $0x88, s6;
	s7 =	simm.s32 @p2 $0x1082  }
0x22: {  	[simem:s7], [sflag:s8] =	dma.local @!p0 [hbm:s6], $0xF7A  }
0x23: {  	s9 =	sor.u32 $0xD0000000, s2;
	s6 =	simm.s32 $0x108;
	_ =	swait.ge @!p0 [sflag:s8], $0x0  }
0x24: {  	s3 =	sadd.s32 $0x88, s3;
	s6 =	simm.s32 @!p1 $0x1082;
	[sflag:s4] =	ssyncset.s32 $0xFFFFF086  }
0x25: {  	[simem:s6], [sflag:s4] =	dma.local [hbm:s3], $0xF7A  }
0x26: {  	[smem:$0x3F98] =	sst s1;
	(tag) =	ssettag s2;
	_ =	strace s9  }
0x27: {  	s1 =	sld [smem:$0x3FA8]  }
0x28: {  	s2 =	sld [smem:$0x3FA9]  }
0x29: {  	s4 =	sld [smem:$0x3FAB]  }
0x2a: {  	p0 =	seq.s32 s5, $0x0;
	s5 =	sld [smem:$0x3FAC]  }
0x2b: {  	s6 =	sld [smem:$0x3FAD]  }
0x2c: {  	s7 =	sld [smem:$0x3FAE]  }
0x2d: {  	s3 =	simm.s32 $0x108;
	s8 =	sld [smem:$0x3FAF]  }
0x2e: {  	s3 =	simm.s32 @!p0 $0x1082;
	s9 =	sld [smem:$0x3FB0]  }
0x2f: {  	lr =	sadd.s32 s0, s3;
	s0 =	sld [smem:$0x3FA7]  }
0x30: {  	s3 =	sld [smem:$0x3FAA]  }
0x31: {  	[smem:$0x3FB3] =	sst s10  }
0x32: {  	s10 =	sld [smem:$0x3FB1];
	_ =	sdelay $0x3  }
0x33: {  	p0 =	seq.s32 s10, $0x1;
	s10 =	sld [smem:$0x3FB3];
	_ =	sdelay $0x3  }
0x34: {  	[smem:$0x3FB3] =	sst s10  }
0x35: {  	s10 =	sld [smem:$0x3FB2];
	_ =	sdelay $0x3  }
0x36: {  	p1 =	seq.s32 s10, $0x1;
	s10 =	sld [smem:$0x3FB3];
	_ =	sdelay $0x3  }
0x37: {  	[smem:$0x3FB3] =	sst s10  }
0x38: {  	s10 =	sld [smem:$0x3FB4]  }
0x39: {  	_ = 	snop;
	(pc) =	sbr.ind lr, $3  }
0x3a: {  	_ = 	snop  }
0x3b: {  	_ = 	snop  }
0x3c: {  	p2 =	seq.s32 s10, $0x1;
	s10 =	sld [smem:$0x3FB3]  }
0x3d: {  	_ =	shalt  }
0x3e: {  	_ =	shalt  }
0x3f: {  	_ =	shalt  }
0x40: {  	_ =	shalt  }
0x41: {  	_ =	shalt  }
0x42: {  	_ =	shalt  }
0x43: {  	_ =	shalt  }
0x44: {  	_ =	shalt  }
0x45: {  	_ =	shalt  }
0x46: {  	_ =	shalt  }
0x47: {  	_ =	shalt  }
0x48: {  	_ =	shalt  }
0x49: {  	_ =	shalt  }
0x4a: {  	_ =	shalt  }
0x4b: {  	_ =	shalt  }
0x4c: {  	_ =	shalt  }
0x4d: {  	_ =	shalt  }
0x4e: {  	_ =	shalt  }
0x4f: {  	_ =	shalt  }
0x50: {  	_ =	shalt  }
0x51: {  	_ =	shalt  }
0x52: {  	_ =	shalt  }
0x53: {  	_ =	shalt  }
0x54: {  	_ =	shalt  }
0x55: {  	_ =	shalt  }
0x56: {  	_ =	shalt  }
0x57: {  	_ =	shalt  }
0x58: {  	_ =	shalt  }
0x59: {  	_ =	shalt  }
0x5a: {  	_ =	shalt  }
0x5b: {  	_ =	shalt  }
0x5c: {  	_ =	shalt  }
0x5d: {  	_ =	shalt  }
0x5e: {  	_ =	shalt  }
0x5f: {  	_ =	shalt  }
0x60: {  	_ =	shalt  }
0x61: {  	_ =	shalt  }
0x62: {  	_ =	shalt  }
0x63: {  	_ =	shalt  }
0x64: {  	_ =	shalt  }
0x65: {  	_ =	shalt  }
0x66: {  	_ =	shalt  }
0x67: {  	_ =	shalt  }
0x68: {  	_ =	shalt  }
0x69: {  	_ =	shalt  }
0x6a: {  	_ =	shalt  }
0x6b: {  	_ =	shalt  }
0x6c: {  	_ =	shalt  }
0x6d: {  	_ =	shalt  }
0x6e: {  	_ =	shalt  }
0x6f: {  	_ =	shalt  }
0x70: {  	_ =	shalt  }
0x71: {  	_ =	shalt  }
0x72: {  	_ =	shalt  }
0x73: {  	_ =	shalt  }
0x74: {  	_ =	shalt  }
0x75: {  	_ =	shalt  }
0x76: {  	_ =	shalt  }
0x77: {  	_ =	shalt  }
0x78: {  	_ =	shalt  }
0x79: {  	_ =	shalt  }
0x7a: {  	_ =	shalt  }
0x7b: {  	_ =	shalt  }
0x7c: {  	_ =	shalt  }
0x7d: {  	_ =	shalt  }
0x7e: {  	_ =	shalt  }
0x7f: {  	_ =	shalt  }
0x80: {  	_ =	shalt  }
0x81: {  	_ =	shalt  }
0x82: {  	_ =	shalt  }
0x83: {  	_ =	shalt  }
0x84: {  	_ =	shalt  }
0x85: {  	_ =	shalt  }
0x86: {  	_ =	shalt  }
0x87: {  	_ =	shalt  }
.Lfunc_end0:
.L_simem_size_0:
called_computation_lowered:
.L_overlay_start_0:
0x88: {  	s2 =	sld [smem:$0x3FD9]  }
0x89: {  	s3 =	sld [smem:$0x3FFE];
	_ =	sdelay $0x1  }
0x8a: {  	s1 =	srdreg.scid  }
0x8b: {  	s0 =	sand.u32 $0x1, s1  }
0x8c: {  	s17 =	sshll.u32 s0, $0xA;
	s2 =	sadd.s32 s3, s2  }
0x8d: {  	s2 =	sadd.s32 s2, s17  }
0x8e: {  	[smem:$0x3FBF] =	sst s2  }
0x8f: {  	_ = 	snop  }
0x90: {  	s2 =	sld [smem:$0x3FD0];
	(tm) =	ssettm $0x1  }
0x91: {  	s18 =	sld [smem:$0x3FFB];
	_ =	sdelay $0x3  }
0x92: {  	_ =	strace s18  }
0x93: {  	s3 =	sld [smem:$0x3FFC];
	_ =	sdelay $0x3  }
0x94: {  	_ =	strace s3  }
0x95: {  	s3 =	sld [smem:$0x3FFD];
	_ =	sdelay $0x3  }
0x96: {  	_ =	strace s3  }
0x97: {  	_ =	strace $0x8FFFFFFF  }
0x98: {  	s19 =	sld [smem:$0x3FDB];
	_ =	sdelay $0x1  }
0x99: {  	s4 =	simm.s32 $_scs_section_size  }
0x9a: {  	s5 =	simm.s32 $_size__tile_overlayer_lowered;
	s6 =	simm.s32 $_tile_overlayer_lowered  }
0x9b: {  	s22 =	simm.s32 $0x1BFF;
	s21 =	sshll.u32 s6, $0x1;
	s3 =	sadd.s32 s4, s19  }
0x9c: {  	s7 =	simm.s32 $0x0;
	s20 =	sshll.u32 s5, $0x1;
	s5 =	sadd.s32 s21, s3  }
0x9d: {  	[timem:s7], [sflag:s22] =	dma.local [hbm:s5], s20  }
0x9e: {  	_ =	swait.ge [sflag:s22], s20  }
0x9f: {  	s4 =	ssub.s32 $0x0, s20;
	[sflag:s22] =	ssyncset.done $0x0  }
0xa0: {  	[sflag:s22] =	ssyncadd.s32 s4;
	_ =	sdelay $0x1  }
0xa1: {  	s23 =	simm.s32 $0x1B8B  }
0xa2: {  	_ =	swait.ge [sflag:s23], $0x1  }
0xa3: {  	[sflag:s23] =	ssyncset.done $0x0  }
0xa4: {  	s25 =	simm.s32 $0x1B8E;
	s24 =	sld [smem:$0x3FFE];
	[sflag:s23] =	ssyncadd.s32 $0xFFFFFFFF  }
0xa5: {  	s26 =	simm.s32 $execute0_lowered;
	[smem:$0x3FD2] =	sst s25  }
0xa6: {  	s5 =	sshll.u32 s26, $0x1;
	_ =	strace $0x80000046;
	[dreg:$0x1] =	wrdreg $0xFFFFFFFF  }
0xa7: {  	s28 =	simm.s32 $_size_execute0_lowered;
	s3 =	sadd.s32 s3, s5;
	[dreg:$0x0] =	wrdreg $0x0  }
0xa8: {  	s5 =	sshll.u32 s28, $0x1;
	[dreg:$0x2] =	wrdreg s3  }
0xa9: {  	[dreg:$0x3] =	wrdreg s5  }
0xaa: {  	[dreg:$0x4] =	wrdreg $0xC0  }
0xab: {  	_ =	task [dreg:s7], $0x5FFFF  }
0xac: {  	[dreg:$0x1] =	wrdreg $0xFFFFFFFF  }
0xad: {  	[dreg:$0x0] =	wrdreg $0x60  }
0xae: {  	[dreg:$0x2] =	wrdreg s24  }
0xaf: {  	[dreg:$0x3] =	wrdreg s2  }
0xb0: {  	[dreg:$0x4] =	wrdreg $0x9  }
0xb1: {  	_ =	task.clear_ibuf [dreg:s7], $0x5FFFF;
	_ =	strace $0x90000046  }
0xb2: {  	s29 =	simm.s32 $0x9;
	_ =	strace $0x80000048  }
0xb3: {  	_ =	swait.ge [sflag:s29], $0x1  }
0xb4: {  	[sflag:s29] =	ssyncadd.s32 $0xFFFFFFFF  }
0xb5: {  	_ =	strace $0x90000048  }
0xb6: {  	_ =	sfence  }
0xb7: {  	s30 =	sld [smem:$0x0];
	_ =	sdelay $0x2  }
0xb8: {  	s31 =	sshll.u32 s1, $0xD;
	s1 =	sshrl.u32 s1, $0x2  }
0xb9: {  	s3 =	sand.u32 $0x4000, s31;
	s1 =	sadd.s32 s1, s30  }
0xba: {  	s0 =	sor.u32 s3, s0;
	s1 =	sshll.u32 s1, $0x11  }
0xbb: {  	s0 =	sor.u32 s1, s0  }
0xbc: {  	s0 =	sadd.s32 $0x8F2B, s0  }
0xbd: {  	[sflag:s0] =	ssyncadd.remote.s32 $0x1  }
0xbe: {  	_ =	sfence.sel $0xFFFF  }
0xbf: {  	[dreg:$0x0] =	wrdreg $0xFFFFFFFF;
	(pc) =	sbr.abs _section_cstart, $3  }
0xc0: {  	[dreg:$0x1] =	wrdreg $0xFFFFFFFF  }
0xc1: {  	_ =	task.clear_ibuf [dreg:s7], $0x2FFFF;
	_ =	strace $0x9FFFFFFF  }
0xc2: {  	(tm) =	ssettm $0x7FFFFFFF  }
0xc3: {  	_ =	shalt  }
tec
execute0_lowered:
.L_overlay_start_1:
0x0: {  	(tag) =	ssettag $0x1  }
0x1: {  	s1 =	stileid.u32  }
0x2: {  	p0 =	sgt.u32 s1, $0x1  }
.Ltmp0:
0x3: {  	_ = 	snop;
	(pc) =	sbr.rel @p0 .LBB2_7-.Ltmp0, $4  }
0x4: {  	_ = 	snop  }
0x5: {  	s4 =	rddreg [dreg:$0x0];
	s2 =	simm.s32 $0x0  }
0x6: {  	[smem:$0x7FF] =	sst s2  }
0x7: {  	s6 =	rddreg [dreg:$0x1];
	_ =	strace $0x80000047  }
0x8: {  	v0 =	vimm.s32 $0xBA98FEDC;
	v1 =	vimm.s32 $0x32107654  }
0x9: {  	s3 =	srdreg.scid;
	s31 =	sshll.u32 s1, $0x1;
	v2 =	vimm.s32 $0x76543210;
	v0 =	vunpack.c.l.s4.s8 v0;
	v1 =	vunpack.c.l.s4.s8 v1  }
0xa: {  	s7 =	sadd.s32 $0x2800, s4;
	v3 =	vimm.s32 $0xFEDCBA98;
	v6 =	vimm.s32 $0x67452301;
	s15 =	simm.s32 $0x100;
	s16 =	simm.s32 $0x200  }
0xb: {  	s17 =	simm.s32 $0x1;
	s18 =	simm.s32 $0x300;
	s19 =	simm.s32 $0x380;
	v3 =	vunpack.c.l.s4.s8 v3;
	v0 =	vunpack.c.0.s8.s32 v0;
	v1 =	vunpack.c.0.s8.s32 v1  }
0xc: {  	v4 =	vimm.s32 $0xDCFE98BA;
	s20 =	simm.s32 $0x400;
	s21 =	simm.s32 $0x480;
	s22 =	simm.s32 $0x500;
	v6 =	vunpack.c.l.s4.s8 v6  }
0xd: {  	s23 =	simm.s32 $0x580;
	s24 =	simm.s32 $0x600;
	s8 =	sand.u32 $0x1, s3;
	v2 =	vunpack.c.l.s4.s8 v2;
	v3 =	vunpack.c.0.s8.s32 v3;
	v5 =	vcombine.low v1, v0  }
0xe: {  	s25 =	simm.s32 $0x680;
	s26 =	simm.s32 $0x0;
	s3 =	sor.u32 s8, s31;
	v0 =	vunpack.c.l.s4.s8 v4;
	v1 =	vimm.s32 $0x54761032;
	v4 =	vimm.s32 $0xEFCDAB89  }
0xf: {  	s12 =	ssub.s32 $0x2, s8;
	s5 =	smul.u32 $0x300, s3;
	s9 =	sshll.u32 s3, $0x4;
	v1 =	vunpack.c.l.s4.s8 v1;
	v4 =	vunpack.c.l.s4.s8 v4  }
0x10: {  	s11 =	sshll.u32 s3, $0x2;
	s14 =	sshrl.u32 s12, $0x1;
	v6 =	vunpack.c.0.s8.s32 v6;
	v2 =	vunpack.c.0.s8.s32 v2;
	s10 =	sadd.s32 s9, s4;
	v3 =	vand.u32 $0xF, v3  }
0x11: {  	s13 =	sadd.s32 s11, s4;
	s6 =	sadd.s32 s6, s9;
	s14 =	ssub.s32 s12, s14;
	v0 =	vunpack.c.0.s8.s32 v0;
	v1 =	vunpack.c.0.s8.s32 v1;
	v4 =	vunpack.c.0.s8.s32 v4  }
0x12: {  	s5 =	sshrl.u32 s5, $0x3;
	s8 =	sadd.s32 $0x2C00, s10;
	s9 =	sadd.s32 $0x2E00, s10;
	v2 =	vcombine.low v3, v2  }
0x13: {  	vm0 =	vmmov $0x1;
	s11 =	sadd.s32 $0x3000, s13;
	s12 =	sadd.s32 $0x3200, s13;
	s14 =	smax.u32 s14, $0x1;
	v7 =	vcombine.low v1, v0;
	v6 =	vcombine.low v6, v4  }
0x14: {  	s3 =	sadd.s32 s7, s5;
	s7 =	sadd.s32 $0x2A00, s10;
	s10 =	sadd.s32 $0x3600, s13;
	v3 =	vand.u32 $0xF, v5;
	v0 =	vimm.s32 $0x0;
	v1 =	vimm.f32 $0.0e+00  }
0x15: {  	s13 =	sadd.s32 $0x3400, s13;
	s4 =	sadd.s32 $0x20, s3;
	s5 =	sadd.s32 $0x40, s3;
	v4 =	vand.u32 $0xF, v7;
	v5 =	vand.u32 $0xF, v6;
	v6 =	vlaneseq.u32  }
.LBB2_2:
0x16: {  	[tilespmem:s2], [sflag:$0x1] =	stream.linear.gather [hbm4b:s3+s2], $0x100, $0x38;
	[tilespmem:$0x700] =	vst v63  }
0x17: {  	_ =	swait.ge [sflag:s17], $0x100  }
0x18: {  	[sflag:s17] =	ssyncset.done $0x0  }
0x19: {  	[sflag:s17] =	ssyncadd.s32 $0xFFFFFF00  }
0x1a: {  	[tilespmem:s15], [sflag:$0x1] =	stream.linear.gather [hbm4b:s4+s2], $0x100, $0x38;
	[tilespmem:$0x700] =	vst v63  }
0x1b: {  	_ =	swait.ge [sflag:s17], $0x100  }
0x1c: {  	[sflag:s17] =	ssyncset.done $0x0  }
0x1d: {  	[sflag:s17] =	ssyncadd.s32 $0xFFFFFF00  }
0x1e: {  	[tilespmem:s16], [sflag:$0x1] =	stream.linear.gather [hbm4b:s5+s2], $0x100, $0x38;
	[tilespmem:$0x700] =	vst v63  }
0x1f: {  	_ =	swait.ge [sflag:s17], $0x100  }
0x20: {  	[sflag:s17] =	ssyncset.done $0x0  }
0x21: {  	[sflag:s17] =	ssyncadd.s32 $0xFFFFFF00  }
0x22: {  	v9 =	vld [tilespmem:$0x0]  }
0x23: {  	v10 =	vld [tilespmem:$0x100]  }
0x24: {  	v11 =	vld [tilespmem:$0x200]  }
0x25: {  	v12 =	vld [tilespmem:$0x10]  }
0x26: {  	v13 =	vld [tilespmem:$0x110]  }
0x27: {  	v14 =	vld [tilespmem:$0x210]  }
0x28: {  	v15 =	vld [tilespmem:$0x20]  }
0x29: {  	v17 =	vld [tilespmem:$0x120]  }
0x2a: {  	v18 =	vld [tilespmem:$0x30]  }
0x2b: {  	v19 =	vld [tilespmem:$0x130];
	v8 =	vperm.xlane v9, v0;
	v7 =	vperm.xlane v10, v0  }
0x2c: {  	v20 =	vld [tilespmem:$0x220]  }
0x2d: {  	v21 =	vld [tilespmem:$0x140];
	v50 =	vperm.xlane v11, v0;
	v16 =	vsub.f32 v9, v8;
	v10 =	vsub.f32 v10, v7  }
0x2e: {  	v23 =	vld [tilespmem:$0x50];
	v12 =	vsub.f32 v12, v8;
	v13 =	vsub.f32 v13, v7  }
0x2f: {  	v26 =	vld [tilespmem:$0x70];
	v11 =	vsub.f32 v11, v50;
	v14 =	vsub.f32 v14, v50  }
0x30: {  	v27 =	vld [tilespmem:$0x90];
	v15 =	vsub.f32 v15, v8;
	v17 =	vsub.f32 v17, v7  }
0x31: {  	v18 =	vsub.f32 v18, v8;
	v19 =	vsub.f32 v19, v7  }
0x32: {  	v28 =	vld [tilespmem:$0xB0];
	v20 =	vsub.f32 v20, v50;
	v21 =	vsub.f32 v21, v7  }
0x33: {  	v53 =	vld [tilespmem:$0x250];
	v23 =	vsub.f32 v23, v8;
	v16 =	vmul.f32 v16, v16;
	v10 =	vmul.f32 v10, v10  }
0x34: {  	v29 =	vld [tilespmem:$0x1B0];
	v26 =	vsub.f32 v26, v8;
	v12 =	vmul.f32 v12, v12;
	v13 =	vmul.f32 v13, v13  }
0x35: {  	v27 =	vsub.f32 v27, v8;
	v10 =	vadd.f32 v10, v16;
	v16 =	vld [tilespmem:$0x230]  }
0x36: {  	v11 =	vmul.f32 v11, v11;
	v22 =	vmul.f32 v14, v14;
	v12 =	vadd.f32 v13, v12;
	v13 =	vld [tilespmem:$0x40]  }
0x37: {  	v28 =	vsub.f32 v28, v8;
	v51 =	vmul.f32 v15, v15;
	v52 =	vmul.f32 v17, v17;
	v17 =	vld [tilespmem:$0x150]  }
0x38: {  	v15 =	vadd.f32 v22, v12;
	v12 =	vmul.f32 v18, v18;
	v18 =	vmul.f32 v19, v19  }
0x39: {  	v29 =	vsub.f32 v29, v7;
	v14 =	vadd.f32 v11, v10;
	v19 =	vld [tilespmem:$0x240]  }
0x3a: {  	v10 =	vadd.f32 v52, v51;
	v22 =	vld [tilespmem:$0x160];
	v12 =	vadd.f32 v18, v12  }
0x3b: {  	v20 =	vmul.f32 v20, v20;
	v18 =	vld [tilespmem:$0x60];
	v16 =	vsub.f32 v16, v50;
	v13 =	vsub.f32 v13, v8  }
0x3c: {  	v11 =	vsub.f32 v53, v50;
	v25 =	vsub.f32 v17, v7  }
0x3d: {  	v24 =	vmul.f32 v16, v16;
	v16 =	vadd.f32 v20, v10;
	v54 =	vmul.f32 v13, v13;
	v20 =	vld [tilespmem:$0x170]  }
0x3e: {  	v13 =	vmul.f32 v21, v21;
	v21 =	vmul.f32 v25, v25;
	v19 =	vsub.f32 v19, v50;
	v25 =	vld [tilespmem:$0x180]  }
0x3f: {  	v22 =	vsub.f32 v22, v7;
	v17 =	vadd.f32 v24, v12;
	v12 =	vmul.f32 v23, v23;
	v23 =	vld [tilespmem:$0x260]  }
0x40: {  	v10 =	vadd.f32 v13, v54;
	v13 =	vld [tilespmem:$0x270];
	v24 =	vsub.f32 v18, v8  }
0x41: {  	v11 =	vmul.f32 v11, v11;
	v19 =	vmul.f32 v19, v19;
	v12 =	vadd.f32 v21, v12;
	v21 =	vld [tilespmem:$0x80]  }
0x42: {  	v22 =	vmul.f32 v22, v22;
	v55 =	vmul.f32 v24, v24;
	v24 =	vld [tilespmem:$0x190];
	v20 =	vsub.f32 v20, v7  }
0x43: {  	v56 =	vmul.f32 v26, v26;
	v26 =	vld [tilespmem:$0x280];
	v18 =	vadd.f32 v19, v10;
	v19 =	vadd.f32 v11, v12  }
0x44: {  	v10 =	vadd.f32 v22, v55;
	v22 =	vld [tilespmem:$0x290];
	v12 =	vmul.f32 v20, v20;
	v20 =	vsub.f32 v23, v50  }
0x45: {  	v13 =	vsub.f32 v13, v50;
	v23 =	vsub.f32 v25, v7;
	v25 =	vld [tilespmem:$0x1A0]  }
0x46: {  	v58 =	vmul.f32 v27, v27;
	v11 =	vadd.f32 v12, v56;
	v12 =	vld [tilespmem:$0xA0];
	v20 =	vmul.f32 v20, v20  }
0x47: {  	v21 =	vsub.f32 v21, v8;
	v13 =	vmul.f32 v13, v13;
	v24 =	vsub.f32 v24, v7  }
0x48: {  	v32 =	vld [tilespmem:$0xD0];
	v60 =	vmul.f32 v28, v28;
	v26 =	vsub.f32 v26, v50;
	v20 =	vadd.f32 v20, v10  }
0x49: {  	v27 =	vld [tilespmem:$0x2B0];
	v57 =	vmul.f32 v21, v21;
	v21 =	vadd.f32 v13, v11;
	v13 =	vmul.f32 v24, v24  }
0x4a: {  	v23 =	vmul.f32 v23, v23;
	v24 =	vld [tilespmem:$0x2A0];
	v22 =	vsub.f32 v22, v50;
	v25 =	vsub.f32 v25, v7  }
0x4b: {  	v28 =	vmul.f32 v29, v29;
	v11 =	vadd.f32 v13, v58;
	v13 =	vld [tilespmem:$0xC0];
	v12 =	vsub.f32 v12, v8  }
0x4c: {  	v10 =	vadd.f32 v23, v57;
	v23 =	vmul.f32 v26, v26;
	v26 =	vld [tilespmem:$0x1C0];
	v31 =	vmul.f32 v22, v22  }
0x4d: {  	v30 =	vmax.f32 v14, v15;
	v59 =	vmul.f32 v12, v12;
	v12 =	vmul.f32 v25, v25;
	v25 =	vld [tilespmem:$0x1D0]  }
0x4e: {  	v29 =	vld [tilespmem:$0x2C0];
	v27 =	vsub.f32 v27, v50;
	v30 =	vmax.f32 v30, v16;
	v22 =	vadd.f32 v23, v10  }
0x4f: {  	v30 =	vmax.f32 v30, v17;
	v23 =	vadd.f32 v31, v11;
	v11 =	vadd.f32 v28, v60  }
0x50: {  	v28 =	vmax.f32 v30, v18;
	v30 =	vsub.f32 v32, v8;
	v10 =	vadd.f32 v12, v59;
	v12 =	vld [tilespmem:$0x2D0]  }
0x51: {  	v33 =	vld [tilespmem:$0xF0];
	v27 =	vmul.f32 v27, v27;
	v13 =	vsub.f32 v13, v8;
	v26 =	vsub.f32 v26, v7  }
0x52: {  	v24 =	vsub.f32 v24, v50;
	v30 =	vmul.f32 v30, v30;
	v25 =	vsub.f32 v25, v7  }
0x53: {  	v61 =	vld [tilespmem:$0x1E0];
	v29 =	vsub.f32 v29, v50;
	v13 =	vmul.f32 v13, v13;
	v26 =	vmul.f32 v26, v26  }
0x54: {  	v31 =	vld [tilespmem:$0xE0];
	v28 =	vmax.f32 v28, v19;
	v24 =	vmul.f32 v24, v24;
	v25 =	vmul.f32 v25, v25  }
0x55: {  	v34 =	vld [tilespmem:$0x1F0];
	v13 =	vadd.f32 v26, v13;
	v26 =	vmul.f32 v29, v29;
	v12 =	vsub.f32 v12, v50  }
0x56: {  	v62 =	vmax.f32 v28, v20;
	v28 =	vsub.f32 v33, v8;
	v29 =	vadd.f32 v25, v30;
	v30 =	vld [tilespmem:$0x2E0]  }
0x57: {  	v63 =	vld [tilespmem:$0x2F0];
	v24 =	vadd.f32 v24, v10;
	v26 =	vadd.f32 v26, v13;
	v12 =	vmul.f32 v12, v12  }
0x58: {  	v13 =	vsub.f32 v61, v7;
	v25 =	vadd.f32 v27, v11  }
0x59: {  	v10 =	vmax.f32 v62, v21;
	v27 =	vadd.f32 v12, v29;
	v12 =	vsub.f32 v31, v8  }
0x5a: {  	v28 =	vmul.f32 v28, v28;
	v10 =	vmax.f32 v10, v22;
	v29 =	vsub.f32 v34, v7  }
0x5b: {  	v13 =	vmul.f32 v13, v13;
	v12 =	vmul.f32 v12, v12;
	v30 =	vsub.f32 v30, v50  }
0x5c: {  	v10 =	vmax.f32 v10, v23;
	v11 =	vsub.f32 v63, v50;
	v29 =	vmul.f32 v29, v29  }
0x5d: {  	v10 =	vmax.f32 v10, v24;
	v12 =	vadd.f32 v13, v12;
	v13 =	vmul.f32 v30, v30  }
0x5e: {  	v10 =	vmax.f32 v10, v25;
	v11 =	vmul.f32 v11, v11;
	v29 =	vadd.f32 v29, v28  }
0x5f: {  	[tilespmem:$0x300] =	vst v1;
	v8 =	vnsel vm0, $0x0, v8;
	v10 =	vmax.f32 v10, v26;
	v28 =	vadd.f32 v13, v12  }
0x60: {  	v7 =	vnsel vm0, $0x0, v7;
	[tilespmem:$0x380] =	vst v8;
	v10 =	vmax.f32 v10, v27;
	v29 =	vadd.f32 v11, v29  }
0x61: {  	[tilespmem:$0x400] =	vst v7;
	v7 =	vnsel vm0, $0x0, v50;
	v8 =	vmax.f32 v10, v28  }
0x62: {  	s28 =	simm.s32 $0x1;
	[tilespmem:$0x480] =	vst v7;
	v30 =	vimm.s32 $0x1;
	v31 =	vmax.f32 v8, v29  }
.LBB2_3:
0x63: {  	v7 =	vperm.xlane v31, v2;
	_ =	sdelay $0x1  }
0x64: {  	v7 =	vmax.f32 v31, v7  }
0x65: {  	v8 =	vperm.xlane v7, v3;
	_ =	sdelay $0x1  }
0x66: {  	v7 =	vmax.f32 v7, v8  }
0x67: {  	v8 =	vperm.xlane v7, v4;
	_ =	sdelay $0x1  }
0x68: {  	v7 =	vmax.f32 v7, v8  }
0x69: {  	v8 =	vperm.xlane v7, v5;
	_ =	sdelay $0x1  }
0x6a: {  	v31 =	vmax.f32 v7, v8  }
0x6b: {  	v7 =	vor.u32 $0xF0, v6;
	vm1 =	veq.f32 v29, v31  }
0x6c: {  	v8 =	vor.u32 $0xE0, v6;
	vm2 =	veq.f32 v28, v31;
	v7 =	vnsel vm1, $0x100, v7  }
0x6d: {  	vm1 =	veq.f32 v27, v31;
	v7 =	vsel vm2, v8, v7;
	v8 =	vor.u32 $0xD0, v6  }
0x6e: {  	vm2 =	veq.f32 v26, v31;
	v7 =	vsel vm1, v8, v7;
	v8 =	vor.u32 $0xC0, v6  }
0x6f: {  	vm1 =	veq.f32 v25, v31;
	v7 =	vsel vm2, v8, v7;
	v8 =	vor.u32 $0xB0, v6  }
0x70: {  	vm2 =	veq.f32 v24, v31;
	v7 =	vsel vm1, v8, v7;
	v8 =	vor.u32 $0xA0, v6  }
0x71: {  	vm1 =	veq.f32 v23, v31;
	v7 =	vsel vm2, v8, v7;
	v8 =	vor.u32 $0x90, v6  }
0x72: {  	vm2 =	veq.f32 v22, v31;
	v7 =	vsel vm1, v8, v7;
	v8 =	vor.u32 $0x80, v6  }
0x73: {  	vm1 =	veq.f32 v21, v31;
	v8 =	vsel vm2, v8, v7;
	v7 =	vor.u32 $0x70, v6  }
0x74: {  	vm2 =	veq.f32 v20, v31;
	v9 =	vsel vm1, v7, v8;
	v8 =	vor.u32 $0x60, v6  }
0x75: {  	vm1 =	veq.f32 v19, v31;
	v10 =	vsel vm2, v8, v9;
	v9 =	vor.u32 $0x50, v6  }
0x76: {  	vm2 =	veq.f32 v18, v31;
	v11 =	vsel vm1, v9, v10;
	v10 =	vor.u32 $0x40, v6  }
0x77: {  	vm1 =	veq.f32 v17, v31;
	v12 =	vsel vm2, v10, v11;
	v11 =	vor.u32 $0x30, v6  }
0x78: {  	vm2 =	veq.f32 v16, v31;
	v13 =	vsel vm1, v11, v12;
	v12 =	vor.u32 $0x20, v6  }
0x79: {  	vm1 =	veq.f32 v15, v31;
	v32 =	vsel vm2, v12, v13;
	v13 =	vor.u32 $0x10, v6  }
0x7a: {  	vm2 =	veq.f32 v14, v31;
	v31 =	vsel vm1, v13, v32  }
0x7b: {  	v31 =	vsel vm2, v6, v31  }
0x7c: {  	v44 =	vperm.xlane v31, v2;
	_ =	sdelay $0x1  }
0x7d: {  	vm1 =	vlt.s32 v31, v44  }
0x7e: {  	v31 =	vsel vm1, v31, v44  }
0x7f: {  	v32 =	vperm.xlane v31, v3;
	_ =	sdelay $0x1  }
0x80: {  	vm1 =	vlt.s32 v31, v32  }
0x81: {  	v31 =	vsel vm1, v31, v32  }
0x82: {  	v32 =	vperm.xlane v31, v4;
	_ =	sdelay $0x1  }
0x83: {  	vm1 =	vlt.s32 v31, v32  }
0x84: {  	v31 =	vsel vm1, v31, v32  }
0x85: {  	v32 =	vperm.xlane v31, v5;
	_ =	sdelay $0x1  }
0x86: {  	vm1 =	vlt.s32 v31, v32  }
0x87: {  	v31 =	vsel vm1, v31, v32  }
0x88: {  	(v2sf) =	vpush v31, $0x0;
	_ =	sdelay $0xe  }
0x89: {  	s29 =	spop (v2sf)  }
0x8a: {  	s30 =	sand.u32 $0xF, s29  }
0x8b: {  	s0 =	sshra.s32 s29, $0x1F;
	p1 =	slt.s32 s29, $0x1;
	p0 =	sne.s32 s30, $0x0  }
0x8c: {  	s30 =	sshrl.u32 s0, $0x1C;
	p0 =	por !p1, !p0  }
0x8d: {  	v36 =	vld [tilespmem:$0x0];
	s29 =	sadd.s32 s30, s29;
	s30 =	simm.s32 $0x1;
	p0 =	por !p0, !p0  }
0x8e: {  	v37 =	vld [tilespmem:$0x100];
	s29 =	sshrl.u32 s29, $0x4;
	s30 =	simm.s32 @!p0 $0x0  }
0x8f: {  	v38 =	vld [tilespmem:$0x200];
	s29 =	ssub.s32 s29, s30  }
0x90: {  	v40 =	vld [tilespmem:$0x10];
	s29 =	sshll.u32 s29, $0x4  }
0x91: {  	v45 =	vld [tilespmem:s29+$0x0]  }
0x92: {  	v33 =	vld [tilespmem:s29+$0x100]  }
0x93: {  	v35 =	vld [tilespmem:s29+$0x200]  }
0x94: {  	v41 =	vld [tilespmem:$0x110]  }
0x95: {  	v42 =	vld [tilespmem:$0x210]  }
0x96: {  	v48 =	vld [tilespmem:$0x20];
	v39 =	vand.u32 $0xF, v31  }
0x97: {  	v49 =	vld [tilespmem:$0x120];
	v34 =	vperm.xlane v45, v39  }
0x98: {  	v43 =	vld [tilespmem:$0x220];
	v33 =	vperm.xlane v33, v39;
	v32 =	vperm.xlane v35, v39  }
0x99: {  	v51 =	vld [tilespmem:$0x130];
	v46 =	vsub.f32 v36, v34  }
0x9a: {  	v44 =	vld [tilespmem:$0x30];
	v47 =	vsub.f32 v37, v33;
	v38 =	vsub.f32 v38, v32  }
0x9b: {  	v60 =	vld [tilespmem:$0x240];
	v40 =	vsub.f32 v40, v34;
	v41 =	vsub.f32 v41, v33  }
0x9c: {  	v45 =	vld [tilespmem:$0x230];
	v42 =	vsub.f32 v42, v32;
	v37 =	vsub.f32 v48, v34  }
0x9d: {  	v39 =	vsub.f32 v49, v33;
	v35 =	vmul.f32 v46, v46;
	v36 =	vmul.f32 v47, v47  }
0x9e: {  	v58 =	vld [tilespmem:$0x150];
	v55 =	vsub.f32 v43, v32;
	v50 =	vmul.f32 v38, v38;
	v40 =	vmul.f32 v40, v40  }
0x9f: {  	v54 =	vld [tilespmem:$0x40];
	v44 =	vsub.f32 v44, v34;
	v41 =	vmul.f32 v41, v41;
	v53 =	vmul.f32 v42, v42  }
0xa0: {  	v56 =	vld [tilespmem:$0x140];
	v37 =	vmul.f32 v37, v37;
	v39 =	vmul.f32 v39, v39;
	v38 =	vsub.f32 v51, v33  }
0xa1: {  	v62 =	vld [tilespmem:$0x250];
	v59 =	vmul.f32 v44, v44;
	v44 =	vsub.f32 v60, v32;
	v51 =	vsub.f32 v45, v32  }
0xa2: {  	v46 =	vld [tilespmem:$0x50];
	v57 =	vmul.f32 v55, v55;
	v35 =	vadd.f32 v36, v35;
	v52 =	vadd.f32 v41, v40  }
0xa3: {  	v60 =	vld [tilespmem:$0x80];
	v37 =	vadd.f32 v39, v37;
	v38 =	vmul.f32 v38, v38;
	v40 =	vsub.f32 v58, v33  }
0xa4: {  	v48 =	vld [tilespmem:$0x170];
	v35 =	vadd.f32 v50, v35;
	v36 =	vadd.f32 v53, v52  }
0xa5: {  	v31 =	vcvt.s32.f32 v31;
	v55 =	vld [tilespmem:$0x160];
	v61 =	vadd.f32 v57, v37;
	v38 =	vadd.f32 v38, v59  }
0xa6: {  	v47 =	vld [tilespmem:$0x70];
	v39 =	vmul.f32 v51, v51;
	v53 =	vsub.f32 v54, v34;
	v54 =	vsub.f32 v56, v33  }
0xa7: {  	v58 =	vld [tilespmem:$0x270];
	v40 =	vmul.f32 v40, v40;
	v59 =	vmul.f32 v44, v44;
	v56 =	vsub.f32 v46, v34  }
0xa8: {  	v51 =	vld [tilespmem:$0xB0];
	v44 =	vsub.f32 v60, v34;
	v14 =	vmin.f32 v14, v35;
	v15 =	vmin.f32 v15, v36  }
0xa9: {  	v52 =	vld [tilespmem:$0x60];
	v16 =	vmin.f32 v16, v61;
	v35 =	vmul.f32 v53, v53;
	v36 =	vsub.f32 v62, v32  }
0xaa: {  	v57 =	vld [tilespmem:$0x260];
	v41 =	vmul.f32 v54, v54;
	v38 =	vadd.f32 v39, v38;
	v62 =	vsub.f32 v55, v33  }
0xab: {  	v55 =	vsub.f32 v47, v34;
	v63 =	vmax.f32 v14, v15;
	v45 =	vmul.f32 v56, v56  }
0xac: {  	v49 =	vld [tilespmem:$0x2A0];
	v56 =	vsub.f32 v48, v33;
	v39 =	vsub.f32 v58, v32;
	v37 =	vmax.f32 v63, v16  }
0xad: {  	v54 =	vld [tilespmem:$0x90];
	v35 =	vadd.f32 v41, v35;
	v36 =	vmul.f32 v36, v36;
	v17 =	vmin.f32 v17, v38  }
0xae: {  	v58 =	vld [tilespmem:$0x290];
	v42 =	vmul.f32 v62, v62;
	v47 =	vsub.f32 v51, v34;
	v40 =	vadd.f32 v40, v45  }
0xaf: {  	v63 =	vld [tilespmem:$0x180];
	v61 =	vsub.f32 v52, v34;
	v37 =	vmax.f32 v37, v17;
	v53 =	vsub.f32 v57, v32  }
0xb0: {  	v52 =	vld [tilespmem:$0x280];
	v46 =	vmul.f32 v56, v56;
	v39 =	vmul.f32 v39, v39;
	v35 =	vadd.f32 v59, v35  }
0xb1: {  	v57 =	vld [tilespmem:$0x190];
	v36 =	vadd.f32 v36, v40;
	v38 =	vmul.f32 v61, v61;
	v41 =	vmul.f32 v53, v53  }
0xb2: {  	v59 =	vld [tilespmem:$0xA0];
	v45 =	vsub.f32 v54, v34;
	v18 =	vmin.f32 v18, v35;
	v35 =	vmul.f32 v55, v55  }
0xb3: {  	v62 =	vld [tilespmem:$0x1A0];
	v58 =	vsub.f32 v58, v32;
	v38 =	vadd.f32 v42, v38;
	v19 =	vmin.f32 v19, v36  }
0xb4: {  	v53 =	vld [tilespmem:$0x1B0];
	v61 =	vsub.f32 v63, v33;
	v63 =	vmul.f32 v44, v44;
	v37 =	vmax.f32 v37, v18  }
0xb5: {  	v54 =	vmul.f32 v45, v45;
	v44 =	vsub.f32 v49, v32;
	v35 =	vadd.f32 v46, v35  }
0xb6: {  	v50 =	vsub.f32 v57, v33;
	v52 =	vsub.f32 v52, v32;
	v37 =	vmax.f32 v37, v19  }
0xb7: {  	v49 =	vld [tilespmem:$0x1D0];
	v60 =	vadd.f32 v41, v38;
	v38 =	vmul.f32 v61, v61;
	v56 =	vsub.f32 v59, v34  }
0xb8: {  	v57 =	vld [tilespmem:$0x2B0];
	v41 =	vsub.f32 v62, v33;
	v35 =	vadd.f32 v39, v35;
	v55 =	vmul.f32 v50, v50  }
0xb9: {  	v61 =	vld [tilespmem:$0x1C0];
	v39 =	vmul.f32 v52, v52;
	v40 =	vsub.f32 v53, v33;
	v50 =	vmul.f32 v47, v47  }
0xba: {  	v62 =	vld [tilespmem:$0xD0];
	v38 =	vadd.f32 v38, v63;
	v36 =	vmul.f32 v56, v56;
	v41 =	vmul.f32 v41, v41  }
0xbb: {  	v51 =	vld [tilespmem:$0x2C0];
	v21 =	vmin.f32 v21, v35;
	v59 =	vadd.f32 v55, v54;
	v35 =	vmul.f32 v58, v58  }
0xbc: {  	v52 =	vld [tilespmem:$0x2D0];
	v40 =	vmul.f32 v40, v40;
	v36 =	vadd.f32 v41, v36;
	v38 =	vadd.f32 v39, v38  }
0xbd: {  	v20 =	vmin.f32 v20, v60;
	v60 =	vld [tilespmem:$0xC0];
	v53 =	vsub.f32 v57, v32;
	v57 =	vsub.f32 v49, v33  }
0xbe: {  	v63 =	vmul.f32 v44, v44;
	v35 =	vadd.f32 v35, v59;
	v39 =	vadd.f32 v40, v50  }
0xbf: {  	v37 =	vmax.f32 v37, v20;
	v55 =	vsub.f32 v61, v33;
	v56 =	vsub.f32 v62, v34  }
0xc0: {  	v48 =	vld [tilespmem:$0x2F0];
	v37 =	vmax.f32 v37, v21;
	v59 =	vsub.f32 v51, v32;
	v36 =	vadd.f32 v63, v36  }
0xc1: {  	v58 =	vld [tilespmem:$0xE0];
	v22 =	vmin.f32 v22, v38;
	v41 =	vsub.f32 v52, v32;
	v43 =	vmul.f32 v57, v57  }
0xc2: {  	v61 =	vld [tilespmem:$0xF0];
	v42 =	vmul.f32 v53, v53;
	v54 =	vsub.f32 v60, v34;
	v40 =	vmul.f32 v55, v55  }
0xc3: {  	v23 =	vmin.f32 v23, v35;
	v60 =	vld [tilespmem:$0x1E0];
	v35 =	vmul.f32 v56, v56;
	v45 =	vmul.f32 v59, v59  }
0xc4: {  	v62 =	vld [tilespmem:$0x1F0];
	v37 =	vmax.f32 v37, v22;
	v59 =	vand.u32 $0xF, v30;
	v41 =	vmul.f32 v41, v41  }
0xc5: {  	v63 =	vld [tilespmem:$0x2E0];
	v24 =	vmin.f32 v24, v36;
	v42 =	vadd.f32 v42, v39;
	v37 =	vmax.f32 v37, v23  }
0xc6: {  	v49 =	vsub.f32 v58, v34;
	v39 =	vsub.f32 v48, v32;
	vm1 =	veq.s32 v59, v6  }
0xc7: {  	s31 =	sand.u32 $0x70, s28;
	v38 =	vmul.f32 v54, v54;
	v35 =	vadd.f32 v43, v35;
	v37 =	vmax.f32 v37, v24  }
0xc8: {  	v53 =	vld [tilespmem:s31+$0x300];
	v51 =	vsub.f32 v61, v34;
	v36 =	vmul.f32 v49, v49;
	v50 =	vsub.f32 v60, v33  }
0xc9: {  	v61 =	vmul.f32 v39, v39;
	v38 =	vadd.f32 v40, v38;
	v40 =	vsub.f32 v62, v33  }
0xca: {  	v56 =	vld [tilespmem:s31+$0x380];
	v35 =	vadd.f32 v41, v35;
	v52 =	vsub.f32 v63, v32;
	v41 =	vmul.f32 v50, v50  }
0xcb: {  	v58 =	vld [tilespmem:s31+$0x400];
	v25 =	vmin.f32 v25, v42;
	v54 =	vmul.f32 v51, v51;
	v55 =	vmul.f32 v40, v40  }
0xcc: {  	v60 =	vld [tilespmem:s31+$0x480];
	v38 =	vadd.f32 v45, v38;
	v57 =	vmul.f32 v52, v52;
	v36 =	vadd.f32 v41, v36  }
0xcd: {  	p0 =	sne.s32 s28, $0x7F;
	v31 =	vsel vm1, v31, v53;
	v27 =	vmin.f32 v27, v35;
	v35 =	vadd.f32 v55, v54  }
.Ltmp1:
0xce: {  	v37 =	vmax.f32 v37, v25;
	v26 =	vmin.f32 v26, v38;
	v36 =	vadd.f32 v57, v36;
	(pc) =	sbr.rel @p0 .LBB2_3-.Ltmp1, $4  }
0xcf: {  	[tilespmem:s31+$0x300] =	vst v31;
	v31 =	vsel vm1, v34, v56;
	v62 =	vmax.f32 v37, v26;
	v35 =	vadd.f32 v61, v35  }
0xd0: {  	[tilespmem:s31+$0x380] =	vst v31;
	v31 =	vsel vm1, v33, v58;
	v34 =	vmax.f32 v62, v27;
	v28 =	vmin.f32 v28, v36  }
0xd1: {  	[tilespmem:s31+$0x400] =	vst v31;
	v32 =	vsel vm1, v32, v60;
	v29 =	vmin.f32 v29, v35;
	v63 =	vmax.f32 v34, v28  }
0xd2: {  	s28 =	sadd.s32 $0x1, s28;
	v30 =	vadd.s32 $0x1, v30;
	[tilespmem:s31+$0x480] =	vst v32;
	v31 =	vmax.f32 v63, v29  }
0xd3: {  	v14 =	vld [tilespmem:$0x380]  }
0xd4: {  	v15 =	vld [tilespmem:$0x400]  }
0xd5: {  	v16 =	vld [tilespmem:$0x480]  }
0xd6: {  	v17 =	vld [tilespmem:$0x390]  }
0xd7: {  	v18 =	vld [tilespmem:$0x410];
	_ =	sdelay $0x1  }
0xd8: {  	v19 =	vld [tilespmem:$0x490];
	v28 =	vperm.xlane v14, v0;
	v22 =	vperm.xlane v15, v0  }
0xd9: {  	v20 =	vld [tilespmem:$0x3A0]  }
0xda: {  	v21 =	vld [tilespmem:$0x420];
	v14 =	vsub.f32 v14, v28;
	v15 =	vsub.f32 v15, v22  }
0xdb: {  	v23 =	vld [tilespmem:$0x3B0];
	v27 =	vperm.xlane v16, v0;
	v17 =	vsub.f32 v17, v28;
	v18 =	vsub.f32 v18, v22  }
0xdc: {  	v25 =	vld [tilespmem:$0x4A0];
	v14 =	vmul.f32 v14, v14;
	v15 =	vmul.f32 v15, v15  }
0xdd: {  	v24 =	vld [tilespmem:$0x430];
	v17 =	vmul.f32 v17, v17;
	v18 =	vmul.f32 v18, v18  }
0xde: {  	v26 =	vld [tilespmem:$0x4B0];
	v16 =	vsub.f32 v16, v27;
	v14 =	vadd.f32 v15, v14  }
0xdf: {  	v29 =	vld [tilespmem:$0x3D0];
	v15 =	vsub.f32 v19, v27;
	v17 =	vadd.f32 v18, v17  }
0xe0: {  	v16 =	vmul.f32 v16, v16;
	v18 =	vld [tilespmem:$0x3C0];
	v19 =	vsub.f32 v20, v28;
	v20 =	vsub.f32 v21, v22  }
0xe1: {  	v23 =	vsub.f32 v23, v28;
	v25 =	vsub.f32 v25, v27;
	v21 =	vld [tilespmem:$0x440];
	v15 =	vmul.f32 v15, v15  }
0xe2: {  	v14 =	vadd.f32 v16, v14;
	v16 =	vmul.f32 v19, v19;
	v19 =	vmul.f32 v20, v20;
	v20 =	vld [tilespmem:$0x450]  }
0xe3: {  	v31 =	vld [tilespmem:$0x460];
	v24 =	vsub.f32 v24, v22;
	v26 =	vsub.f32 v26, v27  }
0xe4: {  	v32 =	vld [tilespmem:$0x3F0];
	v29 =	vsub.f32 v29, v28;
	v25 =	vmul.f32 v25, v25;
	v15 =	vadd.f32 v15, v17  }
0xe5: {  	v17 =	vmul.f32 v23, v23;
	v23 =	vmul.f32 v24, v24;
	v24 =	vld [tilespmem:$0x4C0];
	v16 =	vadd.f32 v19, v16  }
0xe6: {  	v26 =	vmul.f32 v26, v26;
	v19 =	vld [tilespmem:$0x4D0];
	v18 =	vsub.f32 v18, v28;
	v21 =	vsub.f32 v21, v22  }
0xe7: {  	v30 =	vmax.f32 v14, v15;
	v17 =	vadd.f32 v23, v17;
	v23 =	vld [tilespmem:$0x3E0];
	v20 =	vsub.f32 v20, v22  }
0xe8: {  	v16 =	vadd.f32 v25, v16;
	v25 =	vld [tilespmem:$0x470];
	v18 =	vmul.f32 v18, v18;
	v21 =	vmul.f32 v21, v21  }
0xe9: {  	v17 =	vadd.f32 v26, v17;
	v26 =	vmul.f32 v29, v29;
	v29 =	vld [tilespmem:$0x4E0];
	v20 =	vmul.f32 v20, v20  }
0xea: {  	v30 =	vmax.f32 v30, v16;
	v24 =	vsub.f32 v24, v27;
	v18 =	vadd.f32 v21, v18;
	v21 =	vld [tilespmem:$0x4F0]  }
0xeb: {  	v19 =	vsub.f32 v19, v27;
	v30 =	vmax.f32 v30, v17;
	v20 =	vadd.f32 v20, v26  }
0xec: {  	v24 =	vmul.f32 v24, v24;
	v23 =	vsub.f32 v23, v28;
	v26 =	vsub.f32 v31, v22  }
0xed: {  	v19 =	vmul.f32 v19, v19;
	v31 =	vsub.f32 v32, v28;
	v25 =	vsub.f32 v25, v22  }
0xee: {  	v29 =	vsub.f32 v29, v27;
	v23 =	vmul.f32 v23, v23;
	v26 =	vmul.f32 v26, v26  }
0xef: {  	v31 =	vmul.f32 v31, v31;
	v25 =	vmul.f32 v25, v25;
	v21 =	vsub.f32 v21, v27  }
0xf0: {  	v18 =	vadd.f32 v24, v18;
	v23 =	vadd.f32 v26, v23;
	v24 =	vmul.f32 v29, v29  }
0xf1: {  	v19 =	vadd.f32 v19, v20;
	v25 =	vadd.f32 v25, v31;
	v21 =	vmul.f32 v21, v21  }
0xf2: {  	v26 =	vmax.f32 v30, v18;
	v20 =	vadd.f32 v24, v23  }
0xf3: {  	v23 =	vmax.f32 v26, v19;
	v21 =	vadd.f32 v21, v25  }
0xf4: {  	v23 =	vmax.f32 v23, v20  }
0xf5: {  	v23 =	vmax.f32 v23, v21  }
0xf6: {  	v24 =	vperm.xlane v23, v2;
	_ =	sdelay $0x1  }
0xf7: {  	v23 =	vmax.f32 v23, v24  }
0xf8: {  	v24 =	vperm.xlane v23, v3;
	_ =	sdelay $0x1  }
0xf9: {  	v23 =	vmax.f32 v23, v24  }
0xfa: {  	v24 =	vperm.xlane v23, v4;
	_ =	sdelay $0x1  }
0xfb: {  	v23 =	vmax.f32 v23, v24  }
0xfc: {  	v24 =	vperm.xlane v23, v5;
	_ =	sdelay $0x1  }
0xfd: {  	v23 =	vmax.f32 v23, v24  }
0xfe: {  	vm1 =	veq.f32 v21, v23  }
0xff: {  	vm2 =	veq.f32 v20, v23;
	v24 =	vnsel vm1, $0x80, v7  }
0x100: {  	vm1 =	veq.f32 v19, v23;
	v24 =	vsel vm2, v8, v24  }
0x101: {  	vm2 =	veq.f32 v18, v23;
	v24 =	vsel vm1, v9, v24  }
0x102: {  	vm1 =	veq.f32 v17, v23;
	v24 =	vsel vm2, v10, v24  }
0x103: {  	vm2 =	veq.f32 v16, v23;
	v24 =	vsel vm1, v11, v24  }
0x104: {  	vm1 =	veq.f32 v15, v23;
	v24 =	vsel vm2, v12, v24  }
0x105: {  	vm2 =	veq.f32 v14, v23;
	v23 =	vsel vm1, v13, v24  }
0x106: {  	v23 =	vsel vm2, v6, v23  }
0x107: {  	v24 =	vperm.xlane v23, v2;
	_ =	sdelay $0x1  }
0x108: {  	vm1 =	vlt.s32 v23, v24  }
0x109: {  	v23 =	vsel vm1, v23, v24  }
0x10a: {  	v24 =	vperm.xlane v23, v3;
	_ =	sdelay $0x1  }
0x10b: {  	vm1 =	vlt.s32 v23, v24  }
0x10c: {  	v23 =	vsel vm1, v23, v24  }
0x10d: {  	v24 =	vperm.xlane v23, v4;
	_ =	sdelay $0x1  }
0x10e: {  	vm1 =	vlt.s32 v23, v24  }
0x10f: {  	v23 =	vsel vm1, v23, v24  }
0x110: {  	v24 =	vperm.xlane v23, v5;
	_ =	sdelay $0x1  }
0x111: {  	vm1 =	vlt.s32 v23, v24  }
0x112: {  	v30 =	vsel vm1, v23, v24  }
0x113: {  	(v2sf) =	vpush v30, $0x0;
	_ =	sdelay $0x1  }
0x114: {  	v62 =	vld [tilespmem:$0x4C0]  }
0x115: {  	v38 =	vld [tilespmem:$0x440]  }
0x116: {  	v39 =	vld [tilespmem:$0x3C0]  }
0x117: {  	v40 =	vld [tilespmem:$0x3A0]  }
0x118: {  	v34 =	vld [tilespmem:$0x490]  }
0x119: {  	v35 =	vld [tilespmem:$0x4F0]  }
0x11a: {  	v43 =	vld [tilespmem:$0x4B0]  }
0x11b: {  	v36 =	vld [tilespmem:$0x390]  }
0x11c: {  	v37 =	vld [tilespmem:$0x430]  }
0x11d: {  	v41 =	vld [tilespmem:$0x3B0]  }
0x11e: {  	v42 =	vld [tilespmem:$0x4A0]  }
0x11f: {  	v44 =	vld [tilespmem:$0x410]  }
0x120: {  	v45 =	vld [tilespmem:$0x400]  }
0x121: {  	v33 =	vld [tilespmem:$0x4E0];
	s28 =	spop (v2sf)  }
0x122: {  	v46 =	vld [tilespmem:$0x450];
	s30 =	sand.u32 $0xF, s28  }
0x123: {  	v47 =	vld [tilespmem:$0x420];
	s29 =	sshra.s32 s28, $0x1F;
	p0 =	slt.s32 s28, $0x1;
	p1 =	sne.s32 s30, $0x0  }
0x124: {  	[tilespmem:$0x500] =	vst v1;
	v49 =	vld [tilespmem:$0x480];
	v22 =	vnsel vm0, $0x0, v22;
	s29 =	sshrl.u32 s29, $0x1C;
	p0 =	por !p0, !p1  }
0x125: {  	v28 =	vnsel vm0, $0x0, v28;
	[tilespmem:$0x600] =	vst v22;
	v22 =	vnsel vm0, $0x0, v27;
	v27 =	vld [tilespmem:$0x4D0];
	s30 =	simm.s32 $0x1;
	s28 =	sadd.s32 s29, s28;
	p0 =	por !p0, !p0  }
0x126: {  	s31 =	simm.s32 $0x1;
	[tilespmem:$0x580] =	vst v28;
	v29 =	vld [tilespmem:$0x3D0];
	s28 =	sshrl.u32 s28, $0x4;
	s30 =	simm.s32 @!p0 $0x0  }
0x127: {  	[tilespmem:$0x680] =	vst v22;
	v31 =	vld [tilespmem:$0x380];
	s29 =	sand.u32 $0x10, s31;
	s28 =	ssub.s32 s28, s30  }
0x128: {  	v22 =	vld [tilespmem:s29+$0x500];
	s28 =	sshll.u32 s28, $0x4  }
0x129: {  	v50 =	vld [tilespmem:s28+$0x480]  }
0x12a: {  	v52 =	vld [tilespmem:s28+$0x380]  }
0x12b: {  	v63 =	vld [tilespmem:s28+$0x400]  }
0x12c: {  	v48 =	vimm.s32 $0x1;
	v26 =	vld [tilespmem:$0x3E0]  }
0x12d: {  	v51 =	vand.u32 $0xF, v48;
	v25 =	vld [tilespmem:$0x460];
	v28 =	vcvt.s32.f32 v30;
	v30 =	vand.u32 $0xF, v30  }
0x12e: {  	v23 =	vld [tilespmem:$0x470];
	vm1 =	veq.s32 v51, v6;
	v50 =	vperm.xlane v50, v30  }
0x12f: {  	v24 =	vld [tilespmem:$0x3F0];
	v22 =	vsel vm1, v28, v22;
	v28 =	vperm.xlane v52, v30  }
0x130: {  	[tilespmem:s29+$0x500] =	vst v22;
	v22 =	vld [tilespmem:s29+$0x580];
	v30 =	vperm.xlane v63, v30;
	v49 =	vsub.f32 v49, v50;
	v56 =	vsub.f32 v33, v50  }
0x131: {  	v53 =	vld [tilespmem:s29+$0x600];
	v33 =	vsub.f32 v27, v50;
	v27 =	vsub.f32 v35, v50  }
0x132: {  	v57 =	vsub.f32 v31, v28;
	v45 =	vsub.f32 v45, v30  }
0x133: {  	v47 =	vsub.f32 v47, v30;
	v32 =	vsub.f32 v62, v50  }
0x134: {  	v44 =	vsub.f32 v44, v30;
	v42 =	vsub.f32 v42, v50  }
0x135: {  	v22 =	vsel vm1, v28, v22;
	v60 =	vsub.f32 v41, v28;
	v34 =	vsub.f32 v34, v50  }
0x136: {  	v58 =	vsel vm1, v30, v53;
	v63 =	vsub.f32 v40, v28;
	v38 =	vsub.f32 v38, v30  }
0x137: {  	v29 =	vsub.f32 v29, v28;
	v31 =	vmul.f32 v56, v56;
	v45 =	vmul.f32 v45, v45  }
0x138: {  	v41 =	vsub.f32 v46, v30;
	v47 =	vmul.f32 v47, v47;
	v32 =	vmul.f32 v32, v32  }
0x139: {  	v62 =	vld [tilespmem:s29+$0x680];
	[tilespmem:s29+$0x580] =	vst v22;
	v22 =	vsub.f32 v37, v30;
	v59 =	vmul.f32 v57, v57;
	v49 =	vmul.f32 v49, v49  }
0x13a: {  	v37 =	vsub.f32 v36, v28;
	v35 =	vmul.f32 v42, v42;
	v40 =	vmul.f32 v44, v44  }
0x13b: {  	v38 =	vmul.f32 v38, v38;
	v44 =	vsub.f32 v43, v50;
	v43 =	vsub.f32 v39, v28  }
0x13c: {  	v39 =	vmul.f32 v29, v29;
	v61 =	vadd.f32 v45, v59;
	v45 =	vmul.f32 v63, v63  }
0x13d: {  	v46 =	vmul.f32 v60, v60;
	v36 =	vmul.f32 v22, v22;
	v22 =	vadd.s32 $0x1, v48  }
0x13e: {  	s28 =	simm.s32 $0x2;
	[tilespmem:s29+$0x600] =	vst v58;
	v29 =	vsel vm1, v50, v62;
	v42 =	vadd.f32 v49, v61;
	v45 =	vadd.f32 v47, v45  }
.LBB2_5:
0x13f: {  	p0 =	sne.s32 s28, $0x1F;
	v37 =	vmul.f32 v37, v37;
	v33 =	vmul.f32 v33, v33;
	v26 =	vsub.f32 v26, v28;
	s30 =	smov.u32 s28;
	s28 =	sadd.s32 $0x1, s28  }
0x140: {  	v44 =	vmul.f32 v44, v44;
	v35 =	vadd.f32 v35, v45;
	v36 =	vadd.f32 v36, v46  }
0x141: {  	v14 =	vmin.f32 v14, v42;
	v42 =	vmul.f32 v43, v43;
	v25 =	vsub.f32 v25, v30  }
0x142: {  	v34 =	vmul.f32 v34, v34;
	v37 =	vadd.f32 v40, v37;
	v36 =	vadd.f32 v44, v36  }
0x143: {  	v23 =	vsub.f32 v23, v30;
	v26 =	vmul.f32 v26, v26;
	v25 =	vmul.f32 v25, v25  }
0x144: {  	v24 =	vsub.f32 v24, v28;
	v30 =	vadd.f32 v34, v37;
	v34 =	vmul.f32 v41, v41  }
0x145: {  	v28 =	vadd.f32 v38, v42;
	v23 =	vmul.f32 v23, v23;
	v25 =	vadd.f32 v25, v26  }
0x146: {  	v24 =	vmul.f32 v24, v24;
	v15 =	vmin.f32 v15, v30;
	v26 =	vadd.f32 v34, v39  }
0x147: {  	v16 =	vmin.f32 v16, v35;
	v25 =	vadd.f32 v31, v25;
	v30 =	vmax.f32 v14, v15  }
0x148: {  	v28 =	vadd.f32 v32, v28;
	v17 =	vmin.f32 v17, v36;
	v26 =	vadd.f32 v33, v26  }
0x149: {  	v23 =	vadd.f32 v23, v24;
	v24 =	vmul.f32 v27, v27;
	v30 =	vmax.f32 v30, v16  }
0x14a: {  	v18 =	vmin.f32 v18, v28;
	v27 =	vmax.f32 v30, v17;
	v19 =	vmin.f32 v19, v26  }
0x14b: {  	v23 =	vadd.f32 v24, v23;
	v20 =	vmin.f32 v20, v25;
	v26 =	vmax.f32 v27, v18  }
0x14c: {  	v24 =	vmax.f32 v26, v19  }
0x14d: {  	v21 =	vmin.f32 v21, v23;
	v24 =	vmax.f32 v24, v20  }
0x14e: {  	v23 =	vmax.f32 v24, v21;
	[tilespmem:s29+$0x680] =	vst v29  }
0x14f: {  	v24 =	vperm.xlane v23, v2;
	_ =	sdelay $0x1  }
0x150: {  	v23 =	vmax.f32 v23, v24  }
0x151: {  	v24 =	vperm.xlane v23, v3;
	_ =	sdelay $0x1  }
0x152: {  	v23 =	vmax.f32 v23, v24  }
0x153: {  	v24 =	vperm.xlane v23, v4;
	_ =	sdelay $0x1  }
0x154: {  	v23 =	vmax.f32 v23, v24  }
0x155: {  	v24 =	vperm.xlane v23, v5;
	_ =	sdelay $0x1  }
0x156: {  	v23 =	vmax.f32 v23, v24  }
0x157: {  	vm1 =	veq.f32 v20, v23;
	vm2 =	veq.f32 v21, v23  }
0x158: {  	vm3 =	veq.f32 v19, v23;
	v24 =	vnsel vm2, $0x80, v7  }
0x159: {  	vm2 =	veq.f32 v18, v23;
	v24 =	vsel vm1, v8, v24  }
0x15a: {  	vm1 =	veq.f32 v17, v23;
	v24 =	vsel vm3, v9, v24  }
0x15b: {  	vm3 =	veq.f32 v16, v23;
	v24 =	vsel vm2, v10, v24  }
0x15c: {  	vm2 =	veq.f32 v15, v23;
	v24 =	vsel vm1, v11, v24  }
0x15d: {  	vm1 =	veq.f32 v14, v23;
	v23 =	vsel vm3, v12, v24  }
0x15e: {  	v23 =	vsel vm2, v13, v23  }
0x15f: {  	v23 =	vsel vm1, v6, v23  }
0x160: {  	v24 =	vperm.xlane v23, v2;
	_ =	sdelay $0x1  }
0x161: {  	vm1 =	vlt.s32 v23, v24  }
0x162: {  	v23 =	vsel vm1, v23, v24  }
0x163: {  	v24 =	vperm.xlane v23, v3;
	_ =	sdelay $0x1  }
0x164: {  	vm1 =	vlt.s32 v23, v24  }
0x165: {  	v23 =	vsel vm1, v23, v24  }
0x166: {  	v24 =	vperm.xlane v23, v4;
	_ =	sdelay $0x1  }
0x167: {  	vm1 =	vlt.s32 v23, v24  }
0x168: {  	v23 =	vsel vm1, v23, v24  }
0x169: {  	v24 =	vperm.xlane v23, v5;
	_ =	sdelay $0x1  }
0x16a: {  	vm1 =	vlt.s32 v23, v24;
	v29 =	vld [tilespmem:$0x3D0]  }
0x16b: {  	v27 =	vsel vm1, v23, v24;
	v23 =	vld [tilespmem:$0x470]  }
0x16c: {  	v28 =	vcvt.s32.f32 v27;
	v32 =	vld [tilespmem:$0x4C0];
	(v2sf) =	vpush v27, $0x0  }
0x16d: {  	v38 =	vld [tilespmem:$0x440]  }
0x16e: {  	v39 =	vld [tilespmem:$0x3C0]  }
0x16f: {  	v40 =	vld [tilespmem:$0x3A0]  }
0x170: {  	v34 =	vld [tilespmem:$0x490]  }
0x171: {  	v31 =	vld [tilespmem:$0x380]  }
0x172: {  	v35 =	vld [tilespmem:$0x4F0]  }
0x173: {  	v24 =	vld [tilespmem:$0x3F0]  }
0x174: {  	v25 =	vld [tilespmem:$0x460]  }
0x175: {  	v26 =	vld [tilespmem:$0x3E0]  }
0x176: {  	v43 =	vld [tilespmem:$0x4B0]  }
0x177: {  	v36 =	vld [tilespmem:$0x390]  }
0x178: {  	v37 =	vld [tilespmem:$0x430]  }
0x179: {  	v41 =	vld [tilespmem:$0x3B0]  }
0x17a: {  	v42 =	vld [tilespmem:$0x4A0]  }
0x17b: {  	v44 =	vld [tilespmem:$0x410];
	s29 =	spop (v2sf)  }
0x17c: {  	s31 =	sshra.s32 s29, $0x1F;
	p1 =	slt.s32 s29, $0x1;
	s0 =	sand.u32 $0xF, s29;
	v45 =	vld [tilespmem:$0x400]  }
0x17d: {  	s31 =	sshrl.u32 s31, $0x1C;
	p2 =	sne.s32 s0, $0x0;
	v33 =	vld [tilespmem:$0x4E0]  }
0x17e: {  	s0 =	sadd.s32 s31, s29;
	p1 =	por !p1, !p2;
	v46 =	vld [tilespmem:$0x4D0];
	s29 =	sand.u32 $0x10, s30  }
0x17f: {  	s30 =	simm.s32 $0x1;
	s0 =	sshrl.u32 s0, $0x4;
	p1 =	por !p1, !p1;
	v47 =	vld [tilespmem:$0x450]  }
0x180: {  	s30 =	simm.s32 @!p1 $0x0;
	v30 =	vld [tilespmem:s29+$0x500]  }
0x181: {  	s0 =	ssub.s32 s0, s30;
	v48 =	vld [tilespmem:$0x420]  }
0x182: {  	s0 =	sshll.u32 s0, $0x4;
	v49 =	vld [tilespmem:$0x480]  }
0x183: {  	v51 =	vand.u32 $0xF, v22;
	v50 =	vld [tilespmem:s0+$0x480]  }
0x184: {  	vm1 =	veq.s32 v51, v6;
	v52 =	vld [tilespmem:s0+$0x380]  }
0x185: {  	v51 =	vld [tilespmem:s0+$0x400];
	v28 =	vsel vm1, v28, v30  }
0x186: {  	[tilespmem:s29+$0x500] =	vst v28;
	v53 =	vld [tilespmem:s29+$0x580]  }
0x187: {  	v27 =	vand.u32 $0xF, v27  }
0x188: {  	v50 =	vperm.xlane v50, v27;
	v54 =	vld [tilespmem:s29+$0x600]  }
0x189: {  	v28 =	vperm.xlane v52, v27  }
0x18a: {  	v30 =	vperm.xlane v51, v27;
	v49 =	vsub.f32 v49, v50;
	v51 =	vsub.f32 v33, v50  }
0x18b: {  	v33 =	vsub.f32 v46, v50;
	v27 =	vsub.f32 v35, v50;
	v35 =	vsel vm1, v28, v53  }
0x18c: {  	v46 =	vsub.f32 v31, v28;
	v45 =	vsub.f32 v45, v30;
	v31 =	vmul.f32 v51, v51;
	[tilespmem:s29+$0x580] =	vst v35  }
0x18d: {  	v32 =	vsub.f32 v32, v50;
	v35 =	vsub.f32 v48, v30;
	v48 =	vsel vm1, v30, v54  }
0x18e: {  	v42 =	vsub.f32 v42, v50;
	v44 =	vsub.f32 v44, v30;
	v45 =	vmul.f32 v45, v45;
	[tilespmem:s29+$0x600] =	vst v48  }
0x18f: {  	v51 =	vsub.f32 v37, v30;
	v32 =	vmul.f32 v32, v32;
	v48 =	vmul.f32 v35, v35  }
0x190: {  	v52 =	vsub.f32 v41, v28;
	v49 =	vmul.f32 v49, v49;
	v46 =	vmul.f32 v46, v46  }
0x191: {  	v37 =	vsub.f32 v36, v28;
	v35 =	vmul.f32 v42, v42;
	v36 =	vmul.f32 v51, v51  }
0x192: {  	v34 =	vsub.f32 v34, v50;
	v41 =	vadd.f32 v45, v46;
	v51 =	vld [tilespmem:s29+$0x680]  }
.Ltmp2:
0x193: {  	v22 =	vadd.s32 $0x1, v22;
	v38 =	vsub.f32 v38, v30;
	v45 =	vsub.f32 v40, v28;
	(pc) =	sbr.rel @p0 .LBB2_5-.Ltmp2, $4  }
0x194: {  	v29 =	vsub.f32 v29, v28;
	v40 =	vmul.f32 v44, v44;
	v42 =	vadd.f32 v49, v41  }
0x195: {  	v38 =	vmul.f32 v38, v38;
	v45 =	vmul.f32 v45, v45;
	v41 =	vsub.f32 v47, v30  }
0x196: {  	v44 =	vsub.f32 v43, v50;
	v43 =	vsub.f32 v39, v28;
	v39 =	vmul.f32 v29, v29  }
0x197: {  	v46 =	vmul.f32 v52, v52;
	v45 =	vadd.f32 v48, v45;
	v29 =	vsel vm1, v50, v51  }
0x198: {  	[tilespmem:s29+$0x680] =	vst v29  }
0x199: {  	[hbm4b:s6+s2] =	stream.linear.scatter [tilespmem:s18], [sflag:$0x1], $0x80, $0x38;
	[tilespmem:$0x700] =	vst v63  }
0x19a: {  	_ =	swait.ge [sflag:s17], $0x80  }
0x19b: {  	[sflag:s17] =	ssyncset.done $0x0  }
0x19c: {  	[sflag:s17] =	ssyncadd.s32 $0xFFFFFF80  }
0x19d: {  	[hbm4b:s7+s2] =	stream.linear.scatter [tilespmem:s19], [sflag:$0x1], $0x80, $0x38;
	[tilespmem:$0x700] =	vst v63  }
0x19e: {  	_ =	swait.ge [sflag:s17], $0x80  }
0x19f: {  	[sflag:s17] =	ssyncset.done $0x0  }
0x1a0: {  	[sflag:s17] =	ssyncadd.s32 $0xFFFFFF80  }
0x1a1: {  	[hbm4b:s8+s2] =	stream.linear.scatter [tilespmem:s20], [sflag:$0x1], $0x80, $0x38;
	[tilespmem:$0x700] =	vst v63  }
0x1a2: {  	_ =	swait.ge [sflag:s17], $0x80  }
0x1a3: {  	[sflag:s17] =	ssyncset.done $0x0  }
0x1a4: {  	[sflag:s17] =	ssyncadd.s32 $0xFFFFFF80  }
0x1a5: {  	[hbm4b:s9+s2] =	stream.linear.scatter [tilespmem:s21], [sflag:$0x1], $0x80, $0x38;
	[tilespmem:$0x700] =	vst v63  }
0x1a6: {  	_ =	swait.ge [sflag:s17], $0x80  }
0x1a7: {  	[sflag:s17] =	ssyncset.done $0x0  }
0x1a8: {  	[sflag:s17] =	ssyncadd.s32 $0xFFFFFF80  }
0x1a9: {  	[hbm4b:s10+s2] =	stream.linear.scatter [tilespmem:s22], [sflag:$0x1], $0x20, $0x38;
	[tilespmem:$0x700] =	vst v63  }
0x1aa: {  	_ =	swait.ge [sflag:s17], $0x20  }
0x1ab: {  	[sflag:s17] =	ssyncset.done $0x0  }
0x1ac: {  	[sflag:s17] =	ssyncadd.s32 $0xFFFFFFE0  }
0x1ad: {  	[hbm4b:s11+s2] =	stream.linear.scatter [tilespmem:s23], [sflag:$0x1], $0x20, $0x38;
	[tilespmem:$0x700] =	vst v63  }
0x1ae: {  	_ =	swait.ge [sflag:s17], $0x20  }
0x1af: {  	[sflag:s17] =	ssyncset.done $0x0  }
0x1b0: {  	[sflag:s17] =	ssyncadd.s32 $0xFFFFFFE0  }
0x1b1: {  	[hbm4b:s12+s2] =	stream.linear.scatter [tilespmem:s24], [sflag:$0x1], $0x20, $0x38;
	[tilespmem:$0x700] =	vst v63  }
0x1b2: {  	s26 =	sadd.s32 $0x1, s26;
	_ =	swait.ge [sflag:s17], $0x20  }
0x1b3: {  	p0 =	sne.s32 s26, s14;
	[sflag:s17] =	ssyncset.done $0x0  }
.Ltmp3:
0x1b4: {  	[sflag:s17] =	ssyncadd.s32 $0xFFFFFFE0;
	(pc) =	sbr.rel @p0 .LBB2_2-.Ltmp3, $4  }
0x1b5: {  	[hbm4b:s13+s2] =	stream.linear.scatter [tilespmem:s25], [sflag:$0x1], $0x20, $0x38;
	[tilespmem:$0x700] =	vst v63  }
0x1b6: {  	_ =	swait.ge [sflag:s17], $0x20  }
0x1b7: {  	[sflag:s17] =	ssyncset.done $0x0  }
0x1b8: {  	[sflag:s17] =	ssyncadd.s32 $0xFFFFFFE0  }
.LBB2_7:
0x1b9: {  	_ =	sfence.sel $0x180000  }
0x1ba: {  	[bflag:$0x0] =	sbarrier.arrive $0xFFFF  }
0x1bb: {  	_ =	strace $0x90000047  }
0x1bc: {  	[bflag:$0x2] =	sbarrier.arrive $0xFFFF  }
0x1bd: {  	p0 =	sne.s32 s1, $0x0;
	s0 =	rddreg [dreg:$0x2]  }
0x1be: {  	s0 =	sadd.s32 @!p0 $0x100000, s0  }
0x1bf: {  	[sflag:s0] =	ssyncadd.tile.s32 @!p0 $0x1;
	_ =	shalt  }
.Lfunc_end2:
_tile_overlayer_lowered:
.L_overlay_start_2:
0x1c0: {  	(tag) =	ssettag $0x2  }
0x1c1: {  	s0 =	rddreg [dreg:$0x0];
	s2 =	stileid.u32  }
0x1c2: {  	s1 =	rddreg [dreg:$0x1];
	p0 =	sne.s32 s2, $0x0  }
0x1c3: {  	s3 =	rddreg [dreg:$0x2];
	[bflag:$0x3] =	sbarrier.arrive $0xFFFF;
	s2 =	simm.s32 @!p0 $0x1C01  }
0x1c4: {  	[timem:s3], [sflag:s2] =	dma.local @!p0 [hbm:s0], s1  }
0x1c5: {  	s0 =	simm.s32 @!p0 $0x1  }
0x1c6: {  	_ =	swait.ge @!p0 [sflag:s0], s1  }
0x1c7: {  	s1 =	ssub.s32 @!p0 $0x0, s1;
	[sflag:s0] =	ssyncset.done @!p0 $0x0  }
0x1c8: {  	[sflag:s0] =	ssyncadd.s32 @!p0 s1  }
0x1c9: {  	[bflag:$0x3] =	sbarrier.arrive $0xFFFF  }
0x1ca: {  	_ =	shalt  }

</sc_bundles>
